<compile_context>
chip_gen: v7x
topology: tpu7x:2x2x1
jax: 0.10.2.dev20260603
libtpu: 0.0.44.dev20260713+nightly
codegen_flags: <defaults>
</compile_context>

<pallas_src>
import functools

import jax
import jax.numpy as jnp
from jax import lax
from jax.experimental import pallas as pl
from jax.experimental.pallas import tpu as pltpu
from jax.experimental.pallas import tpu_sc as plsc

N = 10000
E = 320000
D_IN = 128
D_HID = 8
N_CLASSES = 40

NC = 2
NS = 16
NW = NC * NS
L = 16

EPW = E // NW
CHUNK = 512
CPW = 20
FULLW = (EPW // CHUNK) * CHUNK
TAILW = EPW - FULLW
SLOTS = CPW * CHUNK
TW = 16
ACC_ROWS = 10112
DUMMY = N
ZROWS = ACC_ROWS // NS

Q = 2
GRID = 2
ROWS_BLK = ACC_ROWS // GRID
OUT_GRID = 2
OUT_BLK = N // OUT_GRID

_MESH = dict(core_axis_name="c", subcore_axis_name="s", num_cores=NC,
             num_subcores=NS)
_SC_PARAMS = pltpu.CompilerParams(use_tc_tiling_on_sc=False,
                                  needs_layout_passes=False)


def _stage_indices(edge_hbm, sidx_v, didx_v, wid):
  base = wid * EPW
  pltpu.sync_copy(edge_hbm.at[0, pl.ds(base, FULLW)],
                  sidx_v.at[pl.ds(0, FULLW)])
  pltpu.sync_copy(edge_hbm.at[0, pl.ds(base + FULLW, TAILW)],
                  sidx_v.at[pl.ds(FULLW, TAILW)])
  pltpu.sync_copy(edge_hbm.at[1, pl.ds(base, FULLW)],
                  didx_v.at[pl.ds(0, FULLW)])
  pltpu.sync_copy(edge_hbm.at[1, pl.ds(base + FULLW, TAILW)],
                  didx_v.at[pl.ds(FULLW, TAILW)])
  for k in range(EPW, SLOTS, L):
    sidx_v[pl.ds(k, L)] = jnp.zeros((L,), jnp.int32)
    didx_v[pl.ds(k, L)] = jnp.full((L,), DUMMY, jnp.int32)


def _edge_loop(sidx_v, didx_v, bufs, sems, tbl_sh, acc_sh):
  grp = (tuple(bufs[:Q]), tuple(bufs[Q:]))
  gsem = (sems[0], sems[1])
  ssem = (sems[2], sems[3])

  def islice(iv, j):
    return iv.at[pl.ds(pl.multiple_of(j * CHUNK, CHUNK), CHUNK)]

  def fire_gathers(g, jbase):
    for i in range(Q):
      jn = jnp.minimum(jbase + i, CPW - 1)
      pltpu.async_copy(tbl_sh.at[islice(sidx_v, jn)], grp[g][i], gsem[g])

  def drain_gathers(g):
    for i in range(Q):
      pltpu.make_async_copy(tbl_sh.at[islice(sidx_v, 0)], grp[g][i],
                            gsem[g]).wait()

  def fire_scatters(g, jbase):
    for i in range(Q):
      pltpu.async_copy(grp[g][i], acc_sh.at[islice(didx_v, jbase + i)],
                       ssem[g], add=True)

  def drain_scatters(g):
    for i in range(Q):
      pltpu.make_async_copy(grp[g][i], acc_sh.at[islice(didx_v, 0)],
                            ssem[g]).wait()

  fire_gathers(0, 0)

  def round_fn(r, carry):
    j0 = r * 2 * Q

    @pl.when(r > 0)
    def _():
      drain_scatters(1)
    fire_gathers(1, j0 + Q)
    drain_gathers(0)
    fire_scatters(0, j0)

    drain_scatters(0)
    fire_gathers(0, j0 + 2 * Q)
    drain_gathers(1)
    fire_scatters(1, j0 + Q)
    return carry

  lax.fori_loop(0, CPW // (2 * Q), round_fn, 0)
  drain_scatters(1)
  drain_gathers(0)


_IDX_SCRATCH = [pltpu.VMEM((SLOTS,), jnp.int32),
                pltpu.VMEM((SLOTS,), jnp.int32)]
_BUF_SCRATCH = [pltpu.VMEM((CHUNK, TW), jnp.float32) for _ in range(2 * Q)]
_SEM_SCRATCH = [pltpu.SemaphoreType.DMA for _ in range(4)]


@functools.cache
def _sc_layer1():

  @functools.partial(
      pl.kernel,
      out_type=jax.ShapeDtypeStruct((NC, ACC_ROWS, TW), jnp.float32),
      mesh=plsc.VectorSubcoreMesh(**_MESH),
      scratch_types=[
          *_IDX_SCRATCH, _BUF_SCRATCH,
          pltpu.VMEM_SHARED((ACC_ROWS, TW), jnp.float32),
          pltpu.VMEM_SHARED((ACC_ROWS, TW), jnp.float32),
          _SEM_SCRATCH,
      ],
      compiler_params=_SC_PARAMS,
  )
  def sc1(table_hbm, edge_hbm, zeros_hbm, out_hbm,
          sidx_v, didx_v, bufs, tbl_sh, acc_sh, sems):
    c = lax.axis_index("c")
    s = lax.axis_index("s")
    wid = s * NC + c
    stripe = pl.ds(s * ZROWS, ZROWS)
    pltpu.sync_copy(table_hbm.at[stripe], tbl_sh.at[stripe])
    pltpu.sync_copy(zeros_hbm.at[stripe], acc_sh.at[stripe])
    _stage_indices(edge_hbm, sidx_v, didx_v, wid)
    plsc.subcore_barrier()
    _edge_loop(sidx_v, didx_v, bufs, sems, tbl_sh, acc_sh)
    plsc.subcore_barrier()
    pltpu.sync_copy(acc_sh.at[stripe], out_hbm.at[c, stripe])

  return sc1


@functools.cache
def _sc_layer2():

  @functools.partial(
      pl.kernel,
      out_type=(jax.ShapeDtypeStruct((NC, ACC_ROWS, TW), jnp.float32),
                jax.ShapeDtypeStruct((ACC_ROWS, TW), jnp.float32)),
      mesh=plsc.VectorSubcoreMesh(**_MESH),
      scratch_types=[
          *_IDX_SCRATCH, _BUF_SCRATCH,
          pltpu.VMEM_SHARED((ACC_ROWS, TW), jnp.float32),
          pltpu.VMEM_SHARED((ACC_ROWS, TW), jnp.float32),
          _SEM_SCRATCH,
          pltpu.VMEM((ZROWS, TW), jnp.float32),
          pltpu.VMEM((ZROWS, TW), jnp.float32),
          pltpu.VMEM((ZROWS, TW), jnp.float32),
          pltpu.VMEM((ZROWS, TW), jnp.float32),
      ],
      compiler_params=_SC_PARAMS,
  )
  def sc2(parts1_hbm, q1_hbm, edge_hbm, zeros_hbm, out_hbm, t2_hbm,
          sidx_v, didx_v, bufs, tbl_sh, acc_sh, sems,
          ma_v, mb_v, mq_v, mt_v):
    c = lax.axis_index("c")
    s = lax.axis_index("s")
    wid = s * NC + c
    stripe = pl.ds(s * ZROWS, ZROWS)
    pltpu.sync_copy(zeros_hbm.at[stripe], acc_sh.at[stripe])
    _stage_indices(edge_hbm, sidx_v, didx_v, wid)
    pltpu.sync_copy(parts1_hbm.at[0, stripe], ma_v)
    pltpu.sync_copy(parts1_hbm.at[1, stripe], mb_v)
    pltpu.sync_copy(q1_hbm.at[stripe], mq_v)
    pltpu.sync_copy(zeros_hbm.at[stripe], mt_v)

    iota = lax.broadcasted_iota(jnp.int32, (L,), 0)

    def block_fn(blk, carry):
      ridx = jnp.minimum(blk * L + iota, ZROWS - 1)

      def col(ref, j):
        return plsc.load_gather(ref, [ridx, jnp.full((L,), j, jnp.int32)])

      deg = col(ma_v, D_HID) + col(mb_v, D_HID)
      rdeg = 1.0 / jnp.maximum(deg, 1.0)
      plsc.store_scatter(mt_v, [ridx, jnp.full((L,), D_HID, jnp.int32)],
                         rdeg)
      for j in range(D_HID):
        agg = (col(ma_v, j) + col(mb_v, j)) * rdeg
        h1 = jnp.maximum(agg + col(mq_v, j), 0.0)
        plsc.store_scatter(mt_v, [ridx, jnp.full((L,), j, jnp.int32)], h1)
      return carry

    lax.fori_loop(0, (ZROWS + L - 1) // L, block_fn, 0)
    pltpu.sync_copy(mt_v, tbl_sh.at[stripe])

    @pl.when(c == 0)
    def _():
      pltpu.sync_copy(mt_v, t2_hbm.at[stripe])

    plsc.subcore_barrier()
    _edge_loop(sidx_v, didx_v, bufs, sems, tbl_sh, acc_sh)
    plsc.subcore_barrier()
    pltpu.sync_copy(acc_sh.at[stripe], out_hbm.at[c, stripe])

  return sc2


def _l1_body(x_ref, wl_ref, wr_ref, b_ref, t_ref, q_ref):
  w = jnp.concatenate([wl_ref[...], wr_ref[...]], axis=1)
  h = jnp.dot(x_ref[...], w, preferred_element_type=jnp.float32,
              precision=lax.Precision.HIGHEST)
  ones = jnp.ones((ROWS_BLK, 1), jnp.float32)
  zeros7 = jnp.zeros((ROWS_BLK, TW - D_HID - 1), jnp.float32)
  t_ref[...] = jnp.concatenate([h[:, 0:D_HID], ones, zeros7], axis=1)
  zeros8 = jnp.zeros((ROWS_BLK, TW - D_HID), jnp.float32)
  q_ref[...] = jnp.concatenate(
      [h[:, D_HID:2 * D_HID] + b_ref[...], zeros8], axis=1)


def _out_body(parts_ref, t2_ref, w2l_ref, w2r_ref, b2_ref, o_ref):
  ssum = parts_ref[0] + parts_ref[1]
  rdeg = t2_ref[:, D_HID:D_HID + 1]
  h1 = t2_ref[:, 0:D_HID]
  agg2 = ssum[:, 0:D_HID] * rdeg
  logits = (jnp.dot(agg2, w2l_ref[...], preferred_element_type=jnp.float32,
                    precision=lax.Precision.HIGHEST)
            + jnp.dot(h1, w2r_ref[...], preferred_element_type=jnp.float32,
                      precision=lax.Precision.HIGHEST)
            + b2_ref[...])
  m = jnp.max(logits, axis=1, keepdims=True)
  z = logits - m
  lse = jnp.log(jnp.sum(jnp.exp(z), axis=1, keepdims=True))
  o_ref[...] = z - lse


_row_spec = lambda blk, w: pl.BlockSpec((blk, w), lambda i: (i, 0))
_full_spec = lambda r, w: pl.BlockSpec((r, w), lambda i: (0, 0))

_l1_call = pl.pallas_call(
    _l1_body,
    grid=(GRID,),
    in_specs=[_row_spec(ROWS_BLK, D_IN), _full_spec(D_IN, D_HID),
              _full_spec(D_IN, D_HID), _full_spec(1, D_HID)],
    out_specs=[_row_spec(ROWS_BLK, TW), _row_spec(ROWS_BLK, TW)],
    out_shape=[jax.ShapeDtypeStruct((ACC_ROWS, TW), jnp.float32),
               jax.ShapeDtypeStruct((ACC_ROWS, TW), jnp.float32)],
)

_parts_spec = lambda blk: pl.BlockSpec((NC, blk, TW), lambda i: (0, i, 0))

_out_call = pl.pallas_call(
    _out_body,
    grid=(OUT_GRID,),
    in_specs=[_parts_spec(OUT_BLK), _row_spec(OUT_BLK, TW),
              _full_spec(D_HID, N_CLASSES), _full_spec(D_HID, N_CLASSES),
              _full_spec(1, N_CLASSES)],
    out_specs=_row_spec(OUT_BLK, N_CLASSES),
    out_shape=jax.ShapeDtypeStruct((N, N_CLASSES), jnp.float32),
)


def kernel(x, edge_index, W1l, W1r, b1, W2l, W2r, b2):
  edges = edge_index.astype(jnp.int32)
  zeros_acc = jnp.zeros((ACC_ROWS, TW), jnp.float32)
  t1, q1 = _l1_call(x, W1l, W1r, b1.reshape(1, D_HID))
  parts1 = _sc_layer1()(t1, edges, zeros_acc)
  parts2, t2 = _sc_layer2()(parts1, q1, edges, zeros_acc)
  return _out_call(parts2, t2, W2l, W2r, b2.reshape(1, N_CLASSES))

# --- scband reference (transcript-rebuilt; emitter-appended) ---
"""Pipeline reference for scband-graph-sage-35974646071505 (READ-ONLY COPY).

The authoritative reference and input builder live on the scoring server;
editing this copy changes nothing except your own understanding.
"""

import jax, jax.numpy as jnp
import numpy as np

N_NODES = 10000
N_EDGES = 320000
D_IN = 128
D_HID = 8
N_CLASSES = 40


def setup_inputs(seed: int = 0) -> dict:
    key = jax.random.key(seed)
    k = jax.random.split(key, 9)
    x = jax.random.normal(k[0], (N_NODES, D_IN), dtype=jnp.float32)
    edge_index = jax.random.randint(k[1], (2, N_EDGES), 0, N_NODES, dtype=jnp.int64 if jax.config.jax_enable_x64 else jnp.int32)
    W1l = jax.random.normal(k[2], (D_IN, D_HID), dtype=jnp.float32) * 0.1
    W1r = jax.random.normal(k[3], (D_IN, D_HID), dtype=jnp.float32) * 0.1
    b1 = jnp.zeros((D_HID,), dtype=jnp.float32)
    W2l = jax.random.normal(k[4], (D_HID, N_CLASSES), dtype=jnp.float32) * 0.1
    W2r = jax.random.normal(k[5], (D_HID, N_CLASSES), dtype=jnp.float32) * 0.1
    b2 = jnp.zeros((N_CLASSES,), dtype=jnp.float32)
    return {"x": x, "edge_index": edge_index, "W1l": W1l, "W1r": W1r, "b1": b1, "W2l": W2l, "W2r": W2r, "b2": b2}


def _sage_conv(h, src, dst, n_nodes, Wl, Wr, b):
    # PyG SAGEConv with mean aggregation:
    # out = lin_l(mean_{j in N(i)} x_j) + lin_r(x_i)
    msg = h[src]  # gather x_j (SparseCore gather)
    agg_sum = jax.ops.segment_sum(msg, dst, num_segments=n_nodes)  # scatter-add
    deg = jax.ops.segment_sum(jnp.ones((src.shape[0],), dtype=h.dtype), dst, num_segments=n_nodes)
    agg = agg_sum / jnp.maximum(deg, 1.0)[:, None]
    return agg @ Wl + b + h @ Wr


def reference(x, edge_index, W1l, W1r, b1, W2l, W2r, b2):
    src = edge_index[0]
    dst = edge_index[1]
    n = x.shape[0]
    # num_layers = 2 -> layers = [SAGEConv(128, 8), SAGEConv(8, 40)]
    h = _sage_conv(x, src, dst, n, W1l, W1r, b1)
    h = jax.nn.relu(h)
    h = _sage_conv(h, src, dst, n, W2l, W2r, b2)
    return jax.nn.log_softmax(h, axis=1)

if __name__ == "__main__":
    import jax
    _d = setup_inputs()
    print(jax.jit(kernel)(*tuple(_d.values())))

</pallas_src>

<mosaic_0001>
#map = affine_map<(d0, d1) -> (0, 0)>
#map1 = affine_map<(d0, d1) -> (0, 0, 0)>
module attributes {stable_mosaic.version = 14 : i64} {
  func.func @sc1(%arg0: i32, %arg1: i32, %arg2: memref<10112x16xf32, #tpu.memory_space<hbm>>, %arg3: memref<2x320000xi32, #tpu.memory_space<hbm>>, %arg4: memref<10112x16xf32, #tpu.memory_space<hbm>>, %arg5: memref<2x10112x16xf32, #tpu.memory_space<hbm>>, %arg6: memref<10240xi32, #tpu.memory_space<vmem>>, %arg7: memref<10240xi32, #tpu.memory_space<vmem>>, %arg8: memref<512x16xf32, #tpu.memory_space<vmem>>, %arg9: memref<512x16xf32, #tpu.memory_space<vmem>>, %arg10: memref<512x16xf32, #tpu.memory_space<vmem>>, %arg11: memref<512x16xf32, #tpu.memory_space<vmem>>, %arg12: memref<10112x16xf32, #tpu.memory_space<vmem_shared>>, %arg13: memref<10112x16xf32, #tpu.memory_space<vmem_shared>>, %arg14: memref<!tpu.dma_semaphore, #tpu.memory_space<semaphore_mem>>, %arg15: memref<!tpu.dma_semaphore, #tpu.memory_space<semaphore_mem>>, %arg16: memref<!tpu.dma_semaphore, #tpu.memory_space<semaphore_mem>>, %arg17: memref<!tpu.dma_semaphore, #tpu.memory_space<semaphore_mem>>) attributes {dimension_semantics = [#tpu.dimension_semantics<core_parallel>, #tpu.dimension_semantics<subcore_parallel>], iteration_bounds = array<i64: 2, 16>, scalar_prefetch = 0 : i64, scratch_operands = 12 : i64, tpu.core_type = #tpu.core_type<sc_vector_subcore>, window_params = [{transform_indices = #map}, {transform_indices = #map}, {transform_indices = #map}, {transform_indices = #map1}]} {
    %mul3A = arith.constant 2 : i32
    %mul3A_0 = arith.muli %arg1, %mul3A : i32
    %add3A = arith.addi %mul3A_0, %arg0 : i32
    %mul3A_1 = arith.constant 632 : i32
    %mul3A_2 = arith.muli %arg1, %mul3A_1 : i32
    "tpu.region"() ({
      %run_scoped3A_176 = tpu.sem_alloc : memref<!tpu.dma_semaphore, #tpu.memory_space<semaphore_mem>>
      %dma_start3A_177 = arith.constant 0 : i32
      %dma_start3A_178 = tpu.memref_slice %arg12[%mul3A_2, %dma_start3A_177] : memref<10112x16xf32, #tpu.memory_space<vmem_shared>> -> memref<632x16xf32, #tpu.memory_space<vmem_shared>>
      %dma_start3A_179 = arith.constant 0 : i32
      %dma_start3A_180 = tpu.memref_slice %arg2[%mul3A_2, %dma_start3A_179] : memref<10112x16xf32, #tpu.memory_space<hbm>> -> memref<632x16xf32, #tpu.memory_space<hbm>>
      tpu.enqueue_dma source(%dma_start3A_180 : memref<632x16xf32, #tpu.memory_space<hbm>>) target(%dma_start3A_178 : memref<632x16xf32, #tpu.memory_space<vmem_shared>>) target_semaphore(%run_scoped3A_176 : memref<!tpu.dma_semaphore, #tpu.memory_space<semaphore_mem>>)
      %dma_wait3A_181 = arith.constant 0 : i32
      %dma_wait3A_182 = tpu.memref_slice %arg12[%mul3A_2, %dma_wait3A_181] : memref<10112x16xf32, #tpu.memory_space<vmem_shared>> -> memref<632x16xf32, #tpu.memory_space<vmem_shared>>
      %dma_wait3A_183 = arith.constant 0 : i32
      %dma_wait3A_184 = tpu.memref_slice %arg2[%mul3A_2, %dma_wait3A_183] : memref<10112x16xf32, #tpu.memory_space<hbm>> -> memref<632x16xf32, #tpu.memory_space<hbm>>
      tpu.wait_dma2 semaphore(%run_scoped3A_176 : memref<!tpu.dma_semaphore, #tpu.memory_space<semaphore_mem>>) src(%dma_wait3A_184 : memref<632x16xf32, #tpu.memory_space<hbm>>) dst(%dma_wait3A_182 : memref<632x16xf32, #tpu.memory_space<vmem_shared>>)
      tpu.yield
    }) : () -> ()
    "tpu.region"() ({
      %run_scoped3A_176 = tpu.sem_alloc : memref<!tpu.dma_semaphore, #tpu.memory_space<semaphore_mem>>
      %dma_start3A_177 = arith.constant 0 : i32
      %dma_start3A_178 = tpu.memref_slice %arg13[%mul3A_2, %dma_start3A_177] : memref<10112x16xf32, #tpu.memory_space<vmem_shared>> -> memref<632x16xf32, #tpu.memory_space<vmem_shared>>
      %dma_start3A_179 = arith.constant 0 : i32
      %dma_start3A_180 = tpu.memref_slice %arg4[%mul3A_2, %dma_start3A_179] : memref<10112x16xf32, #tpu.memory_space<hbm>> -> memref<632x16xf32, #tpu.memory_space<hbm>>
      tpu.enqueue_dma source(%dma_start3A_180 : memref<632x16xf32, #tpu.memory_space<hbm>>) target(%dma_start3A_178 : memref<632x16xf32, #tpu.memory_space<vmem_shared>>) target_semaphore(%run_scoped3A_176 : memref<!tpu.dma_semaphore, #tpu.memory_space<semaphore_mem>>)
      %dma_wait3A_181 = arith.constant 0 : i32
      %dma_wait3A_182 = tpu.memref_slice %arg13[%mul3A_2, %dma_wait3A_181] : memref<10112x16xf32, #tpu.memory_space<vmem_shared>> -> memref<632x16xf32, #tpu.memory_space<vmem_shared>>
      %dma_wait3A_183 = arith.constant 0 : i32
      %dma_wait3A_184 = tpu.memref_slice %arg4[%mul3A_2, %dma_wait3A_183] : memref<10112x16xf32, #tpu.memory_space<hbm>> -> memref<632x16xf32, #tpu.memory_space<hbm>>
      tpu.wait_dma2 semaphore(%run_scoped3A_176 : memref<!tpu.dma_semaphore, #tpu.memory_space<semaphore_mem>>) src(%dma_wait3A_184 : memref<632x16xf32, #tpu.memory_space<hbm>>) dst(%dma_wait3A_182 : memref<632x16xf32, #tpu.memory_space<vmem_shared>>)
      tpu.yield
    }) : () -> ()
    %mul3A_3 = arith.constant 10000 : i32
    %mul3A_4 = arith.muli %add3A, %mul3A_3 : i32
    %run_scoped3A = arith.constant 0 : i32
    "tpu.region"() ({
      %run_scoped3A_176 = tpu.sem_alloc : memref<!tpu.dma_semaphore, #tpu.memory_space<semaphore_mem>>
      %dma_start3A_177 = arith.constant 0 : i32
      %dma_start3A_178 = tpu.memref_slice %arg6[%dma_start3A_177] : memref<10240xi32, #tpu.memory_space<vmem>> -> memref<9728xi32, #tpu.memory_space<vmem>>
      %dma_start3A_179 = tpu.memref_slice %arg3[%run_scoped3A, %mul3A_4] : memref<2x320000xi32, #tpu.memory_space<hbm>> -> memref<1x9728xi32, #tpu.memory_space<hbm>>
      %dma_start3A_180 = tpu.memref_squeeze %dma_start3A_179 : memref<1x9728xi32, #tpu.memory_space<hbm>> -> memref<9728xi32, #tpu.memory_space<hbm>>
      %dma_start3A_181 = arith.constant 0 : i32
      %dma_start3A_182 = tpu.memref_slice %arg6[%dma_start3A_181] : memref<10240xi32, #tpu.memory_space<vmem>> -> memref<9728xi32, #tpu.memory_space<vmem>>
      %dma_start3A_183 = tpu.memref_slice %arg3[%run_scoped3A, %mul3A_4] : memref<2x320000xi32, #tpu.memory_space<hbm>> -> memref<1x9728xi32, #tpu.memory_space<hbm>>
      %dma_start3A_184 = tpu.memref_squeeze %dma_start3A_183 : memref<1x9728xi32, #tpu.memory_space<hbm>> -> memref<9728xi32, #tpu.memory_space<hbm>>
      tpu.enqueue_dma source(%dma_start3A_184 : memref<9728xi32, #tpu.memory_space<hbm>>) target(%dma_start3A_182 : memref<9728xi32, #tpu.memory_space<vmem>>) target_semaphore(%run_scoped3A_176 : memref<!tpu.dma_semaphore, #tpu.memory_space<semaphore_mem>>)
      %dma_wait3A_185 = arith.constant 0 : i32
      %dma_wait3A_186 = tpu.memref_slice %arg6[%dma_wait3A_185] : memref<10240xi32, #tpu.memory_space<vmem>> -> memref<9728xi32, #tpu.memory_space<vmem>>
      %dma_wait3A_187 = tpu.memref_slice %arg3[%run_scoped3A, %mul3A_4] : memref<2x320000xi32, #tpu.memory_space<hbm>> -> memref<1x9728xi32, #tpu.memory_space<hbm>>
      %dma_wait3A_188 = tpu.memref_squeeze %dma_wait3A_187 : memref<1x9728xi32, #tpu.memory_space<hbm>> -> memref<9728xi32, #tpu.memory_space<hbm>>
      %dma_wait3A_189 = arith.constant 0 : i32
      %dma_wait3A_190 = tpu.memref_slice %arg6[%dma_wait3A_189] : memref<10240xi32, #tpu.memory_space<vmem>> -> memref<9728xi32, #tpu.memory_space<vmem>>
      %dma_wait3A_191 = tpu.memref_slice %arg3[%run_scoped3A, %mul3A_4] : memref<2x320000xi32, #tpu.memory_space<hbm>> -> memref<1x9728xi32, #tpu.memory_space<hbm>>
      %dma_wait3A_192 = tpu.memref_squeeze %dma_wait3A_191 : memref<1x9728xi32, #tpu.memory_space<hbm>> -> memref<9728xi32, #tpu.memory_space<hbm>>
      tpu.wait_dma2 semaphore(%run_scoped3A_176 : memref<!tpu.dma_semaphore, #tpu.memory_space<semaphore_mem>>) src(%dma_wait3A_192 : memref<9728xi32, #tpu.memory_space<hbm>>) dst(%dma_wait3A_190 : memref<9728xi32, #tpu.memory_space<vmem>>)
      tpu.yield
    }) : () -> ()
    %add3A_5 = arith.constant 9728 : i32
    %add3A_6 = arith.addi %mul3A_4, %add3A_5 : i32
    %run_scoped3A_7 = arith.constant 0 : i32
    "tpu.region"() ({
      %run_scoped3A_176 = tpu.sem_alloc : memref<!tpu.dma_semaphore, #tpu.memory_space<semaphore_mem>>
      %dma_start3A_177 = arith.constant 9728 : i32
      %dma_start3A_178 = tpu.memref_slice %arg6[%dma_start3A_177] : memref<10240xi32, #tpu.memory_space<vmem>> -> memref<272xi32, #tpu.memory_space<vmem>>
      %dma_start3A_179 = tpu.memref_slice %arg3[%run_scoped3A_7, %add3A_6] : memref<2x320000xi32, #tpu.memory_space<hbm>> -> memref<1x272xi32, #tpu.memory_space<hbm>>
      %dma_start3A_180 = tpu.memref_squeeze %dma_start3A_179 : memref<1x272xi32, #tpu.memory_space<hbm>> -> memref<272xi32, #tpu.memory_space<hbm>>
      %dma_start3A_181 = arith.constant 9728 : i32
      %dma_start3A_182 = tpu.memref_slice %arg6[%dma_start3A_181] : memref<10240xi32, #tpu.memory_space<vmem>> -> memref<272xi32, #tpu.memory_space<vmem>>
      %dma_start3A_183 = tpu.memref_slice %arg3[%run_scoped3A_7, %add3A_6] : memref<2x320000xi32, #tpu.memory_space<hbm>> -> memref<1x272xi32, #tpu.memory_space<hbm>>
      %dma_start3A_184 = tpu.memref_squeeze %dma_start3A_183 : memref<1x272xi32, #tpu.memory_space<hbm>> -> memref<272xi32, #tpu.memory_space<hbm>>
      tpu.enqueue_dma source(%dma_start3A_184 : memref<272xi32, #tpu.memory_space<hbm>>) target(%dma_start3A_182 : memref<272xi32, #tpu.memory_space<vmem>>) target_semaphore(%run_scoped3A_176 : memref<!tpu.dma_semaphore, #tpu.memory_space<semaphore_mem>>)
      %dma_wait3A_185 = arith.constant 9728 : i32
      %dma_wait3A_186 = tpu.memref_slice %arg6[%dma_wait3A_185] : memref<10240xi32, #tpu.memory_space<vmem>> -> memref<272xi32, #tpu.memory_space<vmem>>
      %dma_wait3A_187 = tpu.memref_slice %arg3[%run_scoped3A_7, %add3A_6] : memref<2x320000xi32, #tpu.memory_space<hbm>> -> memref<1x272xi32, #tpu.memory_space<hbm>>
      %dma_wait3A_188 = tpu.memref_squeeze %dma_wait3A_187 : memref<1x272xi32, #tpu.memory_space<hbm>> -> memref<272xi32, #tpu.memory_space<hbm>>
      %dma_wait3A_189 = arith.constant 9728 : i32
      %dma_wait3A_190 = tpu.memref_slice %arg6[%dma_wait3A_189] : memref<10240xi32, #tpu.memory_space<vmem>> -> memref<272xi32, #tpu.memory_space<vmem>>
      %dma_wait3A_191 = tpu.memref_slice %arg3[%run_scoped3A_7, %add3A_6] : memref<2x320000xi32, #tpu.memory_space<hbm>> -> memref<1x272xi32, #tpu.memory_space<hbm>>
      %dma_wait3A_192 = tpu.memref_squeeze %dma_wait3A_191 : memref<1x272xi32, #tpu.memory_space<hbm>> -> memref<272xi32, #tpu.memory_space<hbm>>
      tpu.wait_dma2 semaphore(%run_scoped3A_176 : memref<!tpu.dma_semaphore, #tpu.memory_space<semaphore_mem>>) src(%dma_wait3A_192 : memref<272xi32, #tpu.memory_space<hbm>>) dst(%dma_wait3A_190 : memref<272xi32, #tpu.memory_space<vmem>>)
      tpu.yield
    }) : () -> ()
    %run_scoped3A_8 = arith.constant 1 : i32
    "tpu.region"() ({
      %run_scoped3A_176 = tpu.sem_alloc : memref<!tpu.dma_semaphore, #tpu.memory_space<semaphore_mem>>
      %dma_start3A_177 = arith.constant 0 : i32
      %dma_start3A_178 = tpu.memref_slice %arg7[%dma_start3A_177] : memref<10240xi32, #tpu.memory_space<vmem>> -> memref<9728xi32, #tpu.memory_space<vmem>>
      %dma_start3A_179 = tpu.memref_slice %arg3[%run_scoped3A_8, %mul3A_4] : memref<2x320000xi32, #tpu.memory_space<hbm>> -> memref<1x9728xi32, #tpu.memory_space<hbm>>
      %dma_start3A_180 = tpu.memref_squeeze %dma_start3A_179 : memref<1x9728xi32, #tpu.memory_space<hbm>> -> memref<9728xi32, #tpu.memory_space<hbm>>
      %dma_start3A_181 = arith.constant 0 : i32
      %dma_start3A_182 = tpu.memref_slice %arg7[%dma_start3A_181] : memref<10240xi32, #tpu.memory_space<vmem>> -> memref<9728xi32, #tpu.memory_space<vmem>>
      %dma_start3A_183 = tpu.memref_slice %arg3[%run_scoped3A_8, %mul3A_4] : memref<2x320000xi32, #tpu.memory_space<hbm>> -> memref<1x9728xi32, #tpu.memory_space<hbm>>
      %dma_start3A_184 = tpu.memref_squeeze %dma_start3A_183 : memref<1x9728xi32, #tpu.memory_space<hbm>> -> memref<9728xi32, #tpu.memory_space<hbm>>
      tpu.enqueue_dma source(%dma_start3A_184 : memref<9728xi32, #tpu.memory_space<hbm>>) target(%dma_start3A_182 : memref<9728xi32, #tpu.memory_space<vmem>>) target_semaphore(%run_scoped3A_176 : memref<!tpu.dma_semaphore, #tpu.memory_space<semaphore_mem>>)
      %dma_wait3A_185 = arith.constant 0 : i32
      %dma_wait3A_186 = tpu.memref_slice %arg7[%dma_wait3A_185] : memref<10240xi32, #tpu.memory_space<vmem>> -> memref<9728xi32, #tpu.memory_space<vmem>>
      %dma_wait3A_187 = tpu.memref_slice %arg3[%run_scoped3A_8, %mul3A_4] : memref<2x320000xi32, #tpu.memory_space<hbm>> -> memref<1x9728xi32, #tpu.memory_space<hbm>>
      %dma_wait3A_188 = tpu.memref_squeeze %dma_wait3A_187 : memref<1x9728xi32, #tpu.memory_space<hbm>> -> memref<9728xi32, #tpu.memory_space<hbm>>
      %dma_wait3A_189 = arith.constant 0 : i32
      %dma_wait3A_190 = tpu.memref_slice %arg7[%dma_wait3A_189] : memref<10240xi32, #tpu.memory_space<vmem>> -> memref<9728xi32, #tpu.memory_space<vmem>>
      %dma_wait3A_191 = tpu.memref_slice %arg3[%run_scoped3A_8, %mul3A_4] : memref<2x320000xi32, #tpu.memory_space<hbm>> -> memref<1x9728xi32, #tpu.memory_space<hbm>>
      %dma_wait3A_192 = tpu.memref_squeeze %dma_wait3A_191 : memref<1x9728xi32, #tpu.memory_space<hbm>> -> memref<9728xi32, #tpu.memory_space<hbm>>
      tpu.wait_dma2 semaphore(%run_scoped3A_176 : memref<!tpu.dma_semaphore, #tpu.memory_space<semaphore_mem>>) src(%dma_wait3A_192 : memref<9728xi32, #tpu.memory_space<hbm>>) dst(%dma_wait3A_190 : memref<9728xi32, #tpu.memory_space<vmem>>)
      tpu.yield
    }) : () -> ()
    %add3A_9 = arith.constant 9728 : i32
    %add3A_10 = arith.addi %mul3A_4, %add3A_9 : i32
    %run_scoped3A_11 = arith.constant 1 : i32
    "tpu.region"() ({
      %run_scoped3A_176 = tpu.sem_alloc : memref<!tpu.dma_semaphore, #tpu.memory_space<semaphore_mem>>
      %dma_start3A_177 = arith.constant 9728 : i32
      %dma_start3A_178 = tpu.memref_slice %arg7[%dma_start3A_177] : memref<10240xi32, #tpu.memory_space<vmem>> -> memref<272xi32, #tpu.memory_space<vmem>>
      %dma_start3A_179 = tpu.memref_slice %arg3[%run_scoped3A_11, %add3A_10] : memref<2x320000xi32, #tpu.memory_space<hbm>> -> memref<1x272xi32, #tpu.memory_space<hbm>>
      %dma_start3A_180 = tpu.memref_squeeze %dma_start3A_179 : memref<1x272xi32, #tpu.memory_space<hbm>> -> memref<272xi32, #tpu.memory_space<hbm>>
      %dma_start3A_181 = arith.constant 9728 : i32
      %dma_start3A_182 = tpu.memref_slice %arg7[%dma_start3A_181] : memref<10240xi32, #tpu.memory_space<vmem>> -> memref<272xi32, #tpu.memory_space<vmem>>
      %dma_start3A_183 = tpu.memref_slice %arg3[%run_scoped3A_11, %add3A_10] : memref<2x320000xi32, #tpu.memory_space<hbm>> -> memref<1x272xi32, #tpu.memory_space<hbm>>
      %dma_start3A_184 = tpu.memref_squeeze %dma_start3A_183 : memref<1x272xi32, #tpu.memory_space<hbm>> -> memref<272xi32, #tpu.memory_space<hbm>>
      tpu.enqueue_dma source(%dma_start3A_184 : memref<272xi32, #tpu.memory_space<hbm>>) target(%dma_start3A_182 : memref<272xi32, #tpu.memory_space<vmem>>) target_semaphore(%run_scoped3A_176 : memref<!tpu.dma_semaphore, #tpu.memory_space<semaphore_mem>>)
      %dma_wait3A_185 = arith.constant 9728 : i32
      %dma_wait3A_186 = tpu.memref_slice %arg7[%dma_wait3A_185] : memref<10240xi32, #tpu.memory_space<vmem>> -> memref<272xi32, #tpu.memory_space<vmem>>
      %dma_wait3A_187 = tpu.memref_slice %arg3[%run_scoped3A_11, %add3A_10] : memref<2x320000xi32, #tpu.memory_space<hbm>> -> memref<1x272xi32, #tpu.memory_space<hbm>>
      %dma_wait3A_188 = tpu.memref_squeeze %dma_wait3A_187 : memref<1x272xi32, #tpu.memory_space<hbm>> -> memref<272xi32, #tpu.memory_space<hbm>>
      %dma_wait3A_189 = arith.constant 9728 : i32
      %dma_wait3A_190 = tpu.memref_slice %arg7[%dma_wait3A_189] : memref<10240xi32, #tpu.memory_space<vmem>> -> memref<272xi32, #tpu.memory_space<vmem>>
      %dma_wait3A_191 = tpu.memref_slice %arg3[%run_scoped3A_11, %add3A_10] : memref<2x320000xi32, #tpu.memory_space<hbm>> -> memref<1x272xi32, #tpu.memory_space<hbm>>
      %dma_wait3A_192 = tpu.memref_squeeze %dma_wait3A_191 : memref<1x272xi32, #tpu.memory_space<hbm>> -> memref<272xi32, #tpu.memory_space<hbm>>
      tpu.wait_dma2 semaphore(%run_scoped3A_176 : memref<!tpu.dma_semaphore, #tpu.memory_space<semaphore_mem>>) src(%dma_wait3A_192 : memref<272xi32, #tpu.memory_space<hbm>>) dst(%dma_wait3A_190 : memref<272xi32, #tpu.memory_space<vmem>>)
      tpu.yield
    }) : () -> ()
    %broadcast_in_dim3A = arith.constant 0 : i32
    %broadcast_in_dim3A_12 = vector.broadcast %broadcast_in_dim3A : i32 to vector<16xi32>
    %swap3A = arith.constant 10000 : index
    %swap3A_13 = tpu.vector_load %arg6[%swap3A] {strides = array<i32>} : memref<10240xi32, #tpu.memory_space<vmem>>, vector<16xi32>,
    tpu.vector_store %arg6[%swap3A], %broadcast_in_dim3A_12 {strides = array<i32>} : memref<10240xi32, #tpu.memory_space<vmem>>, vector<16xi32>,
    %broadcast_in_dim3A_14 = arith.constant 10000 : i32
    %broadcast_in_dim3A_15 = vector.broadcast %broadcast_in_dim3A_14 : i32 to vector<16xi32>
    %swap3A_16 = arith.constant 10000 : index
    %swap3A_17 = tpu.vector_load %arg7[%swap3A_16] {strides = array<i32>} : memref<10240xi32, #tpu.memory_space<vmem>>, vector<16xi32>,
    tpu.vector_store %arg7[%swap3A_16], %broadcast_in_dim3A_15 {strides = array<i32>} : memref<10240xi32, #tpu.memory_space<vmem>>, vector<16xi32>,
    %broadcast_in_dim3A_18 = arith.constant 0 : i32
    %broadcast_in_dim3A_19 = vector.broadcast %broadcast_in_dim3A_18 : i32 to vector<16xi32>
    %swap3A_20 = arith.constant 10016 : index
    %swap3A_21 = tpu.vector_load %arg6[%swap3A_20] {strides = array<i32>} : memref<10240xi32, #tpu.memory_space<vmem>>, vector<16xi32>,
    tpu.vector_store %arg6[%swap3A_20], %broadcast_in_dim3A_19 {strides = array<i32>} : memref<10240xi32, #tpu.memory_space<vmem>>, vector<16xi32>,
    %broadcast_in_dim3A_22 = arith.constant 10000 : i32
    %broadcast_in_dim3A_23 = vector.broadcast %broadcast_in_dim3A_22 : i32 to vector<16xi32>
    %swap3A_24 = arith.constant 10016 : index
    %swap3A_25 = tpu.vector_load %arg7[%swap3A_24] {strides = array<i32>} : memref<10240xi32, #tpu.memory_space<vmem>>, vector<16xi32>,
    tpu.vector_store %arg7[%swap3A_24], %broadcast_in_dim3A_23 {strides = array<i32>} : memref<10240xi32, #tpu.memory_space<vmem>>, vector<16xi32>,
    %broadcast_in_dim3A_26 = arith.constant 0 : i32
    %broadcast_in_dim3A_27 = vector.broadcast %broadcast_in_dim3A_26 : i32 to vector<16xi32>
    %swap3A_28 = arith.constant 10032 : index
    %swap3A_29 = tpu.vector_load %arg6[%swap3A_28] {strides = array<i32>} : memref<10240xi32, #tpu.memory_space<vmem>>, vector<16xi32>,
    tpu.vector_store %arg6[%swap3A_28], %broadcast_in_dim3A_27 {strides = array<i32>} : memref<10240xi32, #tpu.memory_space<vmem>>, vector<16xi32>,
    %broadcast_in_dim3A_30 = arith.constant 10000 : i32
    %broadcast_in_dim3A_31 = vector.broadcast %broadcast_in_dim3A_30 : i32 to vector<16xi32>
    %swap3A_32 = arith.constant 10032 : index
    %swap3A_33 = tpu.vector_load %arg7[%swap3A_32] {strides = array<i32>} : memref<10240xi32, #tpu.memory_space<vmem>>, vector<16xi32>,
    tpu.vector_store %arg7[%swap3A_32], %broadcast_in_dim3A_31 {strides = array<i32>} : memref<10240xi32, #tpu.memory_space<vmem>>, vector<16xi32>,
    %broadcast_in_dim3A_34 = arith.constant 0 : i32
    %broadcast_in_dim3A_35 = vector.broadcast %broadcast_in_dim3A_34 : i32 to vector<16xi32>
    %swap3A_36 = arith.constant 10048 : index
    %swap3A_37 = tpu.vector_load %arg6[%swap3A_36] {strides = array<i32>} : memref<10240xi32, #tpu.memory_space<vmem>>, vector<16xi32>,
    tpu.vector_store %arg6[%swap3A_36], %broadcast_in_dim3A_35 {strides = array<i32>} : memref<10240xi32, #tpu.memory_space<vmem>>, vector<16xi32>,
    %broadcast_in_dim3A_38 = arith.constant 10000 : i32
    %broadcast_in_dim3A_39 = vector.broadcast %broadcast_in_dim3A_38 : i32 to vector<16xi32>
    %swap3A_40 = arith.constant 10048 : index
    %swap3A_41 = tpu.vector_load %arg7[%swap3A_40] {strides = array<i32>} : memref<10240xi32, #tpu.memory_space<vmem>>, vector<16xi32>,
    tpu.vector_store %arg7[%swap3A_40], %broadcast_in_dim3A_39 {strides = array<i32>} : memref<10240xi32, #tpu.memory_space<vmem>>, vector<16xi32>,
    %broadcast_in_dim3A_42 = arith.constant 0 : i32
    %broadcast_in_dim3A_43 = vector.broadcast %broadcast_in_dim3A_42 : i32 to vector<16xi32>
    %swap3A_44 = arith.constant 10064 : index
    %swap3A_45 = tpu.vector_load %arg6[%swap3A_44] {strides = array<i32>} : memref<10240xi32, #tpu.memory_space<vmem>>, vector<16xi32>,
    tpu.vector_store %arg6[%swap3A_44], %broadcast_in_dim3A_43 {strides = array<i32>} : memref<10240xi32, #tpu.memory_space<vmem>>, vector<16xi32>,
    %broadcast_in_dim3A_46 = arith.constant 10000 : i32
    %broadcast_in_dim3A_47 = vector.broadcast %broadcast_in_dim3A_46 : i32 to vector<16xi32>
    %swap3A_48 = arith.constant 10064 : index
    %swap3A_49 = tpu.vector_load %arg7[%swap3A_48] {strides = array<i32>} : memref<10240xi32, #tpu.memory_space<vmem>>, vector<16xi32>,
    tpu.vector_store %arg7[%swap3A_48], %broadcast_in_dim3A_47 {strides = array<i32>} : memref<10240xi32, #tpu.memory_space<vmem>>, vector<16xi32>,
    %broadcast_in_dim3A_50 = arith.constant 0 : i32
    %broadcast_in_dim3A_51 = vector.broadcast %broadcast_in_dim3A_50 : i32 to vector<16xi32>
    %swap3A_52 = arith.constant 10080 : index
    %swap3A_53 = tpu.vector_load %arg6[%swap3A_52] {strides = array<i32>} : memref<10240xi32, #tpu.memory_space<vmem>>, vector<16xi32>,
    tpu.vector_store %arg6[%swap3A_52], %broadcast_in_dim3A_51 {strides = array<i32>} : memref<10240xi32, #tpu.memory_space<vmem>>, vector<16xi32>,
    %broadcast_in_dim3A_54 = arith.constant 10000 : i32
    %broadcast_in_dim3A_55 = vector.broadcast %broadcast_in_dim3A_54 : i32 to vector<16xi32>
    %swap3A_56 = arith.constant 10080 : index
    %swap3A_57 = tpu.vector_load %arg7[%swap3A_56] {strides = array<i32>} : memref<10240xi32, #tpu.memory_space<vmem>>, vector<16xi32>,
    tpu.vector_store %arg7[%swap3A_56], %broadcast_in_dim3A_55 {strides = array<i32>} : memref<10240xi32, #tpu.memory_space<vmem>>, vector<16xi32>,
    %broadcast_in_dim3A_58 = arith.constant 0 : i32
    %broadcast_in_dim3A_59 = vector.broadcast %broadcast_in_dim3A_58 : i32 to vector<16xi32>
    %swap3A_60 = arith.constant 10096 : index
    %swap3A_61 = tpu.vector_load %arg6[%swap3A_60] {strides = array<i32>} : memref<10240xi32, #tpu.memory_space<vmem>>, vector<16xi32>,
    tpu.vector_store %arg6[%swap3A_60], %broadcast_in_dim3A_59 {strides = array<i32>} : memref<10240xi32, #tpu.memory_space<vmem>>, vector<16xi32>,
    %broadcast_in_dim3A_62 = arith.constant 10000 : i32
    %broadcast_in_dim3A_63 = vector.broadcast %broadcast_in_dim3A_62 : i32 to vector<16xi32>
    %swap3A_64 = arith.constant 10096 : index
    %swap3A_65 = tpu.vector_load %arg7[%swap3A_64] {strides = array<i32>} : memref<10240xi32, #tpu.memory_space<vmem>>, vector<16xi32>,
    tpu.vector_store %arg7[%swap3A_64], %broadcast_in_dim3A_63 {strides = array<i32>} : memref<10240xi32, #tpu.memory_space<vmem>>, vector<16xi32>,
    %broadcast_in_dim3A_66 = arith.constant 0 : i32
    %broadcast_in_dim3A_67 = vector.broadcast %broadcast_in_dim3A_66 : i32 to vector<16xi32>
    %swap3A_68 = arith.constant 10112 : index
    %swap3A_69 = tpu.vector_load %arg6[%swap3A_68] {strides = array<i32>} : memref<10240xi32, #tpu.memory_space<vmem>>, vector<16xi32>,
    tpu.vector_store %arg6[%swap3A_68], %broadcast_in_dim3A_67 {strides = array<i32>} : memref<10240xi32, #tpu.memory_space<vmem>>, vector<16xi32>,
    %broadcast_in_dim3A_70 = arith.constant 10000 : i32
    %broadcast_in_dim3A_71 = vector.broadcast %broadcast_in_dim3A_70 : i32 to vector<16xi32>
    %swap3A_72 = arith.constant 10112 : index
    %swap3A_73 = tpu.vector_load %arg7[%swap3A_72] {strides = array<i32>} : memref<10240xi32, #tpu.memory_space<vmem>>, vector<16xi32>,
    tpu.vector_store %arg7[%swap3A_72], %broadcast_in_dim3A_71 {strides = array<i32>} : memref<10240xi32, #tpu.memory_space<vmem>>, vector<16xi32>,
    %broadcast_in_dim3A_74 = arith.constant 0 : i32
    %broadcast_in_dim3A_75 = vector.broadcast %broadcast_in_dim3A_74 : i32 to vector<16xi32>
    %swap3A_76 = arith.constant 10128 : index
    %swap3A_77 = tpu.vector_load %arg6[%swap3A_76] {strides = array<i32>} : memref<10240xi32, #tpu.memory_space<vmem>>, vector<16xi32>,
    tpu.vector_store %arg6[%swap3A_76], %broadcast_in_dim3A_75 {strides = array<i32>} : memref<10240xi32, #tpu.memory_space<vmem>>, vector<16xi32>,
    %broadcast_in_dim3A_78 = arith.constant 10000 : i32
    %broadcast_in_dim3A_79 = vector.broadcast %broadcast_in_dim3A_78 : i32 to vector<16xi32>
    %swap3A_80 = arith.constant 10128 : index
    %swap3A_81 = tpu.vector_load %arg7[%swap3A_80] {strides = array<i32>} : memref<10240xi32, #tpu.memory_space<vmem>>, vector<16xi32>,
    tpu.vector_store %arg7[%swap3A_80], %broadcast_in_dim3A_79 {strides = array<i32>} : memref<10240xi32, #tpu.memory_space<vmem>>, vector<16xi32>,
    %broadcast_in_dim3A_82 = arith.constant 0 : i32
    %broadcast_in_dim3A_83 = vector.broadcast %broadcast_in_dim3A_82 : i32 to vector<16xi32>
    %swap3A_84 = arith.constant 10144 : index
    %swap3A_85 = tpu.vector_load %arg6[%swap3A_84] {strides = array<i32>} : memref<10240xi32, #tpu.memory_space<vmem>>, vector<16xi32>,
    tpu.vector_store %arg6[%swap3A_84], %broadcast_in_dim3A_83 {strides = array<i32>} : memref<10240xi32, #tpu.memory_space<vmem>>, vector<16xi32>,
    %broadcast_in_dim3A_86 = arith.constant 10000 : i32
    %broadcast_in_dim3A_87 = vector.broadcast %broadcast_in_dim3A_86 : i32 to vector<16xi32>
    %swap3A_88 = arith.constant 10144 : index
    %swap3A_89 = tpu.vector_load %arg7[%swap3A_88] {strides = array<i32>} : memref<10240xi32, #tpu.memory_space<vmem>>, vector<16xi32>,
    tpu.vector_store %arg7[%swap3A_88], %broadcast_in_dim3A_87 {strides = array<i32>} : memref<10240xi32, #tpu.memory_space<vmem>>, vector<16xi32>,
    %broadcast_in_dim3A_90 = arith.constant 0 : i32
    %broadcast_in_dim3A_91 = vector.broadcast %broadcast_in_dim3A_90 : i32 to vector<16xi32>
    %swap3A_92 = arith.constant 10160 : index
    %swap3A_93 = tpu.vector_load %arg6[%swap3A_92] {strides = array<i32>} : memref<10240xi32, #tpu.memory_space<vmem>>, vector<16xi32>,
    tpu.vector_store %arg6[%swap3A_92], %broadcast_in_dim3A_91 {strides = array<i32>} : memref<10240xi32, #tpu.memory_space<vmem>>, vector<16xi32>,
    %broadcast_in_dim3A_94 = arith.constant 10000 : i32
    %broadcast_in_dim3A_95 = vector.broadcast %broadcast_in_dim3A_94 : i32 to vector<16xi32>
    %swap3A_96 = arith.constant 10160 : index
    %swap3A_97 = tpu.vector_load %arg7[%swap3A_96] {strides = array<i32>} : memref<10240xi32, #tpu.memory_space<vmem>>, vector<16xi32>,
    tpu.vector_store %arg7[%swap3A_96], %broadcast_in_dim3A_95 {strides = array<i32>} : memref<10240xi32, #tpu.memory_space<vmem>>, vector<16xi32>,
    %broadcast_in_dim3A_98 = arith.constant 0 : i32
    %broadcast_in_dim3A_99 = vector.broadcast %broadcast_in_dim3A_98 : i32 to vector<16xi32>
    %swap3A_100 = arith.constant 10176 : index
    %swap3A_101 = tpu.vector_load %arg6[%swap3A_100] {strides = array<i32>} : memref<10240xi32, #tpu.memory_space<vmem>>, vector<16xi32>,
    tpu.vector_store %arg6[%swap3A_100], %broadcast_in_dim3A_99 {strides = array<i32>} : memref<10240xi32, #tpu.memory_space<vmem>>, vector<16xi32>,
    %broadcast_in_dim3A_102 = arith.constant 10000 : i32
    %broadcast_in_dim3A_103 = vector.broadcast %broadcast_in_dim3A_102 : i32 to vector<16xi32>
    %swap3A_104 = arith.constant 10176 : index
    %swap3A_105 = tpu.vector_load %arg7[%swap3A_104] {strides = array<i32>} : memref<10240xi32, #tpu.memory_space<vmem>>, vector<16xi32>,
    tpu.vector_store %arg7[%swap3A_104], %broadcast_in_dim3A_103 {strides = array<i32>} : memref<10240xi32, #tpu.memory_space<vmem>>, vector<16xi32>,
    %broadcast_in_dim3A_106 = arith.constant 0 : i32
    %broadcast_in_dim3A_107 = vector.broadcast %broadcast_in_dim3A_106 : i32 to vector<16xi32>
    %swap3A_108 = arith.constant 10192 : index
    %swap3A_109 = tpu.vector_load %arg6[%swap3A_108] {strides = array<i32>} : memref<10240xi32, #tpu.memory_space<vmem>>, vector<16xi32>,
    tpu.vector_store %arg6[%swap3A_108], %broadcast_in_dim3A_107 {strides = array<i32>} : memref<10240xi32, #tpu.memory_space<vmem>>, vector<16xi32>,
    %broadcast_in_dim3A_110 = arith.constant 10000 : i32
    %broadcast_in_dim3A_111 = vector.broadcast %broadcast_in_dim3A_110 : i32 to vector<16xi32>
    %swap3A_112 = arith.constant 10192 : index
    %swap3A_113 = tpu.vector_load %arg7[%swap3A_112] {strides = array<i32>} : memref<10240xi32, #tpu.memory_space<vmem>>, vector<16xi32>,
    tpu.vector_store %arg7[%swap3A_112], %broadcast_in_dim3A_111 {strides = array<i32>} : memref<10240xi32, #tpu.memory_space<vmem>>, vector<16xi32>,
    %broadcast_in_dim3A_114 = arith.constant 0 : i32
    %broadcast_in_dim3A_115 = vector.broadcast %broadcast_in_dim3A_114 : i32 to vector<16xi32>
    %swap3A_116 = arith.constant 10208 : index
    %swap3A_117 = tpu.vector_load %arg6[%swap3A_116] {strides = array<i32>} : memref<10240xi32, #tpu.memory_space<vmem>>, vector<16xi32>,
    tpu.vector_store %arg6[%swap3A_116], %broadcast_in_dim3A_115 {strides = array<i32>} : memref<10240xi32, #tpu.memory_space<vmem>>, vector<16xi32>,
    %broadcast_in_dim3A_118 = arith.constant 10000 : i32
    %broadcast_in_dim3A_119 = vector.broadcast %broadcast_in_dim3A_118 : i32 to vector<16xi32>
    %swap3A_120 = arith.constant 10208 : index
    %swap3A_121 = tpu.vector_load %arg7[%swap3A_120] {strides = array<i32>} : memref<10240xi32, #tpu.memory_space<vmem>>, vector<16xi32>,
    tpu.vector_store %arg7[%swap3A_120], %broadcast_in_dim3A_119 {strides = array<i32>} : memref<10240xi32, #tpu.memory_space<vmem>>, vector<16xi32>,
    %broadcast_in_dim3A_122 = arith.constant 0 : i32
    %broadcast_in_dim3A_123 = vector.broadcast %broadcast_in_dim3A_122 : i32 to vector<16xi32>
    %swap3A_124 = arith.constant 10224 : index
    %swap3A_125 = tpu.vector_load %arg6[%swap3A_124] {strides = array<i32>} : memref<10240xi32, #tpu.memory_space<vmem>>, vector<16xi32>,
    tpu.vector_store %arg6[%swap3A_124], %broadcast_in_dim3A_123 {strides = array<i32>} : memref<10240xi32, #tpu.memory_space<vmem>>, vector<16xi32>,
    %broadcast_in_dim3A_126 = arith.constant 10000 : i32
    %broadcast_in_dim3A_127 = vector.broadcast %broadcast_in_dim3A_126 : i32 to vector<16xi32>
    %swap3A_128 = arith.constant 10224 : index
    %swap3A_129 = tpu.vector_load %arg7[%swap3A_128] {strides = array<i32>} : memref<10240xi32, #tpu.memory_space<vmem>>, vector<16xi32>,
    tpu.vector_store %arg7[%swap3A_128], %broadcast_in_dim3A_127 {strides = array<i32>} : memref<10240xi32, #tpu.memory_space<vmem>>, vector<16xi32>,
    %barrier3A = arith.constant 0 : index
    tpu.barrier barrier_id(%barrier3A)
    %min3A = arith.constant 0 : i32
    %min3A_130 = arith.constant 19 : i32
    %min3A_131 = arith.minsi %min3A, %min3A_130 : i32
    %mul3A_132 = arith.constant 512 : i32
    %mul3A_133 = arith.muli %min3A_131, %mul3A_132 : i32
    %multiple_of3A = tpu.assume_multiple %mul3A_133, 512 : i32
    %dma_start3A = tpu.memref_slice %arg6[%multiple_of3A] : memref<10240xi32, #tpu.memory_space<vmem>> -> memref<512xi32, #tpu.memory_space<vmem>>
    %dma_start3A_134 = arith.constant 0 : i32
    %dma_start3A_135 = arith.constant 0 : i32
    %dma_start3A_136 = tpu.memref_slice %arg12[%dma_start3A_134, %dma_start3A_135] : memref<10112x16xf32, #tpu.memory_space<vmem_shared>> -> memref<10112x16xf32, #tpu.memory_space<vmem_shared>>
    tpu.enqueue_indirect_dma source(%dma_start3A_136 : memref<10112x16xf32, #tpu.memory_space<vmem_shared>>) target(%arg8 : memref<512x16xf32, #tpu.memory_space<vmem>>) offsets(%dma_start3A : memref<512xi32, #tpu.memory_space<vmem>>) semaphore(%arg14 : memref<!tpu.dma_semaphore, #tpu.memory_space<semaphore_mem>>)
    %min3A_137 = arith.constant 1 : i32
    %min3A_138 = arith.constant 19 : i32
    %min3A_139 = arith.minsi %min3A_137, %min3A_138 : i32
    %mul3A_140 = arith.constant 512 : i32
    %mul3A_141 = arith.muli %min3A_139, %mul3A_140 : i32
    %multiple_of3A_142 = tpu.assume_multiple %mul3A_141, 512 : i32
    %dma_start3A_143 = tpu.memref_slice %arg6[%multiple_of3A_142] : memref<10240xi32, #tpu.memory_space<vmem>> -> memref<512xi32, #tpu.memory_space<vmem>>
    %dma_start3A_144 = arith.constant 0 : i32
    %dma_start3A_145 = arith.constant 0 : i32
    %dma_start3A_146 = tpu.memref_slice %arg12[%dma_start3A_144, %dma_start3A_145] : memref<10112x16xf32, #tpu.memory_space<vmem_shared>> -> memref<10112x16xf32, #tpu.memory_space<vmem_shared>>
    tpu.enqueue_indirect_dma source(%dma_start3A_146 : memref<10112x16xf32, #tpu.memory_space<vmem_shared>>) target(%arg9 : memref<512x16xf32, #tpu.memory_space<vmem>>) offsets(%dma_start3A_143 : memref<512xi32, #tpu.memory_space<vmem>>) semaphore(%arg14 : memref<!tpu.dma_semaphore, #tpu.memory_space<semaphore_mem>>)
    %scan3A = arith.constant 0 : i32
    %scan3A_147 = arith.constant 0 : i32
    %scan3A_148 = arith.constant 5 : i32
    %scan3A_149 = arith.addi %scan3A_147, %scan3A_148 : i32
    %scan3A_150 = arith.constant 1 : i32
    scf.for %scan3A_176 = %scan3A_147 to %scan3A_149 step %scan3A_150  : i32 {
      %mul3A_177 = arith.constant 2 : i32
      %mul3A_178 = arith.muli %scan3A_176, %mul3A_177 : i32
      %mul3A_179 = arith.constant 2 : i32
      %mul3A_180 = arith.muli %mul3A_178, %mul3A_179 : i32
      %gt3A = arith.constant 0 : i32
      %gt3A_181 = arith.cmpi sgt, %scan3A_176, %gt3A : i32
      %convert_element_type3A = arith.extui %gt3A_181 : i1 to i32
      %cond3A = arith.constant 0 : i32
      %cond3A_182 = arith.cmpi ne, %convert_element_type3A, %cond3A : i32
      scf.if %cond3A_182 {
        %multiple_of3A_305 = arith.constant 0 : i32
        %multiple_of3A_306 = tpu.assume_multiple %multiple_of3A_305, 512 : i32
        %dma_wait3A_307 = tpu.memref_slice %arg7[%multiple_of3A_306] : memref<10240xi32, #tpu.memory_space<vmem>> -> memref<512xi32, #tpu.memory_space<vmem>>
        %dma_wait3A_308 = arith.constant 0 : i32
        %dma_wait3A_309 = arith.constant 0 : i32
        %dma_wait3A_310 = tpu.memref_slice %arg13[%dma_wait3A_308, %dma_wait3A_309] : memref<10112x16xf32, #tpu.memory_space<vmem_shared>> -> memref<10112x16xf32, #tpu.memory_space<vmem_shared>>
        tpu.wait_indirect_dma semaphore(%arg17 : memref<!tpu.dma_semaphore, #tpu.memory_space<semaphore_mem>>) src(%arg10 : memref<512x16xf32, #tpu.memory_space<vmem>>) dst(%dma_wait3A_310 : memref<10112x16xf32, #tpu.memory_space<vmem_shared>>)
        %multiple_of3A_311 = arith.constant 0 : i32
        %multiple_of3A_312 = tpu.assume_multiple %multiple_of3A_311, 512 : i32
        %dma_wait3A_313 = tpu.memref_slice %arg7[%multiple_of3A_312] : memref<10240xi32, #tpu.memory_space<vmem>> -> memref<512xi32, #tpu.memory_space<vmem>>
        %dma_wait3A_314 = arith.constant 0 : i32
        %dma_wait3A_315 = arith.constant 0 : i32
        %dma_wait3A_316 = tpu.memref_slice %arg13[%dma_wait3A_314, %dma_wait3A_315] : memref<10112x16xf32, #tpu.memory_space<vmem_shared>> -> memref<10112x16xf32, #tpu.memory_space<vmem_shared>>
        tpu.wait_indirect_dma semaphore(%arg17 : memref<!tpu.dma_semaphore, #tpu.memory_space<semaphore_mem>>) src(%arg11 : memref<512x16xf32, #tpu.memory_space<vmem>>) dst(%dma_wait3A_316 : memref<10112x16xf32, #tpu.memory_space<vmem_shared>>)
      } else {
      }
      %add3A_183 = arith.constant 2 : i32
      %add3A_184 = arith.addi %mul3A_180, %add3A_183 : i32
      %add3A_185 = arith.constant 0 : i32
      %add3A_186 = arith.addi %add3A_184, %add3A_185 : i32
      %min3A_187 = arith.constant 19 : i32
      %min3A_188 = arith.minsi %add3A_186, %min3A_187 : i32
      %mul3A_189 = arith.constant 512 : i32
      %mul3A_190 = arith.muli %min3A_188, %mul3A_189 : i32
      %multiple_of3A_191 = tpu.assume_multiple %mul3A_190, 512 : i32
      %dma_start3A_192 = tpu.memref_slice %arg6[%multiple_of3A_191] : memref<10240xi32, #tpu.memory_space<vmem>> -> memref<512xi32, #tpu.memory_space<vmem>>
      %dma_start3A_193 = arith.constant 0 : i32
      %dma_start3A_194 = arith.constant 0 : i32
      %dma_start3A_195 = tpu.memref_slice %arg12[%dma_start3A_193, %dma_start3A_194] : memref<10112x16xf32, #tpu.memory_space<vmem_shared>> -> memref<10112x16xf32, #tpu.memory_space<vmem_shared>>
      tpu.enqueue_indirect_dma source(%dma_start3A_195 : memref<10112x16xf32, #tpu.memory_space<vmem_shared>>) target(%arg10 : memref<512x16xf32, #tpu.memory_space<vmem>>) offsets(%dma_start3A_192 : memref<512xi32, #tpu.memory_space<vmem>>) semaphore(%arg15 : memref<!tpu.dma_semaphore, #tpu.memory_space<semaphore_mem>>)
      %add3A_196 = arith.constant 1 : i32
      %add3A_197 = arith.addi %add3A_184, %add3A_196 : i32
      %min3A_198 = arith.constant 19 : i32
      %min3A_199 = arith.minsi %add3A_197, %min3A_198 : i32
      %mul3A_200 = arith.constant 512 : i32
      %mul3A_201 = arith.muli %min3A_199, %mul3A_200 : i32
      %multiple_of3A_202 = tpu.assume_multiple %mul3A_201, 512 : i32
      %dma_start3A_203 = tpu.memref_slice %arg6[%multiple_of3A_202] : memref<10240xi32, #tpu.memory_space<vmem>> -> memref<512xi32, #tpu.memory_space<vmem>>
      %dma_start3A_204 = arith.constant 0 : i32
      %dma_start3A_205 = arith.constant 0 : i32
      %dma_start3A_206 = tpu.memref_slice %arg12[%dma_start3A_204, %dma_start3A_205] : memref<10112x16xf32, #tpu.memory_space<vmem_shared>> -> memref<10112x16xf32, #tpu.memory_space<vmem_shared>>
      tpu.enqueue_indirect_dma source(%dma_start3A_206 : memref<10112x16xf32, #tpu.memory_space<vmem_shared>>) target(%arg11 : memref<512x16xf32, #tpu.memory_space<vmem>>) offsets(%dma_start3A_203 : memref<512xi32, #tpu.memory_space<vmem>>) semaphore(%arg15 : memref<!tpu.dma_semaphore, #tpu.memory_space<semaphore_mem>>)
      %multiple_of3A_207 = arith.constant 0 : i32
      %multiple_of3A_208 = tpu.assume_multiple %multiple_of3A_207, 512 : i32
      %dma_wait3A_209 = tpu.memref_slice %arg6[%multiple_of3A_208] : memref<10240xi32, #tpu.memory_space<vmem>> -> memref<512xi32, #tpu.memory_space<vmem>>
      %dma_wait3A_210 = arith.constant 0 : i32
      %dma_wait3A_211 = arith.constant 0 : i32
      %dma_wait3A_212 = tpu.memref_slice %arg12[%dma_wait3A_210, %dma_wait3A_211] : memref<10112x16xf32, #tpu.memory_space<vmem_shared>> -> memref<10112x16xf32, #tpu.memory_space<vmem_shared>>
      tpu.wait_indirect_dma semaphore(%arg14 : memref<!tpu.dma_semaphore, #tpu.memory_space<semaphore_mem>>) src(%dma_wait3A_212 : memref<10112x16xf32, #tpu.memory_space<vmem_shared>>) dst(%arg8 : memref<512x16xf32, #tpu.memory_space<vmem>>)
      %multiple_of3A_213 = arith.constant 0 : i32
      %multiple_of3A_214 = tpu.assume_multiple %multiple_of3A_213, 512 : i32
      %dma_wait3A_215 = tpu.memref_slice %arg6[%multiple_of3A_214] : memref<10240xi32, #tpu.memory_space<vmem>> -> memref<512xi32, #tpu.memory_space<vmem>>
      %dma_wait3A_216 = arith.constant 0 : i32
      %dma_wait3A_217 = arith.constant 0 : i32
      %dma_wait3A_218 = tpu.memref_slice %arg12[%dma_wait3A_216, %dma_wait3A_217] : memref<10112x16xf32, #tpu.memory_space<vmem_shared>> -> memref<10112x16xf32, #tpu.memory_space<vmem_shared>>
      tpu.wait_indirect_dma semaphore(%arg14 : memref<!tpu.dma_semaphore, #tpu.memory_space<semaphore_mem>>) src(%dma_wait3A_218 : memref<10112x16xf32, #tpu.memory_space<vmem_shared>>) dst(%arg9 : memref<512x16xf32, #tpu.memory_space<vmem>>)
      %add3A_219 = arith.constant 0 : i32
      %add3A_220 = arith.addi %mul3A_180, %add3A_219 : i32
      %mul3A_221 = arith.constant 512 : i32
      %mul3A_222 = arith.muli %add3A_220, %mul3A_221 : i32
      %multiple_of3A_223 = tpu.assume_multiple %mul3A_222, 512 : i32
      %dma_start3A_224 = tpu.memref_slice %arg7[%multiple_of3A_223] : memref<10240xi32, #tpu.memory_space<vmem>> -> memref<512xi32, #tpu.memory_space<vmem>>
      %dma_start3A_225 = arith.constant 0 : i32
      %dma_start3A_226 = arith.constant 0 : i32
      %dma_start3A_227 = tpu.memref_slice %arg13[%dma_start3A_225, %dma_start3A_226] : memref<10112x16xf32, #tpu.memory_space<vmem_shared>> -> memref<10112x16xf32, #tpu.memory_space<vmem_shared>>
      tpu.enqueue_indirect_dma source(%arg8 : memref<512x16xf32, #tpu.memory_space<vmem>>) target(%dma_start3A_227 : memref<10112x16xf32, #tpu.memory_space<vmem_shared>>) offsets(%dma_start3A_224 : memref<512xi32, #tpu.memory_space<vmem>>) semaphore(%arg16 : memref<!tpu.dma_semaphore, #tpu.memory_space<semaphore_mem>>) {add = true}
      %add3A_228 = arith.constant 1 : i32
      %add3A_229 = arith.addi %mul3A_180, %add3A_228 : i32
      %mul3A_230 = arith.constant 512 : i32
      %mul3A_231 = arith.muli %add3A_229, %mul3A_230 : i32
      %multiple_of3A_232 = tpu.assume_multiple %mul3A_231, 512 : i32
      %dma_start3A_233 = tpu.memref_slice %arg7[%multiple_of3A_232] : memref<10240xi32, #tpu.memory_space<vmem>> -> memref<512xi32, #tpu.memory_space<vmem>>
      %dma_start3A_234 = arith.constant 0 : i32
      %dma_start3A_235 = arith.constant 0 : i32
      %dma_start3A_236 = tpu.memref_slice %arg13[%dma_start3A_234, %dma_start3A_235] : memref<10112x16xf32, #tpu.memory_space<vmem_shared>> -> memref<10112x16xf32, #tpu.memory_space<vmem_shared>>
      tpu.enqueue_indirect_dma source(%arg9 : memref<512x16xf32, #tpu.memory_space<vmem>>) target(%dma_start3A_236 : memref<10112x16xf32, #tpu.memory_space<vmem_shared>>) offsets(%dma_start3A_233 : memref<512xi32, #tpu.memory_space<vmem>>) semaphore(%arg16 : memref<!tpu.dma_semaphore, #tpu.memory_space<semaphore_mem>>) {add = true}
      %multiple_of3A_237 = arith.constant 0 : i32
      %multiple_of3A_238 = tpu.assume_multiple %multiple_of3A_237, 512 : i32
      %dma_wait3A_239 = tpu.memref_slice %arg7[%multiple_of3A_238] : memref<10240xi32, #tpu.memory_space<vmem>> -> memref<512xi32, #tpu.memory_space<vmem>>
      %dma_wait3A_240 = arith.constant 0 : i32
      %dma_wait3A_241 = arith.constant 0 : i32
      %dma_wait3A_242 = tpu.memref_slice %arg13[%dma_wait3A_240, %dma_wait3A_241] : memref<10112x16xf32, #tpu.memory_space<vmem_shared>> -> memref<10112x16xf32, #tpu.memory_space<vmem_shared>>
      tpu.wait_indirect_dma semaphore(%arg16 : memref<!tpu.dma_semaphore, #tpu.memory_space<semaphore_mem>>) src(%arg8 : memref<512x16xf32, #tpu.memory_space<vmem>>) dst(%dma_wait3A_242 : memref<10112x16xf32, #tpu.memory_space<vmem_shared>>)
      %multiple_of3A_243 = arith.constant 0 : i32
      %multiple_of3A_244 = tpu.assume_multiple %multiple_of3A_243, 512 : i32
      %dma_wait3A_245 = tpu.memref_slice %arg7[%multiple_of3A_244] : memref<10240xi32, #tpu.memory_space<vmem>> -> memref<512xi32, #tpu.memory_space<vmem>>
      %dma_wait3A_246 = arith.constant 0 : i32
      %dma_wait3A_247 = arith.constant 0 : i32
      %dma_wait3A_248 = tpu.memref_slice %arg13[%dma_wait3A_246, %dma_wait3A_247] : memref<10112x16xf32, #tpu.memory_space<vmem_shared>> -> memref<10112x16xf32, #tpu.memory_space<vmem_shared>>
      tpu.wait_indirect_dma semaphore(%arg16 : memref<!tpu.dma_semaphore, #tpu.memory_space<semaphore_mem>>) src(%arg9 : memref<512x16xf32, #tpu.memory_space<vmem>>) dst(%dma_wait3A_248 : memref<10112x16xf32, #tpu.memory_space<vmem_shared>>)
      %add3A_249 = arith.constant 4 : i32
      %add3A_250 = arith.addi %mul3A_180, %add3A_249 : i32
      %add3A_251 = arith.constant 0 : i32
      %add3A_252 = arith.addi %add3A_250, %add3A_251 : i32
      %min3A_253 = arith.constant 19 : i32
      %min3A_254 = arith.minsi %add3A_252, %min3A_253 : i32
      %mul3A_255 = arith.constant 512 : i32
      %mul3A_256 = arith.muli %min3A_254, %mul3A_255 : i32
      %multiple_of3A_257 = tpu.assume_multiple %mul3A_256, 512 : i32
      %dma_start3A_258 = tpu.memref_slice %arg6[%multiple_of3A_257] : memref<10240xi32, #tpu.memory_space<vmem>> -> memref<512xi32, #tpu.memory_space<vmem>>
      %dma_start3A_259 = arith.constant 0 : i32
      %dma_start3A_260 = arith.constant 0 : i32
      %dma_start3A_261 = tpu.memref_slice %arg12[%dma_start3A_259, %dma_start3A_260] : memref<10112x16xf32, #tpu.memory_space<vmem_shared>> -> memref<10112x16xf32, #tpu.memory_space<vmem_shared>>
      tpu.enqueue_indirect_dma source(%dma_start3A_261 : memref<10112x16xf32, #tpu.memory_space<vmem_shared>>) target(%arg8 : memref<512x16xf32, #tpu.memory_space<vmem>>) offsets(%dma_start3A_258 : memref<512xi32, #tpu.memory_space<vmem>>) semaphore(%arg14 : memref<!tpu.dma_semaphore, #tpu.memory_space<semaphore_mem>>)
      %add3A_262 = arith.constant 1 : i32
      %add3A_263 = arith.addi %add3A_250, %add3A_262 : i32
      %min3A_264 = arith.constant 19 : i32
      %min3A_265 = arith.minsi %add3A_263, %min3A_264 : i32
      %mul3A_266 = arith.constant 512 : i32
      %mul3A_267 = arith.muli %min3A_265, %mul3A_266 : i32
      %multiple_of3A_268 = tpu.assume_multiple %mul3A_267, 512 : i32
      %dma_start3A_269 = tpu.memref_slice %arg6[%multiple_of3A_268] : memref<10240xi32, #tpu.memory_space<vmem>> -> memref<512xi32, #tpu.memory_space<vmem>>
      %dma_start3A_270 = arith.constant 0 : i32
      %dma_start3A_271 = arith.constant 0 : i32
      %dma_start3A_272 = tpu.memref_slice %arg12[%dma_start3A_270, %dma_start3A_271] : memref<10112x16xf32, #tpu.memory_space<vmem_shared>> -> memref<10112x16xf32, #tpu.memory_space<vmem_shared>>
      tpu.enqueue_indirect_dma source(%dma_start3A_272 : memref<10112x16xf32, #tpu.memory_space<vmem_shared>>) target(%arg9 : memref<512x16xf32, #tpu.memory_space<vmem>>) offsets(%dma_start3A_269 : memref<512xi32, #tpu.memory_space<vmem>>) semaphore(%arg14 : memref<!tpu.dma_semaphore, #tpu.memory_space<semaphore_mem>>)
      %multiple_of3A_273 = arith.constant 0 : i32
      %multiple_of3A_274 = tpu.assume_multiple %multiple_of3A_273, 512 : i32
      %dma_wait3A_275 = tpu.memref_slice %arg6[%multiple_of3A_274] : memref<10240xi32, #tpu.memory_space<vmem>> -> memref<512xi32, #tpu.memory_space<vmem>>
      %dma_wait3A_276 = arith.constant 0 : i32
      %dma_wait3A_277 = arith.constant 0 : i32
      %dma_wait3A_278 = tpu.memref_slice %arg12[%dma_wait3A_276, %dma_wait3A_277] : memref<10112x16xf32, #tpu.memory_space<vmem_shared>> -> memref<10112x16xf32, #tpu.memory_space<vmem_shared>>
      tpu.wait_indirect_dma semaphore(%arg15 : memref<!tpu.dma_semaphore, #tpu.memory_space<semaphore_mem>>) src(%dma_wait3A_278 : memref<10112x16xf32, #tpu.memory_space<vmem_shared>>) dst(%arg10 : memref<512x16xf32, #tpu.memory_space<vmem>>)
      %multiple_of3A_279 = arith.constant 0 : i32
      %multiple_of3A_280 = tpu.assume_multiple %multiple_of3A_279, 512 : i32
      %dma_wait3A_281 = tpu.memref_slice %arg6[%multiple_of3A_280] : memref<10240xi32, #tpu.memory_space<vmem>> -> memref<512xi32, #tpu.memory_space<vmem>>
      %dma_wait3A_282 = arith.constant 0 : i32
      %dma_wait3A_283 = arith.constant 0 : i32
      %dma_wait3A_284 = tpu.memref_slice %arg12[%dma_wait3A_282, %dma_wait3A_283] : memref<10112x16xf32, #tpu.memory_space<vmem_shared>> -> memref<10112x16xf32, #tpu.memory_space<vmem_shared>>
      tpu.wait_indirect_dma semaphore(%arg15 : memref<!tpu.dma_semaphore, #tpu.memory_space<semaphore_mem>>) src(%dma_wait3A_284 : memref<10112x16xf32, #tpu.memory_space<vmem_shared>>) dst(%arg11 : memref<512x16xf32, #tpu.memory_space<vmem>>)
      %add3A_285 = arith.constant 2 : i32
      %add3A_286 = arith.addi %mul3A_180, %add3A_285 : i32
      %add3A_287 = arith.constant 0 : i32
      %add3A_288 = arith.addi %add3A_286, %add3A_287 : i32
      %mul3A_289 = arith.constant 512 : i32
      %mul3A_290 = arith.muli %add3A_288, %mul3A_289 : i32
      %multiple_of3A_291 = tpu.assume_multiple %mul3A_290, 512 : i32
      %dma_start3A_292 = tpu.memref_slice %arg7[%multiple_of3A_291] : memref<10240xi32, #tpu.memory_space<vmem>> -> memref<512xi32, #tpu.memory_space<vmem>>
      %dma_start3A_293 = arith.constant 0 : i32
      %dma_start3A_294 = arith.constant 0 : i32
      %dma_start3A_295 = tpu.memref_slice %arg13[%dma_start3A_293, %dma_start3A_294] : memref<10112x16xf32, #tpu.memory_space<vmem_shared>> -> memref<10112x16xf32, #tpu.memory_space<vmem_shared>>
      tpu.enqueue_indirect_dma source(%arg10 : memref<512x16xf32, #tpu.memory_space<vmem>>) target(%dma_start3A_295 : memref<10112x16xf32, #tpu.memory_space<vmem_shared>>) offsets(%dma_start3A_292 : memref<512xi32, #tpu.memory_space<vmem>>) semaphore(%arg17 : memref<!tpu.dma_semaphore, #tpu.memory_space<semaphore_mem>>) {add = true}
      %add3A_296 = arith.constant 1 : i32
      %add3A_297 = arith.addi %add3A_286, %add3A_296 : i32
      %mul3A_298 = arith.constant 512 : i32
      %mul3A_299 = arith.muli %add3A_297, %mul3A_298 : i32
      %multiple_of3A_300 = tpu.assume_multiple %mul3A_299, 512 : i32
      %dma_start3A_301 = tpu.memref_slice %arg7[%multiple_of3A_300] : memref<10240xi32, #tpu.memory_space<vmem>> -> memref<512xi32, #tpu.memory_space<vmem>>
      %dma_start3A_302 = arith.constant 0 : i32
      %dma_start3A_303 = arith.constant 0 : i32
      %dma_start3A_304 = tpu.memref_slice %arg13[%dma_start3A_302, %dma_start3A_303] : memref<10112x16xf32, #tpu.memory_space<vmem_shared>> -> memref<10112x16xf32, #tpu.memory_space<vmem_shared>>
      tpu.enqueue_indirect_dma source(%arg11 : memref<512x16xf32, #tpu.memory_space<vmem>>) target(%dma_start3A_304 : memref<10112x16xf32, #tpu.memory_space<vmem_shared>>) offsets(%dma_start3A_301 : memref<512xi32, #tpu.memory_space<vmem>>) semaphore(%arg17 : memref<!tpu.dma_semaphore, #tpu.memory_space<semaphore_mem>>) {add = true}
    }
    %scan3A_151 = arith.constant 5 : i32
    %multiple_of3A_152 = arith.constant 0 : i32
    %multiple_of3A_153 = tpu.assume_multiple %multiple_of3A_152, 512 : i32
    %dma_wait3A = tpu.memref_slice %arg7[%multiple_of3A_153] : memref<10240xi32, #tpu.memory_space<vmem>> -> memref<512xi32, #tpu.memory_space<vmem>>
    %dma_wait3A_154 = arith.constant 0 : i32
    %dma_wait3A_155 = arith.constant 0 : i32
    %dma_wait3A_156 = tpu.memref_slice %arg13[%dma_wait3A_154, %dma_wait3A_155] : memref<10112x16xf32, #tpu.memory_space<vmem_shared>> -> memref<10112x16xf32, #tpu.memory_space<vmem_shared>>
    tpu.wait_indirect_dma semaphore(%arg17 : memref<!tpu.dma_semaphore, #tpu.memory_space<semaphore_mem>>) src(%arg10 : memref<512x16xf32, #tpu.memory_space<vmem>>) dst(%dma_wait3A_156 : memref<10112x16xf32, #tpu.memory_space<vmem_shared>>)
    %multiple_of3A_157 = arith.constant 0 : i32
    %multiple_of3A_158 = tpu.assume_multiple %multiple_of3A_157, 512 : i32
    %dma_wait3A_159 = tpu.memref_slice %arg7[%multiple_of3A_158] : memref<10240xi32, #tpu.memory_space<vmem>> -> memref<512xi32, #tpu.memory_space<vmem>>
    %dma_wait3A_160 = arith.constant 0 : i32
    %dma_wait3A_161 = arith.constant 0 : i32
    %dma_wait3A_162 = tpu.memref_slice %arg13[%dma_wait3A_160, %dma_wait3A_161] : memref<10112x16xf32, #tpu.memory_space<vmem_shared>> -> memref<10112x16xf32, #tpu.memory_space<vmem_shared>>
    tpu.wait_indirect_dma semaphore(%arg17 : memref<!tpu.dma_semaphore, #tpu.memory_space<semaphore_mem>>) src(%arg11 : memref<512x16xf32, #tpu.memory_space<vmem>>) dst(%dma_wait3A_162 : memref<10112x16xf32, #tpu.memory_space<vmem_shared>>)
    %multiple_of3A_163 = arith.constant 0 : i32
    %multiple_of3A_164 = tpu.assume_multiple %multiple_of3A_163, 512 : i32
    %dma_wait3A_165 = tpu.memref_slice %arg6[%multiple_of3A_164] : memref<10240xi32, #tpu.memory_space<vmem>> -> memref<512xi32, #tpu.memory_space<vmem>>
    %dma_wait3A_166 = arith.constant 0 : i32
    %dma_wait3A_167 = arith.constant 0 : i32
    %dma_wait3A_168 = tpu.memref_slice %arg12[%dma_wait3A_166, %dma_wait3A_167] : memref<10112x16xf32, #tpu.memory_space<vmem_shared>> -> memref<10112x16xf32, #tpu.memory_space<vmem_shared>>
    tpu.wait_indirect_dma semaphore(%arg14 : memref<!tpu.dma_semaphore, #tpu.memory_space<semaphore_mem>>) src(%dma_wait3A_168 : memref<10112x16xf32, #tpu.memory_space<vmem_shared>>) dst(%arg8 : memref<512x16xf32, #tpu.memory_space<vmem>>)
    %multiple_of3A_169 = arith.constant 0 : i32
    %multiple_of3A_170 = tpu.assume_multiple %multiple_of3A_169, 512 : i32
    %dma_wait3A_171 = tpu.memref_slice %arg6[%multiple_of3A_170] : memref<10240xi32, #tpu.memory_space<vmem>> -> memref<512xi32, #tpu.memory_space<vmem>>
    %dma_wait3A_172 = arith.constant 0 : i32
    %dma_wait3A_173 = arith.constant 0 : i32
    %dma_wait3A_174 = tpu.memref_slice %arg12[%dma_wait3A_172, %dma_wait3A_173] : memref<10112x16xf32, #tpu.memory_space<vmem_shared>> -> memref<10112x16xf32, #tpu.memory_space<vmem_shared>>
    tpu.wait_indirect_dma semaphore(%arg14 : memref<!tpu.dma_semaphore, #tpu.memory_space<semaphore_mem>>) src(%dma_wait3A_174 : memref<10112x16xf32, #tpu.memory_space<vmem_shared>>) dst(%arg9 : memref<512x16xf32, #tpu.memory_space<vmem>>)
    %barrier3A_175 = arith.constant 0 : index
    tpu.barrier barrier_id(%barrier3A_175)
    "tpu.region"() ({
      %run_scoped3A_176 = tpu.sem_alloc : memref<!tpu.dma_semaphore, #tpu.memory_space<semaphore_mem>>
      %dma_start3A_177 = arith.constant 0 : i32
      %dma_start3A_178 = tpu.memref_slice %arg5[%arg0, %mul3A_2, %dma_start3A_177] : memref<2x10112x16xf32, #tpu.memory_space<hbm>> -> memref<1x632x16xf32, #tpu.memory_space<hbm>>
      %dma_start3A_179 = tpu.memref_squeeze %dma_start3A_178 : memref<1x632x16xf32, #tpu.memory_space<hbm>> -> memref<632x16xf32, #tpu.memory_space<hbm>>
      %dma_start3A_180 = arith.constant 0 : i32
      %dma_start3A_181 = tpu.memref_slice %arg13[%mul3A_2, %dma_start3A_180] : memref<10112x16xf32, #tpu.memory_space<vmem_shared>> -> memref<632x16xf32, #tpu.memory_space<vmem_shared>>
      tpu.enqueue_dma source(%dma_start3A_181 : memref<632x16xf32, #tpu.memory_space<vmem_shared>>) target(%dma_start3A_179 : memref<632x16xf32, #tpu.memory_space<hbm>>) target_semaphore(%run_scoped3A_176 : memref<!tpu.dma_semaphore, #tpu.memory_space<semaphore_mem>>)
      %dma_wait3A_182 = arith.constant 0 : i32
      %dma_wait3A_183 = tpu.memref_slice %arg5[%arg0, %mul3A_2, %dma_wait3A_182] : memref<2x10112x16xf32, #tpu.memory_space<hbm>> -> memref<1x632x16xf32, #tpu.memory_space<hbm>>
      %dma_wait3A_184 = tpu.memref_squeeze %dma_wait3A_183 : memref<1x632x16xf32, #tpu.memory_space<hbm>> -> memref<632x16xf32, #tpu.memory_space<hbm>>
      %dma_wait3A_185 = arith.constant 0 : i32
      %dma_wait3A_186 = tpu.memref_slice %arg13[%mul3A_2, %dma_wait3A_185] : memref<10112x16xf32, #tpu.memory_space<vmem_shared>> -> memref<632x16xf32, #tpu.memory_space<vmem_shared>>
      tpu.wait_dma2 semaphore(%run_scoped3A_176 : memref<!tpu.dma_semaphore, #tpu.memory_space<semaphore_mem>>) src(%dma_wait3A_186 : memref<632x16xf32, #tpu.memory_space<vmem_shared>>) dst(%dma_wait3A_184 : memref<632x16xf32, #tpu.memory_space<hbm>>)
      tpu.yield
    }) : () -> ()
    return
  }
}

#map = affine_map<(d0, d1) -> (0, 0, 0)>
#map1 = affine_map<(d0, d1) -> (0, 0)>
module attributes {stable_mosaic.version = 14 : i64} {
  func.func @sc2(%arg0: i32, %arg1: i32, %arg2: memref<2x10112x16xf32, #tpu.memory_space<hbm>>, %arg3: memref<10112x16xf32, #tpu.memory_space<hbm>>, %arg4: memref<2x320000xi32, #tpu.memory_space<hbm>>, %arg5: memref<10112x16xf32, #tpu.memory_space<hbm>>, %arg6: memref<2x10112x16xf32, #tpu.memory_space<hbm>>, %arg7: memref<10112x16xf32, #tpu.memory_space<hbm>>, %arg8: memref<10240xi32, #tpu.memory_space<vmem>>, %arg9: memref<10240xi32, #tpu.memory_space<vmem>>, %arg10: memref<512x16xf32, #tpu.memory_space<vmem>>, %arg11: memref<512x16xf32, #tpu.memory_space<vmem>>, %arg12: memref<512x16xf32, #tpu.memory_space<vmem>>, %arg13: memref<512x16xf32, #tpu.memory_space<vmem>>, %arg14: memref<10112x16xf32, #tpu.memory_space<vmem_shared>>, %arg15: memref<10112x16xf32, #tpu.memory_space<vmem_shared>>, %arg16: memref<!tpu.dma_semaphore, #tpu.memory_space<semaphore_mem>>, %arg17: memref<!tpu.dma_semaphore, #tpu.memory_space<semaphore_mem>>, %arg18: memref<!tpu.dma_semaphore, #tpu.memory_space<semaphore_mem>>, %arg19: memref<!tpu.dma_semaphore, #tpu.memory_space<semaphore_mem>>, %arg20: memref<632x16xf32, #tpu.memory_space<vmem>>, %arg21: memref<632x16xf32, #tpu.memory_space<vmem>>, %arg22: memref<632x16xf32, #tpu.memory_space<vmem>>, %arg23: memref<632x16xf32, #tpu.memory_space<vmem>>) attributes {dimension_semantics = [#tpu.dimension_semantics<core_parallel>, #tpu.dimension_semantics<subcore_parallel>], iteration_bounds = array<i64: 2, 16>, scalar_prefetch = 0 : i64, scratch_operands = 16 : i64, tpu.core_type = #tpu.core_type<sc_vector_subcore>, window_params = [{transform_indices = #map}, {transform_indices = #map1}, {transform_indices = #map1}, {transform_indices = #map1}, {transform_indices = #map}, {transform_indices = #map1}]} {
    %mul3A = arith.constant 2 : i32
    %mul3A_0 = arith.muli %arg1, %mul3A : i32
    %add3A = arith.addi %mul3A_0, %arg0 : i32
    %mul3A_1 = arith.constant 632 : i32
    %mul3A_2 = arith.muli %arg1, %mul3A_1 : i32
    "tpu.region"() ({
      %run_scoped3A_186 = tpu.sem_alloc : memref<!tpu.dma_semaphore, #tpu.memory_space<semaphore_mem>>
      %dma_start3A_187 = arith.constant 0 : i32
      %dma_start3A_188 = tpu.memref_slice %arg15[%mul3A_2, %dma_start3A_187] : memref<10112x16xf32, #tpu.memory_space<vmem_shared>> -> memref<632x16xf32, #tpu.memory_space<vmem_shared>>
      %dma_start3A_189 = arith.constant 0 : i32
      %dma_start3A_190 = tpu.memref_slice %arg5[%mul3A_2, %dma_start3A_189] : memref<10112x16xf32, #tpu.memory_space<hbm>> -> memref<632x16xf32, #tpu.memory_space<hbm>>
      tpu.enqueue_dma source(%dma_start3A_190 : memref<632x16xf32, #tpu.memory_space<hbm>>) target(%dma_start3A_188 : memref<632x16xf32, #tpu.memory_space<vmem_shared>>) target_semaphore(%run_scoped3A_186 : memref<!tpu.dma_semaphore, #tpu.memory_space<semaphore_mem>>)
      %dma_wait3A_191 = arith.constant 0 : i32
      %dma_wait3A_192 = tpu.memref_slice %arg15[%mul3A_2, %dma_wait3A_191] : memref<10112x16xf32, #tpu.memory_space<vmem_shared>> -> memref<632x16xf32, #tpu.memory_space<vmem_shared>>
      %dma_wait3A_193 = arith.constant 0 : i32
      %dma_wait3A_194 = tpu.memref_slice %arg5[%mul3A_2, %dma_wait3A_193] : memref<10112x16xf32, #tpu.memory_space<hbm>> -> memref<632x16xf32, #tpu.memory_space<hbm>>
      tpu.wait_dma2 semaphore(%run_scoped3A_186 : memref<!tpu.dma_semaphore, #tpu.memory_space<semaphore_mem>>) src(%dma_wait3A_194 : memref<632x16xf32, #tpu.memory_space<hbm>>) dst(%dma_wait3A_192 : memref<632x16xf32, #tpu.memory_space<vmem_shared>>)
      tpu.yield
    }) : () -> ()
    %mul3A_3 = arith.constant 10000 : i32
    %mul3A_4 = arith.muli %add3A, %mul3A_3 : i32
    %run_scoped3A = arith.constant 0 : i32
    "tpu.region"() ({
      %run_scoped3A_186 = tpu.sem_alloc : memref<!tpu.dma_semaphore, #tpu.memory_space<semaphore_mem>>
      %dma_start3A_187 = arith.constant 0 : i32
      %dma_start3A_188 = tpu.memref_slice %arg8[%dma_start3A_187] : memref<10240xi32, #tpu.memory_space<vmem>> -> memref<9728xi32, #tpu.memory_space<vmem>>
      %dma_start3A_189 = tpu.memref_slice %arg4[%run_scoped3A, %mul3A_4] : memref<2x320000xi32, #tpu.memory_space<hbm>> -> memref<1x9728xi32, #tpu.memory_space<hbm>>
      %dma_start3A_190 = tpu.memref_squeeze %dma_start3A_189 : memref<1x9728xi32, #tpu.memory_space<hbm>> -> memref<9728xi32, #tpu.memory_space<hbm>>
      %dma_start3A_191 = arith.constant 0 : i32
      %dma_start3A_192 = tpu.memref_slice %arg8[%dma_start3A_191] : memref<10240xi32, #tpu.memory_space<vmem>> -> memref<9728xi32, #tpu.memory_space<vmem>>
      %dma_start3A_193 = tpu.memref_slice %arg4[%run_scoped3A, %mul3A_4] : memref<2x320000xi32, #tpu.memory_space<hbm>> -> memref<1x9728xi32, #tpu.memory_space<hbm>>
      %dma_start3A_194 = tpu.memref_squeeze %dma_start3A_193 : memref<1x9728xi32, #tpu.memory_space<hbm>> -> memref<9728xi32, #tpu.memory_space<hbm>>
      tpu.enqueue_dma source(%dma_start3A_194 : memref<9728xi32, #tpu.memory_space<hbm>>) target(%dma_start3A_192 : memref<9728xi32, #tpu.memory_space<vmem>>) target_semaphore(%run_scoped3A_186 : memref<!tpu.dma_semaphore, #tpu.memory_space<semaphore_mem>>)
      %dma_wait3A_195 = arith.constant 0 : i32
      %dma_wait3A_196 = tpu.memref_slice %arg8[%dma_wait3A_195] : memref<10240xi32, #tpu.memory_space<vmem>> -> memref<9728xi32, #tpu.memory_space<vmem>>
      %dma_wait3A_197 = tpu.memref_slice %arg4[%run_scoped3A, %mul3A_4] : memref<2x320000xi32, #tpu.memory_space<hbm>> -> memref<1x9728xi32, #tpu.memory_space<hbm>>
      %dma_wait3A_198 = tpu.memref_squeeze %dma_wait3A_197 : memref<1x9728xi32, #tpu.memory_space<hbm>> -> memref<9728xi32, #tpu.memory_space<hbm>>
      %dma_wait3A_199 = arith.constant 0 : i32
      %dma_wait3A_200 = tpu.memref_slice %arg8[%dma_wait3A_199] : memref<10240xi32, #tpu.memory_space<vmem>> -> memref<9728xi32, #tpu.memory_space<vmem>>
      %dma_wait3A_201 = tpu.memref_slice %arg4[%run_scoped3A, %mul3A_4] : memref<2x320000xi32, #tpu.memory_space<hbm>> -> memref<1x9728xi32, #tpu.memory_space<hbm>>
      %dma_wait3A_202 = tpu.memref_squeeze %dma_wait3A_201 : memref<1x9728xi32, #tpu.memory_space<hbm>> -> memref<9728xi32, #tpu.memory_space<hbm>>
      tpu.wait_dma2 semaphore(%run_scoped3A_186 : memref<!tpu.dma_semaphore, #tpu.memory_space<semaphore_mem>>) src(%dma_wait3A_202 : memref<9728xi32, #tpu.memory_space<hbm>>) dst(%dma_wait3A_200 : memref<9728xi32, #tpu.memory_space<vmem>>)
      tpu.yield
    }) : () -> ()
    %add3A_5 = arith.constant 9728 : i32
    %add3A_6 = arith.addi %mul3A_4, %add3A_5 : i32
    %run_scoped3A_7 = arith.constant 0 : i32
    "tpu.region"() ({
      %run_scoped3A_186 = tpu.sem_alloc : memref<!tpu.dma_semaphore, #tpu.memory_space<semaphore_mem>>
      %dma_start3A_187 = arith.constant 9728 : i32
      %dma_start3A_188 = tpu.memref_slice %arg8[%dma_start3A_187] : memref<10240xi32, #tpu.memory_space<vmem>> -> memref<272xi32, #tpu.memory_space<vmem>>
      %dma_start3A_189 = tpu.memref_slice %arg4[%run_scoped3A_7, %add3A_6] : memref<2x320000xi32, #tpu.memory_space<hbm>> -> memref<1x272xi32, #tpu.memory_space<hbm>>
      %dma_start3A_190 = tpu.memref_squeeze %dma_start3A_189 : memref<1x272xi32, #tpu.memory_space<hbm>> -> memref<272xi32, #tpu.memory_space<hbm>>
      %dma_start3A_191 = arith.constant 9728 : i32
      %dma_start3A_192 = tpu.memref_slice %arg8[%dma_start3A_191] : memref<10240xi32, #tpu.memory_space<vmem>> -> memref<272xi32, #tpu.memory_space<vmem>>
      %dma_start3A_193 = tpu.memref_slice %arg4[%run_scoped3A_7, %add3A_6] : memref<2x320000xi32, #tpu.memory_space<hbm>> -> memref<1x272xi32, #tpu.memory_space<hbm>>
      %dma_start3A_194 = tpu.memref_squeeze %dma_start3A_193 : memref<1x272xi32, #tpu.memory_space<hbm>> -> memref<272xi32, #tpu.memory_space<hbm>>
      tpu.enqueue_dma source(%dma_start3A_194 : memref<272xi32, #tpu.memory_space<hbm>>) target(%dma_start3A_192 : memref<272xi32, #tpu.memory_space<vmem>>) target_semaphore(%run_scoped3A_186 : memref<!tpu.dma_semaphore, #tpu.memory_space<semaphore_mem>>)
      %dma_wait3A_195 = arith.constant 9728 : i32
      %dma_wait3A_196 = tpu.memref_slice %arg8[%dma_wait3A_195] : memref<10240xi32, #tpu.memory_space<vmem>> -> memref<272xi32, #tpu.memory_space<vmem>>
      %dma_wait3A_197 = tpu.memref_slice %arg4[%run_scoped3A_7, %add3A_6] : memref<2x320000xi32, #tpu.memory_space<hbm>> -> memref<1x272xi32, #tpu.memory_space<hbm>>
      %dma_wait3A_198 = tpu.memref_squeeze %dma_wait3A_197 : memref<1x272xi32, #tpu.memory_space<hbm>> -> memref<272xi32, #tpu.memory_space<hbm>>
      %dma_wait3A_199 = arith.constant 9728 : i32
      %dma_wait3A_200 = tpu.memref_slice %arg8[%dma_wait3A_199] : memref<10240xi32, #tpu.memory_space<vmem>> -> memref<272xi32, #tpu.memory_space<vmem>>
      %dma_wait3A_201 = tpu.memref_slice %arg4[%run_scoped3A_7, %add3A_6] : memref<2x320000xi32, #tpu.memory_space<hbm>> -> memref<1x272xi32, #tpu.memory_space<hbm>>
      %dma_wait3A_202 = tpu.memref_squeeze %dma_wait3A_201 : memref<1x272xi32, #tpu.memory_space<hbm>> -> memref<272xi32, #tpu.memory_space<hbm>>
      tpu.wait_dma2 semaphore(%run_scoped3A_186 : memref<!tpu.dma_semaphore, #tpu.memory_space<semaphore_mem>>) src(%dma_wait3A_202 : memref<272xi32, #tpu.memory_space<hbm>>) dst(%dma_wait3A_200 : memref<272xi32, #tpu.memory_space<vmem>>)
      tpu.yield
    }) : () -> ()
    %run_scoped3A_8 = arith.constant 1 : i32
    "tpu.region"() ({
      %run_scoped3A_186 = tpu.sem_alloc : memref<!tpu.dma_semaphore, #tpu.memory_space<semaphore_mem>>
      %dma_start3A_187 = arith.constant 0 : i32
      %dma_start3A_188 = tpu.memref_slice %arg9[%dma_start3A_187] : memref<10240xi32, #tpu.memory_space<vmem>> -> memref<9728xi32, #tpu.memory_space<vmem>>
      %dma_start3A_189 = tpu.memref_slice %arg4[%run_scoped3A_8, %mul3A_4] : memref<2x320000xi32, #tpu.memory_space<hbm>> -> memref<1x9728xi32, #tpu.memory_space<hbm>>
      %dma_start3A_190 = tpu.memref_squeeze %dma_start3A_189 : memref<1x9728xi32, #tpu.memory_space<hbm>> -> memref<9728xi32, #tpu.memory_space<hbm>>
      %dma_start3A_191 = arith.constant 0 : i32
      %dma_start3A_192 = tpu.memref_slice %arg9[%dma_start3A_191] : memref<10240xi32, #tpu.memory_space<vmem>> -> memref<9728xi32, #tpu.memory_space<vmem>>
      %dma_start3A_193 = tpu.memref_slice %arg4[%run_scoped3A_8, %mul3A_4] : memref<2x320000xi32, #tpu.memory_space<hbm>> -> memref<1x9728xi32, #tpu.memory_space<hbm>>
      %dma_start3A_194 = tpu.memref_squeeze %dma_start3A_193 : memref<1x9728xi32, #tpu.memory_space<hbm>> -> memref<9728xi32, #tpu.memory_space<hbm>>
      tpu.enqueue_dma source(%dma_start3A_194 : memref<9728xi32, #tpu.memory_space<hbm>>) target(%dma_start3A_192 : memref<9728xi32, #tpu.memory_space<vmem>>) target_semaphore(%run_scoped3A_186 : memref<!tpu.dma_semaphore, #tpu.memory_space<semaphore_mem>>)
      %dma_wait3A_195 = arith.constant 0 : i32
      %dma_wait3A_196 = tpu.memref_slice %arg9[%dma_wait3A_195] : memref<10240xi32, #tpu.memory_space<vmem>> -> memref<9728xi32, #tpu.memory_space<vmem>>
      %dma_wait3A_197 = tpu.memref_slice %arg4[%run_scoped3A_8, %mul3A_4] : memref<2x320000xi32, #tpu.memory_space<hbm>> -> memref<1x9728xi32, #tpu.memory_space<hbm>>
      %dma_wait3A_198 = tpu.memref_squeeze %dma_wait3A_197 : memref<1x9728xi32, #tpu.memory_space<hbm>> -> memref<9728xi32, #tpu.memory_space<hbm>>
      %dma_wait3A_199 = arith.constant 0 : i32
      %dma_wait3A_200 = tpu.memref_slice %arg9[%dma_wait3A_199] : memref<10240xi32, #tpu.memory_space<vmem>> -> memref<9728xi32, #tpu.memory_space<vmem>>
      %dma_wait3A_201 = tpu.memref_slice %arg4[%run_scoped3A_8, %mul3A_4] : memref<2x320000xi32, #tpu.memory_space<hbm>> -> memref<1x9728xi32, #tpu.memory_space<hbm>>
      %dma_wait3A_202 = tpu.memref_squeeze %dma_wait3A_201 : memref<1x9728xi32, #tpu.memory_space<hbm>> -> memref<9728xi32, #tpu.memory_space<hbm>>
      tpu.wait_dma2 semaphore(%run_scoped3A_186 : memref<!tpu.dma_semaphore, #tpu.memory_space<semaphore_mem>>) src(%dma_wait3A_202 : memref<9728xi32, #tpu.memory_space<hbm>>) dst(%dma_wait3A_200 : memref<9728xi32, #tpu.memory_space<vmem>>)
      tpu.yield
    }) : () -> ()
    %add3A_9 = arith.constant 9728 : i32
    %add3A_10 = arith.addi %mul3A_4, %add3A_9 : i32
    %run_scoped3A_11 = arith.constant 1 : i32
    "tpu.region"() ({
      %run_scoped3A_186 = tpu.sem_alloc : memref<!tpu.dma_semaphore, #tpu.memory_space<semaphore_mem>>
      %dma_start3A_187 = arith.constant 9728 : i32
      %dma_start3A_188 = tpu.memref_slice %arg9[%dma_start3A_187] : memref<10240xi32, #tpu.memory_space<vmem>> -> memref<272xi32, #tpu.memory_space<vmem>>
      %dma_start3A_189 = tpu.memref_slice %arg4[%run_scoped3A_11, %add3A_10] : memref<2x320000xi32, #tpu.memory_space<hbm>> -> memref<1x272xi32, #tpu.memory_space<hbm>>
      %dma_start3A_190 = tpu.memref_squeeze %dma_start3A_189 : memref<1x272xi32, #tpu.memory_space<hbm>> -> memref<272xi32, #tpu.memory_space<hbm>>
      %dma_start3A_191 = arith.constant 9728 : i32
      %dma_start3A_192 = tpu.memref_slice %arg9[%dma_start3A_191] : memref<10240xi32, #tpu.memory_space<vmem>> -> memref<272xi32, #tpu.memory_space<vmem>>
      %dma_start3A_193 = tpu.memref_slice %arg4[%run_scoped3A_11, %add3A_10] : memref<2x320000xi32, #tpu.memory_space<hbm>> -> memref<1x272xi32, #tpu.memory_space<hbm>>
      %dma_start3A_194 = tpu.memref_squeeze %dma_start3A_193 : memref<1x272xi32, #tpu.memory_space<hbm>> -> memref<272xi32, #tpu.memory_space<hbm>>
      tpu.enqueue_dma source(%dma_start3A_194 : memref<272xi32, #tpu.memory_space<hbm>>) target(%dma_start3A_192 : memref<272xi32, #tpu.memory_space<vmem>>) target_semaphore(%run_scoped3A_186 : memref<!tpu.dma_semaphore, #tpu.memory_space<semaphore_mem>>)
      %dma_wait3A_195 = arith.constant 9728 : i32
      %dma_wait3A_196 = tpu.memref_slice %arg9[%dma_wait3A_195] : memref<10240xi32, #tpu.memory_space<vmem>> -> memref<272xi32, #tpu.memory_space<vmem>>
      %dma_wait3A_197 = tpu.memref_slice %arg4[%run_scoped3A_11, %add3A_10] : memref<2x320000xi32, #tpu.memory_space<hbm>> -> memref<1x272xi32, #tpu.memory_space<hbm>>
      %dma_wait3A_198 = tpu.memref_squeeze %dma_wait3A_197 : memref<1x272xi32, #tpu.memory_space<hbm>> -> memref<272xi32, #tpu.memory_space<hbm>>
      %dma_wait3A_199 = arith.constant 9728 : i32
      %dma_wait3A_200 = tpu.memref_slice %arg9[%dma_wait3A_199] : memref<10240xi32, #tpu.memory_space<vmem>> -> memref<272xi32, #tpu.memory_space<vmem>>
      %dma_wait3A_201 = tpu.memref_slice %arg4[%run_scoped3A_11, %add3A_10] : memref<2x320000xi32, #tpu.memory_space<hbm>> -> memref<1x272xi32, #tpu.memory_space<hbm>>
      %dma_wait3A_202 = tpu.memref_squeeze %dma_wait3A_201 : memref<1x272xi32, #tpu.memory_space<hbm>> -> memref<272xi32, #tpu.memory_space<hbm>>
      tpu.wait_dma2 semaphore(%run_scoped3A_186 : memref<!tpu.dma_semaphore, #tpu.memory_space<semaphore_mem>>) src(%dma_wait3A_202 : memref<272xi32, #tpu.memory_space<hbm>>) dst(%dma_wait3A_200 : memref<272xi32, #tpu.memory_space<vmem>>)
      tpu.yield
    }) : () -> ()
    %broadcast_in_dim3A = arith.constant 0 : i32
    %broadcast_in_dim3A_12 = vector.broadcast %broadcast_in_dim3A : i32 to vector<16xi32>
    %swap3A = arith.constant 10000 : index
    %swap3A_13 = tpu.vector_load %arg8[%swap3A] {strides = array<i32>} : memref<10240xi32, #tpu.memory_space<vmem>>, vector<16xi32>,
    tpu.vector_store %arg8[%swap3A], %broadcast_in_dim3A_12 {strides = array<i32>} : memref<10240xi32, #tpu.memory_space<vmem>>, vector<16xi32>,
    %broadcast_in_dim3A_14 = arith.constant 10000 : i32
    %broadcast_in_dim3A_15 = vector.broadcast %broadcast_in_dim3A_14 : i32 to vector<16xi32>
    %swap3A_16 = arith.constant 10000 : index
    %swap3A_17 = tpu.vector_load %arg9[%swap3A_16] {strides = array<i32>} : memref<10240xi32, #tpu.memory_space<vmem>>, vector<16xi32>,
    tpu.vector_store %arg9[%swap3A_16], %broadcast_in_dim3A_15 {strides = array<i32>} : memref<10240xi32, #tpu.memory_space<vmem>>, vector<16xi32>,
    %broadcast_in_dim3A_18 = arith.constant 0 : i32
    %broadcast_in_dim3A_19 = vector.broadcast %broadcast_in_dim3A_18 : i32 to vector<16xi32>
    %swap3A_20 = arith.constant 10016 : index
    %swap3A_21 = tpu.vector_load %arg8[%swap3A_20] {strides = array<i32>} : memref<10240xi32, #tpu.memory_space<vmem>>, vector<16xi32>,
    tpu.vector_store %arg8[%swap3A_20], %broadcast_in_dim3A_19 {strides = array<i32>} : memref<10240xi32, #tpu.memory_space<vmem>>, vector<16xi32>,
    %broadcast_in_dim3A_22 = arith.constant 10000 : i32
    %broadcast_in_dim3A_23 = vector.broadcast %broadcast_in_dim3A_22 : i32 to vector<16xi32>
    %swap3A_24 = arith.constant 10016 : index
    %swap3A_25 = tpu.vector_load %arg9[%swap3A_24] {strides = array<i32>} : memref<10240xi32, #tpu.memory_space<vmem>>, vector<16xi32>,
    tpu.vector_store %arg9[%swap3A_24], %broadcast_in_dim3A_23 {strides = array<i32>} : memref<10240xi32, #tpu.memory_space<vmem>>, vector<16xi32>,
    %broadcast_in_dim3A_26 = arith.constant 0 : i32
    %broadcast_in_dim3A_27 = vector.broadcast %broadcast_in_dim3A_26 : i32 to vector<16xi32>
    %swap3A_28 = arith.constant 10032 : index
    %swap3A_29 = tpu.vector_load %arg8[%swap3A_28] {strides = array<i32>} : memref<10240xi32, #tpu.memory_space<vmem>>, vector<16xi32>,
    tpu.vector_store %arg8[%swap3A_28], %broadcast_in_dim3A_27 {strides = array<i32>} : memref<10240xi32, #tpu.memory_space<vmem>>, vector<16xi32>,
    %broadcast_in_dim3A_30 = arith.constant 10000 : i32
    %broadcast_in_dim3A_31 = vector.broadcast %broadcast_in_dim3A_30 : i32 to vector<16xi32>
    %swap3A_32 = arith.constant 10032 : index
    %swap3A_33 = tpu.vector_load %arg9[%swap3A_32] {strides = array<i32>} : memref<10240xi32, #tpu.memory_space<vmem>>, vector<16xi32>,
    tpu.vector_store %arg9[%swap3A_32], %broadcast_in_dim3A_31 {strides = array<i32>} : memref<10240xi32, #tpu.memory_space<vmem>>, vector<16xi32>,
    %broadcast_in_dim3A_34 = arith.constant 0 : i32
    %broadcast_in_dim3A_35 = vector.broadcast %broadcast_in_dim3A_34 : i32 to vector<16xi32>
    %swap3A_36 = arith.constant 10048 : index
    %swap3A_37 = tpu.vector_load %arg8[%swap3A_36] {strides = array<i32>} : memref<10240xi32, #tpu.memory_space<vmem>>, vector<16xi32>,
    tpu.vector_store %arg8[%swap3A_36], %broadcast_in_dim3A_35 {strides = array<i32>} : memref<10240xi32, #tpu.memory_space<vmem>>, vector<16xi32>,
    %broadcast_in_dim3A_38 = arith.constant 10000 : i32
    %broadcast_in_dim3A_39 = vector.broadcast %broadcast_in_dim3A_38 : i32 to vector<16xi32>
    %swap3A_40 = arith.constant 10048 : index
    %swap3A_41 = tpu.vector_load %arg9[%swap3A_40] {strides = array<i32>} : memref<10240xi32, #tpu.memory_space<vmem>>, vector<16xi32>,
    tpu.vector_store %arg9[%swap3A_40], %broadcast_in_dim3A_39 {strides = array<i32>} : memref<10240xi32, #tpu.memory_space<vmem>>, vector<16xi32>,
    %broadcast_in_dim3A_42 = arith.constant 0 : i32
    %broadcast_in_dim3A_43 = vector.broadcast %broadcast_in_dim3A_42 : i32 to vector<16xi32>
    %swap3A_44 = arith.constant 10064 : index
    %swap3A_45 = tpu.vector_load %arg8[%swap3A_44] {strides = array<i32>} : memref<10240xi32, #tpu.memory_space<vmem>>, vector<16xi32>,
    tpu.vector_store %arg8[%swap3A_44], %broadcast_in_dim3A_43 {strides = array<i32>} : memref<10240xi32, #tpu.memory_space<vmem>>, vector<16xi32>,
    %broadcast_in_dim3A_46 = arith.constant 10000 : i32
    %broadcast_in_dim3A_47 = vector.broadcast %broadcast_in_dim3A_46 : i32 to vector<16xi32>
    %swap3A_48 = arith.constant 10064 : index
    %swap3A_49 = tpu.vector_load %arg9[%swap3A_48] {strides = array<i32>} : memref<10240xi32, #tpu.memory_space<vmem>>, vector<16xi32>,
    tpu.vector_store %arg9[%swap3A_48], %broadcast_in_dim3A_47 {strides = array<i32>} : memref<10240xi32, #tpu.memory_space<vmem>>, vector<16xi32>,
    %broadcast_in_dim3A_50 = arith.constant 0 : i32
    %broadcast_in_dim3A_51 = vector.broadcast %broadcast_in_dim3A_50 : i32 to vector<16xi32>
    %swap3A_52 = arith.constant 10080 : index
    %swap3A_53 = tpu.vector_load %arg8[%swap3A_52] {strides = array<i32>} : memref<10240xi32, #tpu.memory_space<vmem>>, vector<16xi32>,
    tpu.vector_store %arg8[%swap3A_52], %broadcast_in_dim3A_51 {strides = array<i32>} : memref<10240xi32, #tpu.memory_space<vmem>>, vector<16xi32>,
    %broadcast_in_dim3A_54 = arith.constant 10000 : i32
    %broadcast_in_dim3A_55 = vector.broadcast %broadcast_in_dim3A_54 : i32 to vector<16xi32>
    %swap3A_56 = arith.constant 10080 : index
    %swap3A_57 = tpu.vector_load %arg9[%swap3A_56] {strides = array<i32>} : memref<10240xi32, #tpu.memory_space<vmem>>, vector<16xi32>,
    tpu.vector_store %arg9[%swap3A_56], %broadcast_in_dim3A_55 {strides = array<i32>} : memref<10240xi32, #tpu.memory_space<vmem>>, vector<16xi32>,
    %broadcast_in_dim3A_58 = arith.constant 0 : i32
    %broadcast_in_dim3A_59 = vector.broadcast %broadcast_in_dim3A_58 : i32 to vector<16xi32>
    %swap3A_60 = arith.constant 10096 : index
    %swap3A_61 = tpu.vector_load %arg8[%swap3A_60] {strides = array<i32>} : memref<10240xi32, #tpu.memory_space<vmem>>, vector<16xi32>,
    tpu.vector_store %arg8[%swap3A_60], %broadcast_in_dim3A_59 {strides = array<i32>} : memref<10240xi32, #tpu.memory_space<vmem>>, vector<16xi32>,
    %broadcast_in_dim3A_62 = arith.constant 10000 : i32
    %broadcast_in_dim3A_63 = vector.broadcast %broadcast_in_dim3A_62 : i32 to vector<16xi32>
    %swap3A_64 = arith.constant 10096 : index
    %swap3A_65 = tpu.vector_load %arg9[%swap3A_64] {strides = array<i32>} : memref<10240xi32, #tpu.memory_space<vmem>>, vector<16xi32>,
    tpu.vector_store %arg9[%swap3A_64], %broadcast_in_dim3A_63 {strides = array<i32>} : memref<10240xi32, #tpu.memory_space<vmem>>, vector<16xi32>,
    %broadcast_in_dim3A_66 = arith.constant 0 : i32
    %broadcast_in_dim3A_67 = vector.broadcast %broadcast_in_dim3A_66 : i32 to vector<16xi32>
    %swap3A_68 = arith.constant 10112 : index
    %swap3A_69 = tpu.vector_load %arg8[%swap3A_68] {strides = array<i32>} : memref<10240xi32, #tpu.memory_space<vmem>>, vector<16xi32>,
    tpu.vector_store %arg8[%swap3A_68], %broadcast_in_dim3A_67 {strides = array<i32>} : memref<10240xi32, #tpu.memory_space<vmem>>, vector<16xi32>,
    %broadcast_in_dim3A_70 = arith.constant 10000 : i32
    %broadcast_in_dim3A_71 = vector.broadcast %broadcast_in_dim3A_70 : i32 to vector<16xi32>
    %swap3A_72 = arith.constant 10112 : index
    %swap3A_73 = tpu.vector_load %arg9[%swap3A_72] {strides = array<i32>} : memref<10240xi32, #tpu.memory_space<vmem>>, vector<16xi32>,
    tpu.vector_store %arg9[%swap3A_72], %broadcast_in_dim3A_71 {strides = array<i32>} : memref<10240xi32, #tpu.memory_space<vmem>>, vector<16xi32>,
    %broadcast_in_dim3A_74 = arith.constant 0 : i32
    %broadcast_in_dim3A_75 = vector.broadcast %broadcast_in_dim3A_74 : i32 to vector<16xi32>
    %swap3A_76 = arith.constant 10128 : index
    %swap3A_77 = tpu.vector_load %arg8[%swap3A_76] {strides = array<i32>} : memref<10240xi32, #tpu.memory_space<vmem>>, vector<16xi32>,
    tpu.vector_store %arg8[%swap3A_76], %broadcast_in_dim3A_75 {strides = array<i32>} : memref<10240xi32, #tpu.memory_space<vmem>>, vector<16xi32>,
    %broadcast_in_dim3A_78 = arith.constant 10000 : i32
    %broadcast_in_dim3A_79 = vector.broadcast %broadcast_in_dim3A_78 : i32 to vector<16xi32>
    %swap3A_80 = arith.constant 10128 : index
    %swap3A_81 = tpu.vector_load %arg9[%swap3A_80] {strides = array<i32>} : memref<10240xi32, #tpu.memory_space<vmem>>, vector<16xi32>,
    tpu.vector_store %arg9[%swap3A_80], %broadcast_in_dim3A_79 {strides = array<i32>} : memref<10240xi32, #tpu.memory_space<vmem>>, vector<16xi32>,
    %broadcast_in_dim3A_82 = arith.constant 0 : i32
    %broadcast_in_dim3A_83 = vector.broadcast %broadcast_in_dim3A_82 : i32 to vector<16xi32>
    %swap3A_84 = arith.constant 10144 : index
    %swap3A_85 = tpu.vector_load %arg8[%swap3A_84] {strides = array<i32>} : memref<10240xi32, #tpu.memory_space<vmem>>, vector<16xi32>,
    tpu.vector_store %arg8[%swap3A_84], %broadcast_in_dim3A_83 {strides = array<i32>} : memref<10240xi32, #tpu.memory_space<vmem>>, vector<16xi32>,
    %broadcast_in_dim3A_86 = arith.constant 10000 : i32
    %broadcast_in_dim3A_87 = vector.broadcast %broadcast_in_dim3A_86 : i32 to vector<16xi32>
    %swap3A_88 = arith.constant 10144 : index
    %swap3A_89 = tpu.vector_load %arg9[%swap3A_88] {strides = array<i32>} : memref<10240xi32, #tpu.memory_space<vmem>>, vector<16xi32>,
    tpu.vector_store %arg9[%swap3A_88], %broadcast_in_dim3A_87 {strides = array<i32>} : memref<10240xi32, #tpu.memory_space<vmem>>, vector<16xi32>,
    %broadcast_in_dim3A_90 = arith.constant 0 : i32
    %broadcast_in_dim3A_91 = vector.broadcast %broadcast_in_dim3A_90 : i32 to vector<16xi32>
    %swap3A_92 = arith.constant 10160 : index
    %swap3A_93 = tpu.vector_load %arg8[%swap3A_92] {strides = array<i32>} : memref<10240xi32, #tpu.memory_space<vmem>>, vector<16xi32>,
    tpu.vector_store %arg8[%swap3A_92], %broadcast_in_dim3A_91 {strides = array<i32>} : memref<10240xi32, #tpu.memory_space<vmem>>, vector<16xi32>,
    %broadcast_in_dim3A_94 = arith.constant 10000 : i32
    %broadcast_in_dim3A_95 = vector.broadcast %broadcast_in_dim3A_94 : i32 to vector<16xi32>
    %swap3A_96 = arith.constant 10160 : index
    %swap3A_97 = tpu.vector_load %arg9[%swap3A_96] {strides = array<i32>} : memref<10240xi32, #tpu.memory_space<vmem>>, vector<16xi32>,
    tpu.vector_store %arg9[%swap3A_96], %broadcast_in_dim3A_95 {strides = array<i32>} : memref<10240xi32, #tpu.memory_space<vmem>>, vector<16xi32>,
    %broadcast_in_dim3A_98 = arith.constant 0 : i32
    %broadcast_in_dim3A_99 = vector.broadcast %broadcast_in_dim3A_98 : i32 to vector<16xi32>
    %swap3A_100 = arith.constant 10176 : index
    %swap3A_101 = tpu.vector_load %arg8[%swap3A_100] {strides = array<i32>} : memref<10240xi32, #tpu.memory_space<vmem>>, vector<16xi32>,
    tpu.vector_store %arg8[%swap3A_100], %broadcast_in_dim3A_99 {strides = array<i32>} : memref<10240xi32, #tpu.memory_space<vmem>>, vector<16xi32>,
    %broadcast_in_dim3A_102 = arith.constant 10000 : i32
    %broadcast_in_dim3A_103 = vector.broadcast %broadcast_in_dim3A_102 : i32 to vector<16xi32>
    %swap3A_104 = arith.constant 10176 : index
    %swap3A_105 = tpu.vector_load %arg9[%swap3A_104] {strides = array<i32>} : memref<10240xi32, #tpu.memory_space<vmem>>, vector<16xi32>,
    tpu.vector_store %arg9[%swap3A_104], %broadcast_in_dim3A_103 {strides = array<i32>} : memref<10240xi32, #tpu.memory_space<vmem>>, vector<16xi32>,
    %broadcast_in_dim3A_106 = arith.constant 0 : i32
    %broadcast_in_dim3A_107 = vector.broadcast %broadcast_in_dim3A_106 : i32 to vector<16xi32>
    %swap3A_108 = arith.constant 10192 : index
    %swap3A_109 = tpu.vector_load %arg8[%swap3A_108] {strides = array<i32>} : memref<10240xi32, #tpu.memory_space<vmem>>, vector<16xi32>,
    tpu.vector_store %arg8[%swap3A_108], %broadcast_in_dim3A_107 {strides = array<i32>} : memref<10240xi32, #tpu.memory_space<vmem>>, vector<16xi32>,
    %broadcast_in_dim3A_110 = arith.constant 10000 : i32
    %broadcast_in_dim3A_111 = vector.broadcast %broadcast_in_dim3A_110 : i32 to vector<16xi32>
    %swap3A_112 = arith.constant 10192 : index
    %swap3A_113 = tpu.vector_load %arg9[%swap3A_112] {strides = array<i32>} : memref<10240xi32, #tpu.memory_space<vmem>>, vector<16xi32>,
    tpu.vector_store %arg9[%swap3A_112], %broadcast_in_dim3A_111 {strides = array<i32>} : memref<10240xi32, #tpu.memory_space<vmem>>, vector<16xi32>,
    %broadcast_in_dim3A_114 = arith.constant 0 : i32
    %broadcast_in_dim3A_115 = vector.broadcast %broadcast_in_dim3A_114 : i32 to vector<16xi32>
    %swap3A_116 = arith.constant 10208 : index
    %swap3A_117 = tpu.vector_load %arg8[%swap3A_116] {strides = array<i32>} : memref<10240xi32, #tpu.memory_space<vmem>>, vector<16xi32>,
    tpu.vector_store %arg8[%swap3A_116], %broadcast_in_dim3A_115 {strides = array<i32>} : memref<10240xi32, #tpu.memory_space<vmem>>, vector<16xi32>,
    %broadcast_in_dim3A_118 = arith.constant 10000 : i32
    %broadcast_in_dim3A_119 = vector.broadcast %broadcast_in_dim3A_118 : i32 to vector<16xi32>
    %swap3A_120 = arith.constant 10208 : index
    %swap3A_121 = tpu.vector_load %arg9[%swap3A_120] {strides = array<i32>} : memref<10240xi32, #tpu.memory_space<vmem>>, vector<16xi32>,
    tpu.vector_store %arg9[%swap3A_120], %broadcast_in_dim3A_119 {strides = array<i32>} : memref<10240xi32, #tpu.memory_space<vmem>>, vector<16xi32>,
    %broadcast_in_dim3A_122 = arith.constant 0 : i32
    %broadcast_in_dim3A_123 = vector.broadcast %broadcast_in_dim3A_122 : i32 to vector<16xi32>
    %swap3A_124 = arith.constant 10224 : index
    %swap3A_125 = tpu.vector_load %arg8[%swap3A_124] {strides = array<i32>} : memref<10240xi32, #tpu.memory_space<vmem>>, vector<16xi32>,
    tpu.vector_store %arg8[%swap3A_124], %broadcast_in_dim3A_123 {strides = array<i32>} : memref<10240xi32, #tpu.memory_space<vmem>>, vector<16xi32>,
    %broadcast_in_dim3A_126 = arith.constant 10000 : i32
    %broadcast_in_dim3A_127 = vector.broadcast %broadcast_in_dim3A_126 : i32 to vector<16xi32>
    %swap3A_128 = arith.constant 10224 : index
    %swap3A_129 = tpu.vector_load %arg9[%swap3A_128] {strides = array<i32>} : memref<10240xi32, #tpu.memory_space<vmem>>, vector<16xi32>,
    tpu.vector_store %arg9[%swap3A_128], %broadcast_in_dim3A_127 {strides = array<i32>} : memref<10240xi32, #tpu.memory_space<vmem>>, vector<16xi32>,
    %run_scoped3A_130 = arith.constant 0 : i32
    "tpu.region"() ({
      %run_scoped3A_186 = tpu.sem_alloc : memref<!tpu.dma_semaphore, #tpu.memory_space<semaphore_mem>>
      %dma_start3A_187 = arith.constant 0 : i32
      %dma_start3A_188 = tpu.memref_slice %arg2[%run_scoped3A_130, %mul3A_2, %dma_start3A_187] : memref<2x10112x16xf32, #tpu.memory_space<hbm>> -> memref<1x632x16xf32, #tpu.memory_space<hbm>>
      %dma_start3A_189 = tpu.memref_squeeze %dma_start3A_188 : memref<1x632x16xf32, #tpu.memory_space<hbm>> -> memref<632x16xf32, #tpu.memory_space<hbm>>
      %dma_start3A_190 = arith.constant 0 : i32
      %dma_start3A_191 = tpu.memref_slice %arg2[%run_scoped3A_130, %mul3A_2, %dma_start3A_190] : memref<2x10112x16xf32, #tpu.memory_space<hbm>> -> memref<1x632x16xf32, #tpu.memory_space<hbm>>
      %dma_start3A_192 = tpu.memref_squeeze %dma_start3A_191 : memref<1x632x16xf32, #tpu.memory_space<hbm>> -> memref<632x16xf32, #tpu.memory_space<hbm>>
      tpu.enqueue_dma source(%dma_start3A_192 : memref<632x16xf32, #tpu.memory_space<hbm>>) target(%arg20 : memref<632x16xf32, #tpu.memory_space<vmem>>) target_semaphore(%run_scoped3A_186 : memref<!tpu.dma_semaphore, #tpu.memory_space<semaphore_mem>>)
      %dma_wait3A_193 = arith.constant 0 : i32
      %dma_wait3A_194 = tpu.memref_slice %arg2[%run_scoped3A_130, %mul3A_2, %dma_wait3A_193] : memref<2x10112x16xf32, #tpu.memory_space<hbm>> -> memref<1x632x16xf32, #tpu.memory_space<hbm>>
      %dma_wait3A_195 = tpu.memref_squeeze %dma_wait3A_194 : memref<1x632x16xf32, #tpu.memory_space<hbm>> -> memref<632x16xf32, #tpu.memory_space<hbm>>
      %dma_wait3A_196 = arith.constant 0 : i32
      %dma_wait3A_197 = tpu.memref_slice %arg2[%run_scoped3A_130, %mul3A_2, %dma_wait3A_196] : memref<2x10112x16xf32, #tpu.memory_space<hbm>> -> memref<1x632x16xf32, #tpu.memory_space<hbm>>
      %dma_wait3A_198 = tpu.memref_squeeze %dma_wait3A_197 : memref<1x632x16xf32, #tpu.memory_space<hbm>> -> memref<632x16xf32, #tpu.memory_space<hbm>>
      tpu.wait_dma2 semaphore(%run_scoped3A_186 : memref<!tpu.dma_semaphore, #tpu.memory_space<semaphore_mem>>) src(%dma_wait3A_198 : memref<632x16xf32, #tpu.memory_space<hbm>>) dst(%arg20 : memref<632x16xf32, #tpu.memory_space<vmem>>)
      tpu.yield
    }) : () -> ()
    %run_scoped3A_131 = arith.constant 1 : i32
    "tpu.region"() ({
      %run_scoped3A_186 = tpu.sem_alloc : memref<!tpu.dma_semaphore, #tpu.memory_space<semaphore_mem>>
      %dma_start3A_187 = arith.constant 0 : i32
      %dma_start3A_188 = tpu.memref_slice %arg2[%run_scoped3A_131, %mul3A_2, %dma_start3A_187] : memref<2x10112x16xf32, #tpu.memory_space<hbm>> -> memref<1x632x16xf32, #tpu.memory_space<hbm>>
      %dma_start3A_189 = tpu.memref_squeeze %dma_start3A_188 : memref<1x632x16xf32, #tpu.memory_space<hbm>> -> memref<632x16xf32, #tpu.memory_space<hbm>>
      %dma_start3A_190 = arith.constant 0 : i32
      %dma_start3A_191 = tpu.memref_slice %arg2[%run_scoped3A_131, %mul3A_2, %dma_start3A_190] : memref<2x10112x16xf32, #tpu.memory_space<hbm>> -> memref<1x632x16xf32, #tpu.memory_space<hbm>>
      %dma_start3A_192 = tpu.memref_squeeze %dma_start3A_191 : memref<1x632x16xf32, #tpu.memory_space<hbm>> -> memref<632x16xf32, #tpu.memory_space<hbm>>
      tpu.enqueue_dma source(%dma_start3A_192 : memref<632x16xf32, #tpu.memory_space<hbm>>) target(%arg21 : memref<632x16xf32, #tpu.memory_space<vmem>>) target_semaphore(%run_scoped3A_186 : memref<!tpu.dma_semaphore, #tpu.memory_space<semaphore_mem>>)
      %dma_wait3A_193 = arith.constant 0 : i32
      %dma_wait3A_194 = tpu.memref_slice %arg2[%run_scoped3A_131, %mul3A_2, %dma_wait3A_193] : memref<2x10112x16xf32, #tpu.memory_space<hbm>> -> memref<1x632x16xf32, #tpu.memory_space<hbm>>
      %dma_wait3A_195 = tpu.memref_squeeze %dma_wait3A_194 : memref<1x632x16xf32, #tpu.memory_space<hbm>> -> memref<632x16xf32, #tpu.memory_space<hbm>>
      %dma_wait3A_196 = arith.constant 0 : i32
      %dma_wait3A_197 = tpu.memref_slice %arg2[%run_scoped3A_131, %mul3A_2, %dma_wait3A_196] : memref<2x10112x16xf32, #tpu.memory_space<hbm>> -> memref<1x632x16xf32, #tpu.memory_space<hbm>>
      %dma_wait3A_198 = tpu.memref_squeeze %dma_wait3A_197 : memref<1x632x16xf32, #tpu.memory_space<hbm>> -> memref<632x16xf32, #tpu.memory_space<hbm>>
      tpu.wait_dma2 semaphore(%run_scoped3A_186 : memref<!tpu.dma_semaphore, #tpu.memory_space<semaphore_mem>>) src(%dma_wait3A_198 : memref<632x16xf32, #tpu.memory_space<hbm>>) dst(%arg21 : memref<632x16xf32, #tpu.memory_space<vmem>>)
      tpu.yield
    }) : () -> ()
    "tpu.region"() ({
      %run_scoped3A_186 = tpu.sem_alloc : memref<!tpu.dma_semaphore, #tpu.memory_space<semaphore_mem>>
      %dma_start3A_187 = arith.constant 0 : i32
      %dma_start3A_188 = tpu.memref_slice %arg3[%mul3A_2, %dma_start3A_187] : memref<10112x16xf32, #tpu.memory_space<hbm>> -> memref<632x16xf32, #tpu.memory_space<hbm>>
      %dma_start3A_189 = arith.constant 0 : i32
      %dma_start3A_190 = tpu.memref_slice %arg3[%mul3A_2, %dma_start3A_189] : memref<10112x16xf32, #tpu.memory_space<hbm>> -> memref<632x16xf32, #tpu.memory_space<hbm>>
      tpu.enqueue_dma source(%dma_start3A_190 : memref<632x16xf32, #tpu.memory_space<hbm>>) target(%arg22 : memref<632x16xf32, #tpu.memory_space<vmem>>) target_semaphore(%run_scoped3A_186 : memref<!tpu.dma_semaphore, #tpu.memory_space<semaphore_mem>>)
      %dma_wait3A_191 = arith.constant 0 : i32
      %dma_wait3A_192 = tpu.memref_slice %arg3[%mul3A_2, %dma_wait3A_191] : memref<10112x16xf32, #tpu.memory_space<hbm>> -> memref<632x16xf32, #tpu.memory_space<hbm>>
      %dma_wait3A_193 = arith.constant 0 : i32
      %dma_wait3A_194 = tpu.memref_slice %arg3[%mul3A_2, %dma_wait3A_193] : memref<10112x16xf32, #tpu.memory_space<hbm>> -> memref<632x16xf32, #tpu.memory_space<hbm>>
      tpu.wait_dma2 semaphore(%run_scoped3A_186 : memref<!tpu.dma_semaphore, #tpu.memory_space<semaphore_mem>>) src(%dma_wait3A_194 : memref<632x16xf32, #tpu.memory_space<hbm>>) dst(%arg22 : memref<632x16xf32, #tpu.memory_space<vmem>>)
      tpu.yield
    }) : () -> ()
    "tpu.region"() ({
      %run_scoped3A_186 = tpu.sem_alloc : memref<!tpu.dma_semaphore, #tpu.memory_space<semaphore_mem>>
      %dma_start3A_187 = arith.constant 0 : i32
      %dma_start3A_188 = tpu.memref_slice %arg5[%mul3A_2, %dma_start3A_187] : memref<10112x16xf32, #tpu.memory_space<hbm>> -> memref<632x16xf32, #tpu.memory_space<hbm>>
      %dma_start3A_189 = arith.constant 0 : i32
      %dma_start3A_190 = tpu.memref_slice %arg5[%mul3A_2, %dma_start3A_189] : memref<10112x16xf32, #tpu.memory_space<hbm>> -> memref<632x16xf32, #tpu.memory_space<hbm>>
      tpu.enqueue_dma source(%dma_start3A_190 : memref<632x16xf32, #tpu.memory_space<hbm>>) target(%arg23 : memref<632x16xf32, #tpu.memory_space<vmem>>) target_semaphore(%run_scoped3A_186 : memref<!tpu.dma_semaphore, #tpu.memory_space<semaphore_mem>>)
      %dma_wait3A_191 = arith.constant 0 : i32
      %dma_wait3A_192 = tpu.memref_slice %arg5[%mul3A_2, %dma_wait3A_191] : memref<10112x16xf32, #tpu.memory_space<hbm>> -> memref<632x16xf32, #tpu.memory_space<hbm>>
      %dma_wait3A_193 = arith.constant 0 : i32
      %dma_wait3A_194 = tpu.memref_slice %arg5[%mul3A_2, %dma_wait3A_193] : memref<10112x16xf32, #tpu.memory_space<hbm>> -> memref<632x16xf32, #tpu.memory_space<hbm>>
      tpu.wait_dma2 semaphore(%run_scoped3A_186 : memref<!tpu.dma_semaphore, #tpu.memory_space<semaphore_mem>>) src(%dma_wait3A_194 : memref<632x16xf32, #tpu.memory_space<hbm>>) dst(%arg23 : memref<632x16xf32, #tpu.memory_space<vmem>>)
      tpu.yield
    }) : () -> ()
    %iota3A = tpu.iota {dimensions = array<i32: 0>} : vector<16xi32>
    %scan3A = arith.constant 0 : i32
    %scan3A_132 = arith.constant 0 : i32
    %scan3A_133 = arith.constant 40 : i32
    %scan3A_134 = arith.addi %scan3A_132, %scan3A_133 : i32
    %scan3A_135 = arith.constant 1 : i32
    scf.for %scan3A_186 = %scan3A_132 to %scan3A_134 step %scan3A_135  : i32 {
      %mul3A_187 = arith.constant 16 : i32
      %mul3A_188 = arith.muli %scan3A_186, %mul3A_187 : i32
      %add3A_189 = vector.broadcast %mul3A_188 : i32 to vector<16xi32>
      %add3A_190 = arith.addi %add3A_189, %iota3A : vector<16xi32>
      %min3A_191 = arith.constant 631 : i32
      %min3A_192 = vector.broadcast %min3A_191 : i32 to vector<16xi32>
      %min3A_193 = arith.minsi %add3A_190, %min3A_192 : vector<16xi32>
      %broadcast_in_dim3A_194 = arith.constant 8 : i32
      %broadcast_in_dim3A_195 = vector.broadcast %broadcast_in_dim3A_194 : i32 to vector<16xi32>
      %gather3A = tpu.vector_load_idx %arg20[%min3A_193, %broadcast_in_dim3A_195] : memref<632x16xf32, #tpu.memory_space<vmem>>[vector<16xi32>, vector<16xi32>], vector<16xf32>,
      %broadcast_in_dim3A_196 = arith.constant 8 : i32
      %broadcast_in_dim3A_197 = vector.broadcast %broadcast_in_dim3A_196 : i32 to vector<16xi32>
      %gather3A_198 = tpu.vector_load_idx %arg21[%min3A_193, %broadcast_in_dim3A_197] : memref<632x16xf32, #tpu.memory_space<vmem>>[vector<16xi32>, vector<16xi32>], vector<16xf32>,
      %add3A_199 = arith.addf %gather3A, %gather3A_198 : vector<16xf32>
      %max3A = arith.constant 1.000000e+00 : f32
      %max3A_200 = vector.broadcast %max3A : f32 to vector<16xf32>
      %max3A_201 = arith.maximumf %add3A_199, %max3A_200 : vector<16xf32>
      %div3A = arith.constant 1.000000e+00 : f32
      %div3A_202 = vector.broadcast %div3A : f32 to vector<16xf32>
      %div3A_203 = arith.divf %div3A_202, %max3A_201 : vector<16xf32>
      %broadcast_in_dim3A_204 = arith.constant 8 : i32
      %broadcast_in_dim3A_205 = vector.broadcast %broadcast_in_dim3A_204 : i32 to vector<16xi32>
      tpu.vector_store_idx %arg23[%min3A_193, %broadcast_in_dim3A_205], %div3A_203 : memref<632x16xf32, #tpu.memory_space<vmem>>[vector<16xi32>, vector<16xi32>], vector<16xf32>,
      %broadcast_in_dim3A_206 = arith.constant 0 : i32
      %broadcast_in_dim3A_207 = vector.broadcast %broadcast_in_dim3A_206 : i32 to vector<16xi32>
      %gather3A_208 = tpu.vector_load_idx %arg20[%min3A_193, %broadcast_in_dim3A_207] : memref<632x16xf32, #tpu.memory_space<vmem>>[vector<16xi32>, vector<16xi32>], vector<16xf32>,
      %broadcast_in_dim3A_209 = arith.constant 0 : i32
      %broadcast_in_dim3A_210 = vector.broadcast %broadcast_in_dim3A_209 : i32 to vector<16xi32>
      %gather3A_211 = tpu.vector_load_idx %arg21[%min3A_193, %broadcast_in_dim3A_210] : memref<632x16xf32, #tpu.memory_space<vmem>>[vector<16xi32>, vector<16xi32>], vector<16xf32>,
      %add3A_212 = arith.addf %gather3A_208, %gather3A_211 : vector<16xf32>
      %mul3A_213 = arith.mulf %add3A_212, %div3A_203 : vector<16xf32>
      %broadcast_in_dim3A_214 = arith.constant 0 : i32
      %broadcast_in_dim3A_215 = vector.broadcast %broadcast_in_dim3A_214 : i32 to vector<16xi32>
      %gather3A_216 = tpu.vector_load_idx %arg22[%min3A_193, %broadcast_in_dim3A_215] : memref<632x16xf32, #tpu.memory_space<vmem>>[vector<16xi32>, vector<16xi32>], vector<16xf32>,
      %add3A_217 = arith.addf %mul3A_213, %gather3A_216 : vector<16xf32>
      %max3A_218 = arith.constant 0.000000e+00 : f32
      %max3A_219 = vector.broadcast %max3A_218 : f32 to vector<16xf32>
      %max3A_220 = arith.maximumf %add3A_217, %max3A_219 : vector<16xf32>
      %broadcast_in_dim3A_221 = arith.constant 0 : i32
      %broadcast_in_dim3A_222 = vector.broadcast %broadcast_in_dim3A_221 : i32 to vector<16xi32>
      tpu.vector_store_idx %arg23[%min3A_193, %broadcast_in_dim3A_222], %max3A_220 : memref<632x16xf32, #tpu.memory_space<vmem>>[vector<16xi32>, vector<16xi32>], vector<16xf32>,
      %broadcast_in_dim3A_223 = arith.constant 1 : i32
      %broadcast_in_dim3A_224 = vector.broadcast %broadcast_in_dim3A_223 : i32 to vector<16xi32>
      %gather3A_225 = tpu.vector_load_idx %arg20[%min3A_193, %broadcast_in_dim3A_224] : memref<632x16xf32, #tpu.memory_space<vmem>>[vector<16xi32>, vector<16xi32>], vector<16xf32>,
      %broadcast_in_dim3A_226 = arith.constant 1 : i32
      %broadcast_in_dim3A_227 = vector.broadcast %broadcast_in_dim3A_226 : i32 to vector<16xi32>
      %gather3A_228 = tpu.vector_load_idx %arg21[%min3A_193, %broadcast_in_dim3A_227] : memref<632x16xf32, #tpu.memory_space<vmem>>[vector<16xi32>, vector<16xi32>], vector<16xf32>,
      %add3A_229 = arith.addf %gather3A_225, %gather3A_228 : vector<16xf32>
      %mul3A_230 = arith.mulf %add3A_229, %div3A_203 : vector<16xf32>
      %broadcast_in_dim3A_231 = arith.constant 1 : i32
      %broadcast_in_dim3A_232 = vector.broadcast %broadcast_in_dim3A_231 : i32 to vector<16xi32>
      %gather3A_233 = tpu.vector_load_idx %arg22[%min3A_193, %broadcast_in_dim3A_232] : memref<632x16xf32, #tpu.memory_space<vmem>>[vector<16xi32>, vector<16xi32>], vector<16xf32>,
      %add3A_234 = arith.addf %mul3A_230, %gather3A_233 : vector<16xf32>
      %max3A_235 = arith.constant 0.000000e+00 : f32
      %max3A_236 = vector.broadcast %max3A_235 : f32 to vector<16xf32>
      %max3A_237 = arith.maximumf %add3A_234, %max3A_236 : vector<16xf32>
      %broadcast_in_dim3A_238 = arith.constant 1 : i32
      %broadcast_in_dim3A_239 = vector.broadcast %broadcast_in_dim3A_238 : i32 to vector<16xi32>
      tpu.vector_store_idx %arg23[%min3A_193, %broadcast_in_dim3A_239], %max3A_237 : memref<632x16xf32, #tpu.memory_space<vmem>>[vector<16xi32>, vector<16xi32>], vector<16xf32>,
      %broadcast_in_dim3A_240 = arith.constant 2 : i32
      %broadcast_in_dim3A_241 = vector.broadcast %broadcast_in_dim3A_240 : i32 to vector<16xi32>
      %gather3A_242 = tpu.vector_load_idx %arg20[%min3A_193, %broadcast_in_dim3A_241] : memref<632x16xf32, #tpu.memory_space<vmem>>[vector<16xi32>, vector<16xi32>], vector<16xf32>,
      %broadcast_in_dim3A_243 = arith.constant 2 : i32
      %broadcast_in_dim3A_244 = vector.broadcast %broadcast_in_dim3A_243 : i32 to vector<16xi32>
      %gather3A_245 = tpu.vector_load_idx %arg21[%min3A_193, %broadcast_in_dim3A_244] : memref<632x16xf32, #tpu.memory_space<vmem>>[vector<16xi32>, vector<16xi32>], vector<16xf32>,
      %add3A_246 = arith.addf %gather3A_242, %gather3A_245 : vector<16xf32>
      %mul3A_247 = arith.mulf %add3A_246, %div3A_203 : vector<16xf32>
      %broadcast_in_dim3A_248 = arith.constant 2 : i32
      %broadcast_in_dim3A_249 = vector.broadcast %broadcast_in_dim3A_248 : i32 to vector<16xi32>
      %gather3A_250 = tpu.vector_load_idx %arg22[%min3A_193, %broadcast_in_dim3A_249] : memref<632x16xf32, #tpu.memory_space<vmem>>[vector<16xi32>, vector<16xi32>], vector<16xf32>,
      %add3A_251 = arith.addf %mul3A_247, %gather3A_250 : vector<16xf32>
      %max3A_252 = arith.constant 0.000000e+00 : f32
      %max3A_253 = vector.broadcast %max3A_252 : f32 to vector<16xf32>
      %max3A_254 = arith.maximumf %add3A_251, %max3A_253 : vector<16xf32>
      %broadcast_in_dim3A_255 = arith.constant 2 : i32
      %broadcast_in_dim3A_256 = vector.broadcast %broadcast_in_dim3A_255 : i32 to vector<16xi32>
      tpu.vector_store_idx %arg23[%min3A_193, %broadcast_in_dim3A_256], %max3A_254 : memref<632x16xf32, #tpu.memory_space<vmem>>[vector<16xi32>, vector<16xi32>], vector<16xf32>,
      %broadcast_in_dim3A_257 = arith.constant 3 : i32
      %broadcast_in_dim3A_258 = vector.broadcast %broadcast_in_dim3A_257 : i32 to vector<16xi32>
      %gather3A_259 = tpu.vector_load_idx %arg20[%min3A_193, %broadcast_in_dim3A_258] : memref<632x16xf32, #tpu.memory_space<vmem>>[vector<16xi32>, vector<16xi32>], vector<16xf32>,
      %broadcast_in_dim3A_260 = arith.constant 3 : i32
      %broadcast_in_dim3A_261 = vector.broadcast %broadcast_in_dim3A_260 : i32 to vector<16xi32>
      %gather3A_262 = tpu.vector_load_idx %arg21[%min3A_193, %broadcast_in_dim3A_261] : memref<632x16xf32, #tpu.memory_space<vmem>>[vector<16xi32>, vector<16xi32>], vector<16xf32>,
      %add3A_263 = arith.addf %gather3A_259, %gather3A_262 : vector<16xf32>
      %mul3A_264 = arith.mulf %add3A_263, %div3A_203 : vector<16xf32>
      %broadcast_in_dim3A_265 = arith.constant 3 : i32
      %broadcast_in_dim3A_266 = vector.broadcast %broadcast_in_dim3A_265 : i32 to vector<16xi32>
      %gather3A_267 = tpu.vector_load_idx %arg22[%min3A_193, %broadcast_in_dim3A_266] : memref<632x16xf32, #tpu.memory_space<vmem>>[vector<16xi32>, vector<16xi32>], vector<16xf32>,
      %add3A_268 = arith.addf %mul3A_264, %gather3A_267 : vector<16xf32>
      %max3A_269 = arith.constant 0.000000e+00 : f32
      %max3A_270 = vector.broadcast %max3A_269 : f32 to vector<16xf32>
      %max3A_271 = arith.maximumf %add3A_268, %max3A_270 : vector<16xf32>
      %broadcast_in_dim3A_272 = arith.constant 3 : i32
      %broadcast_in_dim3A_273 = vector.broadcast %broadcast_in_dim3A_272 : i32 to vector<16xi32>
      tpu.vector_store_idx %arg23[%min3A_193, %broadcast_in_dim3A_273], %max3A_271 : memref<632x16xf32, #tpu.memory_space<vmem>>[vector<16xi32>, vector<16xi32>], vector<16xf32>,
      %broadcast_in_dim3A_274 = arith.constant 4 : i32
      %broadcast_in_dim3A_275 = vector.broadcast %broadcast_in_dim3A_274 : i32 to vector<16xi32>
      %gather3A_276 = tpu.vector_load_idx %arg20[%min3A_193, %broadcast_in_dim3A_275] : memref<632x16xf32, #tpu.memory_space<vmem>>[vector<16xi32>, vector<16xi32>], vector<16xf32>,
      %broadcast_in_dim3A_277 = arith.constant 4 : i32
      %broadcast_in_dim3A_278 = vector.broadcast %broadcast_in_dim3A_277 : i32 to vector<16xi32>
      %gather3A_279 = tpu.vector_load_idx %arg21[%min3A_193, %broadcast_in_dim3A_278] : memref<632x16xf32, #tpu.memory_space<vmem>>[vector<16xi32>, vector<16xi32>], vector<16xf32>,
      %add3A_280 = arith.addf %gather3A_276, %gather3A_279 : vector<16xf32>
      %mul3A_281 = arith.mulf %add3A_280, %div3A_203 : vector<16xf32>
      %broadcast_in_dim3A_282 = arith.constant 4 : i32
      %broadcast_in_dim3A_283 = vector.broadcast %broadcast_in_dim3A_282 : i32 to vector<16xi32>
      %gather3A_284 = tpu.vector_load_idx %arg22[%min3A_193, %broadcast_in_dim3A_283] : memref<632x16xf32, #tpu.memory_space<vmem>>[vector<16xi32>, vector<16xi32>], vector<16xf32>,
      %add3A_285 = arith.addf %mul3A_281, %gather3A_284 : vector<16xf32>
      %max3A_286 = arith.constant 0.000000e+00 : f32
      %max3A_287 = vector.broadcast %max3A_286 : f32 to vector<16xf32>
      %max3A_288 = arith.maximumf %add3A_285, %max3A_287 : vector<16xf32>
      %broadcast_in_dim3A_289 = arith.constant 4 : i32
      %broadcast_in_dim3A_290 = vector.broadcast %broadcast_in_dim3A_289 : i32 to vector<16xi32>
      tpu.vector_store_idx %arg23[%min3A_193, %broadcast_in_dim3A_290], %max3A_288 : memref<632x16xf32, #tpu.memory_space<vmem>>[vector<16xi32>, vector<16xi32>], vector<16xf32>,
      %broadcast_in_dim3A_291 = arith.constant 5 : i32
      %broadcast_in_dim3A_292 = vector.broadcast %broadcast_in_dim3A_291 : i32 to vector<16xi32>
      %gather3A_293 = tpu.vector_load_idx %arg20[%min3A_193, %broadcast_in_dim3A_292] : memref<632x16xf32, #tpu.memory_space<vmem>>[vector<16xi32>, vector<16xi32>], vector<16xf32>,
      %broadcast_in_dim3A_294 = arith.constant 5 : i32
      %broadcast_in_dim3A_295 = vector.broadcast %broadcast_in_dim3A_294 : i32 to vector<16xi32>
      %gather3A_296 = tpu.vector_load_idx %arg21[%min3A_193, %broadcast_in_dim3A_295] : memref<632x16xf32, #tpu.memory_space<vmem>>[vector<16xi32>, vector<16xi32>], vector<16xf32>,
      %add3A_297 = arith.addf %gather3A_293, %gather3A_296 : vector<16xf32>
      %mul3A_298 = arith.mulf %add3A_297, %div3A_203 : vector<16xf32>
      %broadcast_in_dim3A_299 = arith.constant 5 : i32
      %broadcast_in_dim3A_300 = vector.broadcast %broadcast_in_dim3A_299 : i32 to vector<16xi32>
      %gather3A_301 = tpu.vector_load_idx %arg22[%min3A_193, %broadcast_in_dim3A_300] : memref<632x16xf32, #tpu.memory_space<vmem>>[vector<16xi32>, vector<16xi32>], vector<16xf32>,
      %add3A_302 = arith.addf %mul3A_298, %gather3A_301 : vector<16xf32>
      %max3A_303 = arith.constant 0.000000e+00 : f32
      %max3A_304 = vector.broadcast %max3A_303 : f32 to vector<16xf32>
      %max3A_305 = arith.maximumf %add3A_302, %max3A_304 : vector<16xf32>
      %broadcast_in_dim3A_306 = arith.constant 5 : i32
      %broadcast_in_dim3A_307 = vector.broadcast %broadcast_in_dim3A_306 : i32 to vector<16xi32>
      tpu.vector_store_idx %arg23[%min3A_193, %broadcast_in_dim3A_307], %max3A_305 : memref<632x16xf32, #tpu.memory_space<vmem>>[vector<16xi32>, vector<16xi32>], vector<16xf32>,
      %broadcast_in_dim3A_308 = arith.constant 6 : i32
      %broadcast_in_dim3A_309 = vector.broadcast %broadcast_in_dim3A_308 : i32 to vector<16xi32>
      %gather3A_310 = tpu.vector_load_idx %arg20[%min3A_193, %broadcast_in_dim3A_309] : memref<632x16xf32, #tpu.memory_space<vmem>>[vector<16xi32>, vector<16xi32>], vector<16xf32>,
      %broadcast_in_dim3A_311 = arith.constant 6 : i32
      %broadcast_in_dim3A_312 = vector.broadcast %broadcast_in_dim3A_311 : i32 to vector<16xi32>
      %gather3A_313 = tpu.vector_load_idx %arg21[%min3A_193, %broadcast_in_dim3A_312] : memref<632x16xf32, #tpu.memory_space<vmem>>[vector<16xi32>, vector<16xi32>], vector<16xf32>,
      %add3A_314 = arith.addf %gather3A_310, %gather3A_313 : vector<16xf32>
      %mul3A_315 = arith.mulf %add3A_314, %div3A_203 : vector<16xf32>
      %broadcast_in_dim3A_316 = arith.constant 6 : i32
      %broadcast_in_dim3A_317 = vector.broadcast %broadcast_in_dim3A_316 : i32 to vector<16xi32>
      %gather3A_318 = tpu.vector_load_idx %arg22[%min3A_193, %broadcast_in_dim3A_317] : memref<632x16xf32, #tpu.memory_space<vmem>>[vector<16xi32>, vector<16xi32>], vector<16xf32>,
      %add3A_319 = arith.addf %mul3A_315, %gather3A_318 : vector<16xf32>
      %max3A_320 = arith.constant 0.000000e+00 : f32
      %max3A_321 = vector.broadcast %max3A_320 : f32 to vector<16xf32>
      %max3A_322 = arith.maximumf %add3A_319, %max3A_321 : vector<16xf32>
      %broadcast_in_dim3A_323 = arith.constant 6 : i32
      %broadcast_in_dim3A_324 = vector.broadcast %broadcast_in_dim3A_323 : i32 to vector<16xi32>
      tpu.vector_store_idx %arg23[%min3A_193, %broadcast_in_dim3A_324], %max3A_322 : memref<632x16xf32, #tpu.memory_space<vmem>>[vector<16xi32>, vector<16xi32>], vector<16xf32>,
      %broadcast_in_dim3A_325 = arith.constant 7 : i32
      %broadcast_in_dim3A_326 = vector.broadcast %broadcast_in_dim3A_325 : i32 to vector<16xi32>
      %gather3A_327 = tpu.vector_load_idx %arg20[%min3A_193, %broadcast_in_dim3A_326] : memref<632x16xf32, #tpu.memory_space<vmem>>[vector<16xi32>, vector<16xi32>], vector<16xf32>,
      %broadcast_in_dim3A_328 = arith.constant 7 : i32
      %broadcast_in_dim3A_329 = vector.broadcast %broadcast_in_dim3A_328 : i32 to vector<16xi32>
      %gather3A_330 = tpu.vector_load_idx %arg21[%min3A_193, %broadcast_in_dim3A_329] : memref<632x16xf32, #tpu.memory_space<vmem>>[vector<16xi32>, vector<16xi32>], vector<16xf32>,
      %add3A_331 = arith.addf %gather3A_327, %gather3A_330 : vector<16xf32>
      %mul3A_332 = arith.mulf %add3A_331, %div3A_203 : vector<16xf32>
      %broadcast_in_dim3A_333 = arith.constant 7 : i32
      %broadcast_in_dim3A_334 = vector.broadcast %broadcast_in_dim3A_333 : i32 to vector<16xi32>
      %gather3A_335 = tpu.vector_load_idx %arg22[%min3A_193, %broadcast_in_dim3A_334] : memref<632x16xf32, #tpu.memory_space<vmem>>[vector<16xi32>, vector<16xi32>], vector<16xf32>,
      %add3A_336 = arith.addf %mul3A_332, %gather3A_335 : vector<16xf32>
      %max3A_337 = arith.constant 0.000000e+00 : f32
      %max3A_338 = vector.broadcast %max3A_337 : f32 to vector<16xf32>
      %max3A_339 = arith.maximumf %add3A_336, %max3A_338 : vector<16xf32>
      %broadcast_in_dim3A_340 = arith.constant 7 : i32
      %broadcast_in_dim3A_341 = vector.broadcast %broadcast_in_dim3A_340 : i32 to vector<16xi32>
      tpu.vector_store_idx %arg23[%min3A_193, %broadcast_in_dim3A_341], %max3A_339 : memref<632x16xf32, #tpu.memory_space<vmem>>[vector<16xi32>, vector<16xi32>], vector<16xf32>,
    }
    %scan3A_136 = arith.constant 40 : i32
    "tpu.region"() ({
      %run_scoped3A_186 = tpu.sem_alloc : memref<!tpu.dma_semaphore, #tpu.memory_space<semaphore_mem>>
      %dma_start3A_187 = arith.constant 0 : i32
      %dma_start3A_188 = tpu.memref_slice %arg14[%mul3A_2, %dma_start3A_187] : memref<10112x16xf32, #tpu.memory_space<vmem_shared>> -> memref<632x16xf32, #tpu.memory_space<vmem_shared>>
      %dma_start3A_189 = arith.constant 0 : i32
      %dma_start3A_190 = tpu.memref_slice %arg14[%mul3A_2, %dma_start3A_189] : memref<10112x16xf32, #tpu.memory_space<vmem_shared>> -> memref<632x16xf32, #tpu.memory_space<vmem_shared>>
      tpu.enqueue_dma source(%arg23 : memref<632x16xf32, #tpu.memory_space<vmem>>) target(%dma_start3A_190 : memref<632x16xf32, #tpu.memory_space<vmem_shared>>) target_semaphore(%run_scoped3A_186 : memref<!tpu.dma_semaphore, #tpu.memory_space<semaphore_mem>>)
      %dma_wait3A_191 = arith.constant 0 : i32
      %dma_wait3A_192 = tpu.memref_slice %arg14[%mul3A_2, %dma_wait3A_191] : memref<10112x16xf32, #tpu.memory_space<vmem_shared>> -> memref<632x16xf32, #tpu.memory_space<vmem_shared>>
      %dma_wait3A_193 = arith.constant 0 : i32
      %dma_wait3A_194 = tpu.memref_slice %arg14[%mul3A_2, %dma_wait3A_193] : memref<10112x16xf32, #tpu.memory_space<vmem_shared>> -> memref<632x16xf32, #tpu.memory_space<vmem_shared>>
      tpu.wait_dma2 semaphore(%run_scoped3A_186 : memref<!tpu.dma_semaphore, #tpu.memory_space<semaphore_mem>>) src(%arg23 : memref<632x16xf32, #tpu.memory_space<vmem>>) dst(%dma_wait3A_194 : memref<632x16xf32, #tpu.memory_space<vmem_shared>>)
      tpu.yield
    }) : () -> ()
    %eq3A = arith.constant 0 : i32
    %eq3A_137 = arith.cmpi eq, %arg0, %eq3A : i32
    %convert_element_type3A = arith.extui %eq3A_137 : i1 to i32
    %cond3A = arith.constant 0 : i32
    %cond3A_138 = arith.cmpi ne, %convert_element_type3A, %cond3A : i32
    scf.if %cond3A_138 {
      "tpu.region"() ({
        %run_scoped3A_186 = tpu.sem_alloc : memref<!tpu.dma_semaphore, #tpu.memory_space<semaphore_mem>>
        %dma_start3A_187 = arith.constant 0 : i32
        %dma_start3A_188 = tpu.memref_slice %arg7[%mul3A_2, %dma_start3A_187] : memref<10112x16xf32, #tpu.memory_space<hbm>> -> memref<632x16xf32, #tpu.memory_space<hbm>>
        %dma_start3A_189 = arith.constant 0 : i32
        %dma_start3A_190 = tpu.memref_slice %arg7[%mul3A_2, %dma_start3A_189] : memref<10112x16xf32, #tpu.memory_space<hbm>> -> memref<632x16xf32, #tpu.memory_space<hbm>>
        tpu.enqueue_dma source(%arg23 : memref<632x16xf32, #tpu.memory_space<vmem>>) target(%dma_start3A_190 : memref<632x16xf32, #tpu.memory_space<hbm>>) target_semaphore(%run_scoped3A_186 : memref<!tpu.dma_semaphore, #tpu.memory_space<semaphore_mem>>)
        %dma_wait3A_191 = arith.constant 0 : i32
        %dma_wait3A_192 = tpu.memref_slice %arg7[%mul3A_2, %dma_wait3A_191] : memref<10112x16xf32, #tpu.memory_space<hbm>> -> memref<632x16xf32, #tpu.memory_space<hbm>>
        %dma_wait3A_193 = arith.constant 0 : i32
        %dma_wait3A_194 = tpu.memref_slice %arg7[%mul3A_2, %dma_wait3A_193] : memref<10112x16xf32, #tpu.memory_space<hbm>> -> memref<632x16xf32, #tpu.memory_space<hbm>>
        tpu.wait_dma2 semaphore(%run_scoped3A_186 : memref<!tpu.dma_semaphore, #tpu.memory_space<semaphore_mem>>) src(%arg23 : memref<632x16xf32, #tpu.memory_space<vmem>>) dst(%dma_wait3A_194 : memref<632x16xf32, #tpu.memory_space<hbm>>)
        tpu.yield
      }) : () -> ()
    } else {
    }
    %barrier3A = arith.constant 0 : index
    tpu.barrier barrier_id(%barrier3A)
    %min3A = arith.constant 0 : i32
    %min3A_139 = arith.constant 19 : i32
    %min3A_140 = arith.minsi %min3A, %min3A_139 : i32
    %mul3A_141 = arith.constant 512 : i32
    %mul3A_142 = arith.muli %min3A_140, %mul3A_141 : i32
    %multiple_of3A = tpu.assume_multiple %mul3A_142, 512 : i32
    %dma_start3A = tpu.memref_slice %arg8[%multiple_of3A] : memref<10240xi32, #tpu.memory_space<vmem>> -> memref<512xi32, #tpu.memory_space<vmem>>
    %dma_start3A_143 = arith.constant 0 : i32
    %dma_start3A_144 = arith.constant 0 : i32
    %dma_start3A_145 = tpu.memref_slice %arg14[%dma_start3A_143, %dma_start3A_144] : memref<10112x16xf32, #tpu.memory_space<vmem_shared>> -> memref<10112x16xf32, #tpu.memory_space<vmem_shared>>
    tpu.enqueue_indirect_dma source(%dma_start3A_145 : memref<10112x16xf32, #tpu.memory_space<vmem_shared>>) target(%arg10 : memref<512x16xf32, #tpu.memory_space<vmem>>) offsets(%dma_start3A : memref<512xi32, #tpu.memory_space<vmem>>) semaphore(%arg16 : memref<!tpu.dma_semaphore, #tpu.memory_space<semaphore_mem>>)
    %min3A_146 = arith.constant 1 : i32
    %min3A_147 = arith.constant 19 : i32
    %min3A_148 = arith.minsi %min3A_146, %min3A_147 : i32
    %mul3A_149 = arith.constant 512 : i32
    %mul3A_150 = arith.muli %min3A_148, %mul3A_149 : i32
    %multiple_of3A_151 = tpu.assume_multiple %mul3A_150, 512 : i32
    %dma_start3A_152 = tpu.memref_slice %arg8[%multiple_of3A_151] : memref<10240xi32, #tpu.memory_space<vmem>> -> memref<512xi32, #tpu.memory_space<vmem>>
    %dma_start3A_153 = arith.constant 0 : i32
    %dma_start3A_154 = arith.constant 0 : i32
    %dma_start3A_155 = tpu.memref_slice %arg14[%dma_start3A_153, %dma_start3A_154] : memref<10112x16xf32, #tpu.memory_space<vmem_shared>> -> memref<10112x16xf32, #tpu.memory_space<vmem_shared>>
    tpu.enqueue_indirect_dma source(%dma_start3A_155 : memref<10112x16xf32, #tpu.memory_space<vmem_shared>>) target(%arg11 : memref<512x16xf32, #tpu.memory_space<vmem>>) offsets(%dma_start3A_152 : memref<512xi32, #tpu.memory_space<vmem>>) semaphore(%arg16 : memref<!tpu.dma_semaphore, #tpu.memory_space<semaphore_mem>>)
    %scan3A_156 = arith.constant 0 : i32
    %scan3A_157 = arith.constant 0 : i32
    %scan3A_158 = arith.constant 5 : i32
    %scan3A_159 = arith.addi %scan3A_157, %scan3A_158 : i32
    %scan3A_160 = arith.constant 1 : i32
    scf.for %scan3A_186 = %scan3A_157 to %scan3A_159 step %scan3A_160  : i32 {
      %mul3A_187 = arith.constant 2 : i32
      %mul3A_188 = arith.muli %scan3A_186, %mul3A_187 : i32
      %mul3A_189 = arith.constant 2 : i32
      %mul3A_190 = arith.muli %mul3A_188, %mul3A_189 : i32
      %gt3A = arith.constant 0 : i32
      %gt3A_191 = arith.cmpi sgt, %scan3A_186, %gt3A : i32
      %convert_element_type3A_192 = arith.extui %gt3A_191 : i1 to i32
      %cond3A_193 = arith.constant 0 : i32
      %cond3A_194 = arith.cmpi ne, %convert_element_type3A_192, %cond3A_193 : i32
      scf.if %cond3A_194 {
        %multiple_of3A_317 = arith.constant 0 : i32
        %multiple_of3A_318 = tpu.assume_multiple %multiple_of3A_317, 512 : i32
        %dma_wait3A_319 = tpu.memref_slice %arg9[%multiple_of3A_318] : memref<10240xi32, #tpu.memory_space<vmem>> -> memref<512xi32, #tpu.memory_space<vmem>>
        %dma_wait3A_320 = arith.constant 0 : i32
        %dma_wait3A_321 = arith.constant 0 : i32
        %dma_wait3A_322 = tpu.memref_slice %arg15[%dma_wait3A_320, %dma_wait3A_321] : memref<10112x16xf32, #tpu.memory_space<vmem_shared>> -> memref<10112x16xf32, #tpu.memory_space<vmem_shared>>
        tpu.wait_indirect_dma semaphore(%arg19 : memref<!tpu.dma_semaphore, #tpu.memory_space<semaphore_mem>>) src(%arg12 : memref<512x16xf32, #tpu.memory_space<vmem>>) dst(%dma_wait3A_322 : memref<10112x16xf32, #tpu.memory_space<vmem_shared>>)
        %multiple_of3A_323 = arith.constant 0 : i32
        %multiple_of3A_324 = tpu.assume_multiple %multiple_of3A_323, 512 : i32
        %dma_wait3A_325 = tpu.memref_slice %arg9[%multiple_of3A_324] : memref<10240xi32, #tpu.memory_space<vmem>> -> memref<512xi32, #tpu.memory_space<vmem>>
        %dma_wait3A_326 = arith.constant 0 : i32
        %dma_wait3A_327 = arith.constant 0 : i32
        %dma_wait3A_328 = tpu.memref_slice %arg15[%dma_wait3A_326, %dma_wait3A_327] : memref<10112x16xf32, #tpu.memory_space<vmem_shared>> -> memref<10112x16xf32, #tpu.memory_space<vmem_shared>>
        tpu.wait_indirect_dma semaphore(%arg19 : memref<!tpu.dma_semaphore, #tpu.memory_space<semaphore_mem>>) src(%arg13 : memref<512x16xf32, #tpu.memory_space<vmem>>) dst(%dma_wait3A_328 : memref<10112x16xf32, #tpu.memory_space<vmem_shared>>)
      } else {
      }
      %add3A_195 = arith.constant 2 : i32
      %add3A_196 = arith.addi %mul3A_190, %add3A_195 : i32
      %add3A_197 = arith.constant 0 : i32
      %add3A_198 = arith.addi %add3A_196, %add3A_197 : i32
      %min3A_199 = arith.constant 19 : i32
      %min3A_200 = arith.minsi %add3A_198, %min3A_199 : i32
      %mul3A_201 = arith.constant 512 : i32
      %mul3A_202 = arith.muli %min3A_200, %mul3A_201 : i32
      %multiple_of3A_203 = tpu.assume_multiple %mul3A_202, 512 : i32
      %dma_start3A_204 = tpu.memref_slice %arg8[%multiple_of3A_203] : memref<10240xi32, #tpu.memory_space<vmem>> -> memref<512xi32, #tpu.memory_space<vmem>>
      %dma_start3A_205 = arith.constant 0 : i32
      %dma_start3A_206 = arith.constant 0 : i32
      %dma_start3A_207 = tpu.memref_slice %arg14[%dma_start3A_205, %dma_start3A_206] : memref<10112x16xf32, #tpu.memory_space<vmem_shared>> -> memref<10112x16xf32, #tpu.memory_space<vmem_shared>>
      tpu.enqueue_indirect_dma source(%dma_start3A_207 : memref<10112x16xf32, #tpu.memory_space<vmem_shared>>) target(%arg12 : memref<512x16xf32, #tpu.memory_space<vmem>>) offsets(%dma_start3A_204 : memref<512xi32, #tpu.memory_space<vmem>>) semaphore(%arg17 : memref<!tpu.dma_semaphore, #tpu.memory_space<semaphore_mem>>)
      %add3A_208 = arith.constant 1 : i32
      %add3A_209 = arith.addi %add3A_196, %add3A_208 : i32
      %min3A_210 = arith.constant 19 : i32
      %min3A_211 = arith.minsi %add3A_209, %min3A_210 : i32
      %mul3A_212 = arith.constant 512 : i32
      %mul3A_213 = arith.muli %min3A_211, %mul3A_212 : i32
      %multiple_of3A_214 = tpu.assume_multiple %mul3A_213, 512 : i32
      %dma_start3A_215 = tpu.memref_slice %arg8[%multiple_of3A_214] : memref<10240xi32, #tpu.memory_space<vmem>> -> memref<512xi32, #tpu.memory_space<vmem>>
      %dma_start3A_216 = arith.constant 0 : i32
      %dma_start3A_217 = arith.constant 0 : i32
      %dma_start3A_218 = tpu.memref_slice %arg14[%dma_start3A_216, %dma_start3A_217] : memref<10112x16xf32, #tpu.memory_space<vmem_shared>> -> memref<10112x16xf32, #tpu.memory_space<vmem_shared>>
      tpu.enqueue_indirect_dma source(%dma_start3A_218 : memref<10112x16xf32, #tpu.memory_space<vmem_shared>>) target(%arg13 : memref<512x16xf32, #tpu.memory_space<vmem>>) offsets(%dma_start3A_215 : memref<512xi32, #tpu.memory_space<vmem>>) semaphore(%arg17 : memref<!tpu.dma_semaphore, #tpu.memory_space<semaphore_mem>>)
      %multiple_of3A_219 = arith.constant 0 : i32
      %multiple_of3A_220 = tpu.assume_multiple %multiple_of3A_219, 512 : i32
      %dma_wait3A_221 = tpu.memref_slice %arg8[%multiple_of3A_220] : memref<10240xi32, #tpu.memory_space<vmem>> -> memref<512xi32, #tpu.memory_space<vmem>>
      %dma_wait3A_222 = arith.constant 0 : i32
      %dma_wait3A_223 = arith.constant 0 : i32
      %dma_wait3A_224 = tpu.memref_slice %arg14[%dma_wait3A_222, %dma_wait3A_223] : memref<10112x16xf32, #tpu.memory_space<vmem_shared>> -> memref<10112x16xf32, #tpu.memory_space<vmem_shared>>
      tpu.wait_indirect_dma semaphore(%arg16 : memref<!tpu.dma_semaphore, #tpu.memory_space<semaphore_mem>>) src(%dma_wait3A_224 : memref<10112x16xf32, #tpu.memory_space<vmem_shared>>) dst(%arg10 : memref<512x16xf32, #tpu.memory_space<vmem>>)
      %multiple_of3A_225 = arith.constant 0 : i32
      %multiple_of3A_226 = tpu.assume_multiple %multiple_of3A_225, 512 : i32
      %dma_wait3A_227 = tpu.memref_slice %arg8[%multiple_of3A_226] : memref<10240xi32, #tpu.memory_space<vmem>> -> memref<512xi32, #tpu.memory_space<vmem>>
      %dma_wait3A_228 = arith.constant 0 : i32
      %dma_wait3A_229 = arith.constant 0 : i32
      %dma_wait3A_230 = tpu.memref_slice %arg14[%dma_wait3A_228, %dma_wait3A_229] : memref<10112x16xf32, #tpu.memory_space<vmem_shared>> -> memref<10112x16xf32, #tpu.memory_space<vmem_shared>>
      tpu.wait_indirect_dma semaphore(%arg16 : memref<!tpu.dma_semaphore, #tpu.memory_space<semaphore_mem>>) src(%dma_wait3A_230 : memref<10112x16xf32, #tpu.memory_space<vmem_shared>>) dst(%arg11 : memref<512x16xf32, #tpu.memory_space<vmem>>)
      %add3A_231 = arith.constant 0 : i32
      %add3A_232 = arith.addi %mul3A_190, %add3A_231 : i32
      %mul3A_233 = arith.constant 512 : i32
      %mul3A_234 = arith.muli %add3A_232, %mul3A_233 : i32
      %multiple_of3A_235 = tpu.assume_multiple %mul3A_234, 512 : i32
      %dma_start3A_236 = tpu.memref_slice %arg9[%multiple_of3A_235] : memref<10240xi32, #tpu.memory_space<vmem>> -> memref<512xi32, #tpu.memory_space<vmem>>
      %dma_start3A_237 = arith.constant 0 : i32
      %dma_start3A_238 = arith.constant 0 : i32
      %dma_start3A_239 = tpu.memref_slice %arg15[%dma_start3A_237, %dma_start3A_238] : memref<10112x16xf32, #tpu.memory_space<vmem_shared>> -> memref<10112x16xf32, #tpu.memory_space<vmem_shared>>
      tpu.enqueue_indirect_dma source(%arg10 : memref<512x16xf32, #tpu.memory_space<vmem>>) target(%dma_start3A_239 : memref<10112x16xf32, #tpu.memory_space<vmem_shared>>) offsets(%dma_start3A_236 : memref<512xi32, #tpu.memory_space<vmem>>) semaphore(%arg18 : memref<!tpu.dma_semaphore, #tpu.memory_space<semaphore_mem>>) {add = true}
      %add3A_240 = arith.constant 1 : i32
      %add3A_241 = arith.addi %mul3A_190, %add3A_240 : i32
      %mul3A_242 = arith.constant 512 : i32
      %mul3A_243 = arith.muli %add3A_241, %mul3A_242 : i32
      %multiple_of3A_244 = tpu.assume_multiple %mul3A_243, 512 : i32
      %dma_start3A_245 = tpu.memref_slice %arg9[%multiple_of3A_244] : memref<10240xi32, #tpu.memory_space<vmem>> -> memref<512xi32, #tpu.memory_space<vmem>>
      %dma_start3A_246 = arith.constant 0 : i32
      %dma_start3A_247 = arith.constant 0 : i32
      %dma_start3A_248 = tpu.memref_slice %arg15[%dma_start3A_246, %dma_start3A_247] : memref<10112x16xf32, #tpu.memory_space<vmem_shared>> -> memref<10112x16xf32, #tpu.memory_space<vmem_shared>>
      tpu.enqueue_indirect_dma source(%arg11 : memref<512x16xf32, #tpu.memory_space<vmem>>) target(%dma_start3A_248 : memref<10112x16xf32, #tpu.memory_space<vmem_shared>>) offsets(%dma_start3A_245 : memref<512xi32, #tpu.memory_space<vmem>>) semaphore(%arg18 : memref<!tpu.dma_semaphore, #tpu.memory_space<semaphore_mem>>) {add = true}
      %multiple_of3A_249 = arith.constant 0 : i32
      %multiple_of3A_250 = tpu.assume_multiple %multiple_of3A_249, 512 : i32
      %dma_wait3A_251 = tpu.memref_slice %arg9[%multiple_of3A_250] : memref<10240xi32, #tpu.memory_space<vmem>> -> memref<512xi32, #tpu.memory_space<vmem>>
      %dma_wait3A_252 = arith.constant 0 : i32
      %dma_wait3A_253 = arith.constant 0 : i32
      %dma_wait3A_254 = tpu.memref_slice %arg15[%dma_wait3A_252, %dma_wait3A_253] : memref<10112x16xf32, #tpu.memory_space<vmem_shared>> -> memref<10112x16xf32, #tpu.memory_space<vmem_shared>>
      tpu.wait_indirect_dma semaphore(%arg18 : memref<!tpu.dma_semaphore, #tpu.memory_space<semaphore_mem>>) src(%arg10 : memref<512x16xf32, #tpu.memory_space<vmem>>) dst(%dma_wait3A_254 : memref<10112x16xf32, #tpu.memory_space<vmem_shared>>)
      %multiple_of3A_255 = arith.constant 0 : i32
      %multiple_of3A_256 = tpu.assume_multiple %multiple_of3A_255, 512 : i32
      %dma_wait3A_257 = tpu.memref_slice %arg9[%multiple_of3A_256] : memref<10240xi32, #tpu.memory_space<vmem>> -> memref<512xi32, #tpu.memory_space<vmem>>
      %dma_wait3A_258 = arith.constant 0 : i32
      %dma_wait3A_259 = arith.constant 0 : i32
      %dma_wait3A_260 = tpu.memref_slice %arg15[%dma_wait3A_258, %dma_wait3A_259] : memref<10112x16xf32, #tpu.memory_space<vmem_shared>> -> memref<10112x16xf32, #tpu.memory_space<vmem_shared>>
      tpu.wait_indirect_dma semaphore(%arg18 : memref<!tpu.dma_semaphore, #tpu.memory_space<semaphore_mem>>) src(%arg11 : memref<512x16xf32, #tpu.memory_space<vmem>>) dst(%dma_wait3A_260 : memref<10112x16xf32, #tpu.memory_space<vmem_shared>>)
      %add3A_261 = arith.constant 4 : i32
      %add3A_262 = arith.addi %mul3A_190, %add3A_261 : i32
      %add3A_263 = arith.constant 0 : i32
      %add3A_264 = arith.addi %add3A_262, %add3A_263 : i32
      %min3A_265 = arith.constant 19 : i32
      %min3A_266 = arith.minsi %add3A_264, %min3A_265 : i32
      %mul3A_267 = arith.constant 512 : i32
      %mul3A_268 = arith.muli %min3A_266, %mul3A_267 : i32
      %multiple_of3A_269 = tpu.assume_multiple %mul3A_268, 512 : i32
      %dma_start3A_270 = tpu.memref_slice %arg8[%multiple_of3A_269] : memref<10240xi32, #tpu.memory_space<vmem>> -> memref<512xi32, #tpu.memory_space<vmem>>
      %dma_start3A_271 = arith.constant 0 : i32
      %dma_start3A_272 = arith.constant 0 : i32
      %dma_start3A_273 = tpu.memref_slice %arg14[%dma_start3A_271, %dma_start3A_272] : memref<10112x16xf32, #tpu.memory_space<vmem_shared>> -> memref<10112x16xf32, #tpu.memory_space<vmem_shared>>
      tpu.enqueue_indirect_dma source(%dma_start3A_273 : memref<10112x16xf32, #tpu.memory_space<vmem_shared>>) target(%arg10 : memref<512x16xf32, #tpu.memory_space<vmem>>) offsets(%dma_start3A_270 : memref<512xi32, #tpu.memory_space<vmem>>) semaphore(%arg16 : memref<!tpu.dma_semaphore, #tpu.memory_space<semaphore_mem>>)
      %add3A_274 = arith.constant 1 : i32
      %add3A_275 = arith.addi %add3A_262, %add3A_274 : i32
      %min3A_276 = arith.constant 19 : i32
      %min3A_277 = arith.minsi %add3A_275, %min3A_276 : i32
      %mul3A_278 = arith.constant 512 : i32
      %mul3A_279 = arith.muli %min3A_277, %mul3A_278 : i32
      %multiple_of3A_280 = tpu.assume_multiple %mul3A_279, 512 : i32
      %dma_start3A_281 = tpu.memref_slice %arg8[%multiple_of3A_280] : memref<10240xi32, #tpu.memory_space<vmem>> -> memref<512xi32, #tpu.memory_space<vmem>>
      %dma_start3A_282 = arith.constant 0 : i32
      %dma_start3A_283 = arith.constant 0 : i32
      %dma_start3A_284 = tpu.memref_slice %arg14[%dma_start3A_282, %dma_start3A_283] : memref<10112x16xf32, #tpu.memory_space<vmem_shared>> -> memref<10112x16xf32, #tpu.memory_space<vmem_shared>>
      tpu.enqueue_indirect_dma source(%dma_start3A_284 : memref<10112x16xf32, #tpu.memory_space<vmem_shared>>) target(%arg11 : memref<512x16xf32, #tpu.memory_space<vmem>>) offsets(%dma_start3A_281 : memref<512xi32, #tpu.memory_space<vmem>>) semaphore(%arg16 : memref<!tpu.dma_semaphore, #tpu.memory_space<semaphore_mem>>)
      %multiple_of3A_285 = arith.constant 0 : i32
      %multiple_of3A_286 = tpu.assume_multiple %multiple_of3A_285, 512 : i32
      %dma_wait3A_287 = tpu.memref_slice %arg8[%multiple_of3A_286] : memref<10240xi32, #tpu.memory_space<vmem>> -> memref<512xi32, #tpu.memory_space<vmem>>
      %dma_wait3A_288 = arith.constant 0 : i32
      %dma_wait3A_289 = arith.constant 0 : i32
      %dma_wait3A_290 = tpu.memref_slice %arg14[%dma_wait3A_288, %dma_wait3A_289] : memref<10112x16xf32, #tpu.memory_space<vmem_shared>> -> memref<10112x16xf32, #tpu.memory_space<vmem_shared>>
      tpu.wait_indirect_dma semaphore(%arg17 : memref<!tpu.dma_semaphore, #tpu.memory_space<semaphore_mem>>) src(%dma_wait3A_290 : memref<10112x16xf32, #tpu.memory_space<vmem_shared>>) dst(%arg12 : memref<512x16xf32, #tpu.memory_space<vmem>>)
      %multiple_of3A_291 = arith.constant 0 : i32
      %multiple_of3A_292 = tpu.assume_multiple %multiple_of3A_291, 512 : i32
      %dma_wait3A_293 = tpu.memref_slice %arg8[%multiple_of3A_292] : memref<10240xi32, #tpu.memory_space<vmem>> -> memref<512xi32, #tpu.memory_space<vmem>>
      %dma_wait3A_294 = arith.constant 0 : i32
      %dma_wait3A_295 = arith.constant 0 : i32
      %dma_wait3A_296 = tpu.memref_slice %arg14[%dma_wait3A_294, %dma_wait3A_295] : memref<10112x16xf32, #tpu.memory_space<vmem_shared>> -> memref<10112x16xf32, #tpu.memory_space<vmem_shared>>
      tpu.wait_indirect_dma semaphore(%arg17 : memref<!tpu.dma_semaphore, #tpu.memory_space<semaphore_mem>>) src(%dma_wait3A_296 : memref<10112x16xf32, #tpu.memory_space<vmem_shared>>) dst(%arg13 : memref<512x16xf32, #tpu.memory_space<vmem>>)
      %add3A_297 = arith.constant 2 : i32
      %add3A_298 = arith.addi %mul3A_190, %add3A_297 : i32
      %add3A_299 = arith.constant 0 : i32
      %add3A_300 = arith.addi %add3A_298, %add3A_299 : i32
      %mul3A_301 = arith.constant 512 : i32
      %mul3A_302 = arith.muli %add3A_300, %mul3A_301 : i32
      %multiple_of3A_303 = tpu.assume_multiple %mul3A_302, 512 : i32
      %dma_start3A_304 = tpu.memref_slice %arg9[%multiple_of3A_303] : memref<10240xi32, #tpu.memory_space<vmem>> -> memref<512xi32, #tpu.memory_space<vmem>>
      %dma_start3A_305 = arith.constant 0 : i32
      %dma_start3A_306 = arith.constant 0 : i32
      %dma_start3A_307 = tpu.memref_slice %arg15[%dma_start3A_305, %dma_start3A_306] : memref<10112x16xf32, #tpu.memory_space<vmem_shared>> -> memref<10112x16xf32, #tpu.memory_space<vmem_shared>>
      tpu.enqueue_indirect_dma source(%arg12 : memref<512x16xf32, #tpu.memory_space<vmem>>) target(%dma_start3A_307 : memref<10112x16xf32, #tpu.memory_space<vmem_shared>>) offsets(%dma_start3A_304 : memref<512xi32, #tpu.memory_space<vmem>>) semaphore(%arg19 : memref<!tpu.dma_semaphore, #tpu.memory_space<semaphore_mem>>) {add = true}
      %add3A_308 = arith.constant 1 : i32
      %add3A_309 = arith.addi %add3A_298, %add3A_308 : i32
      %mul3A_310 = arith.constant 512 : i32
      %mul3A_311 = arith.muli %add3A_309, %mul3A_310 : i32
      %multiple_of3A_312 = tpu.assume_multiple %mul3A_311, 512 : i32
      %dma_start3A_313 = tpu.memref_slice %arg9[%multiple_of3A_312] : memref<10240xi32, #tpu.memory_space<vmem>> -> memref<512xi32, #tpu.memory_space<vmem>>
      %dma_start3A_314 = arith.constant 0 : i32
      %dma_start3A_315 = arith.constant 0 : i32
      %dma_start3A_316 = tpu.memref_slice %arg15[%dma_start3A_314, %dma_start3A_315] : memref<10112x16xf32, #tpu.memory_space<vmem_shared>> -> memref<10112x16xf32, #tpu.memory_space<vmem_shared>>
      tpu.enqueue_indirect_dma source(%arg13 : memref<512x16xf32, #tpu.memory_space<vmem>>) target(%dma_start3A_316 : memref<10112x16xf32, #tpu.memory_space<vmem_shared>>) offsets(%dma_start3A_313 : memref<512xi32, #tpu.memory_space<vmem>>) semaphore(%arg19 : memref<!tpu.dma_semaphore, #tpu.memory_space<semaphore_mem>>) {add = true}
    }
    %scan3A_161 = arith.constant 5 : i32
    %multiple_of3A_162 = arith.constant 0 : i32
    %multiple_of3A_163 = tpu.assume_multiple %multiple_of3A_162, 512 : i32
    %dma_wait3A = tpu.memref_slice %arg9[%multiple_of3A_163] : memref<10240xi32, #tpu.memory_space<vmem>> -> memref<512xi32, #tpu.memory_space<vmem>>
    %dma_wait3A_164 = arith.constant 0 : i32
    %dma_wait3A_165 = arith.constant 0 : i32
    %dma_wait3A_166 = tpu.memref_slice %arg15[%dma_wait3A_164, %dma_wait3A_165] : memref<10112x16xf32, #tpu.memory_space<vmem_shared>> -> memref<10112x16xf32, #tpu.memory_space<vmem_shared>>
    tpu.wait_indirect_dma semaphore(%arg19 : memref<!tpu.dma_semaphore, #tpu.memory_space<semaphore_mem>>) src(%arg12 : memref<512x16xf32, #tpu.memory_space<vmem>>) dst(%dma_wait3A_166 : memref<10112x16xf32, #tpu.memory_space<vmem_shared>>)
    %multiple_of3A_167 = arith.constant 0 : i32
    %multiple_of3A_168 = tpu.assume_multiple %multiple_of3A_167, 512 : i32
    %dma_wait3A_169 = tpu.memref_slice %arg9[%multiple_of3A_168] : memref<10240xi32, #tpu.memory_space<vmem>> -> memref<512xi32, #tpu.memory_space<vmem>>
    %dma_wait3A_170 = arith.constant 0 : i32
    %dma_wait3A_171 = arith.constant 0 : i32
    %dma_wait3A_172 = tpu.memref_slice %arg15[%dma_wait3A_170, %dma_wait3A_171] : memref<10112x16xf32, #tpu.memory_space<vmem_shared>> -> memref<10112x16xf32, #tpu.memory_space<vmem_shared>>
    tpu.wait_indirect_dma semaphore(%arg19 : memref<!tpu.dma_semaphore, #tpu.memory_space<semaphore_mem>>) src(%arg13 : memref<512x16xf32, #tpu.memory_space<vmem>>) dst(%dma_wait3A_172 : memref<10112x16xf32, #tpu.memory_space<vmem_shared>>)
    %multiple_of3A_173 = arith.constant 0 : i32
    %multiple_of3A_174 = tpu.assume_multiple %multiple_of3A_173, 512 : i32
    %dma_wait3A_175 = tpu.memref_slice %arg8[%multiple_of3A_174] : memref<10240xi32, #tpu.memory_space<vmem>> -> memref<512xi32, #tpu.memory_space<vmem>>
    %dma_wait3A_176 = arith.constant 0 : i32
    %dma_wait3A_177 = arith.constant 0 : i32
    %dma_wait3A_178 = tpu.memref_slice %arg14[%dma_wait3A_176, %dma_wait3A_177] : memref<10112x16xf32, #tpu.memory_space<vmem_shared>> -> memref<10112x16xf32, #tpu.memory_space<vmem_shared>>
    tpu.wait_indirect_dma semaphore(%arg16 : memref<!tpu.dma_semaphore, #tpu.memory_space<semaphore_mem>>) src(%dma_wait3A_178 : memref<10112x16xf32, #tpu.memory_space<vmem_shared>>) dst(%arg10 : memref<512x16xf32, #tpu.memory_space<vmem>>)
    %multiple_of3A_179 = arith.constant 0 : i32
    %multiple_of3A_180 = tpu.assume_multiple %multiple_of3A_179, 512 : i32
    %dma_wait3A_181 = tpu.memref_slice %arg8[%multiple_of3A_180] : memref<10240xi32, #tpu.memory_space<vmem>> -> memref<512xi32, #tpu.memory_space<vmem>>
    %dma_wait3A_182 = arith.constant 0 : i32
    %dma_wait3A_183 = arith.constant 0 : i32
    %dma_wait3A_184 = tpu.memref_slice %arg14[%dma_wait3A_182, %dma_wait3A_183] : memref<10112x16xf32, #tpu.memory_space<vmem_shared>> -> memref<10112x16xf32, #tpu.memory_space<vmem_shared>>
    tpu.wait_indirect_dma semaphore(%arg16 : memref<!tpu.dma_semaphore, #tpu.memory_space<semaphore_mem>>) src(%dma_wait3A_184 : memref<10112x16xf32, #tpu.memory_space<vmem_shared>>) dst(%arg11 : memref<512x16xf32, #tpu.memory_space<vmem>>)
    %barrier3A_185 = arith.constant 0 : index
    tpu.barrier barrier_id(%barrier3A_185)
    "tpu.region"() ({
      %run_scoped3A_186 = tpu.sem_alloc : memref<!tpu.dma_semaphore, #tpu.memory_space<semaphore_mem>>
      %dma_start3A_187 = arith.constant 0 : i32
      %dma_start3A_188 = tpu.memref_slice %arg6[%arg0, %mul3A_2, %dma_start3A_187] : memref<2x10112x16xf32, #tpu.memory_space<hbm>> -> memref<1x632x16xf32, #tpu.memory_space<hbm>>
      %dma_start3A_189 = tpu.memref_squeeze %dma_start3A_188 : memref<1x632x16xf32, #tpu.memory_space<hbm>> -> memref<632x16xf32, #tpu.memory_space<hbm>>
      %dma_start3A_190 = arith.constant 0 : i32
      %dma_start3A_191 = tpu.memref_slice %arg15[%mul3A_2, %dma_start3A_190] : memref<10112x16xf32, #tpu.memory_space<vmem_shared>> -> memref<632x16xf32, #tpu.memory_space<vmem_shared>>
      tpu.enqueue_dma source(%dma_start3A_191 : memref<632x16xf32, #tpu.memory_space<vmem_shared>>) target(%dma_start3A_189 : memref<632x16xf32, #tpu.memory_space<hbm>>) target_semaphore(%run_scoped3A_186 : memref<!tpu.dma_semaphore, #tpu.memory_space<semaphore_mem>>)
      %dma_wait3A_192 = arith.constant 0 : i32
      %dma_wait3A_193 = tpu.memref_slice %arg6[%arg0, %mul3A_2, %dma_wait3A_192] : memref<2x10112x16xf32, #tpu.memory_space<hbm>> -> memref<1x632x16xf32, #tpu.memory_space<hbm>>
      %dma_wait3A_194 = tpu.memref_squeeze %dma_wait3A_193 : memref<1x632x16xf32, #tpu.memory_space<hbm>> -> memref<632x16xf32, #tpu.memory_space<hbm>>
      %dma_wait3A_195 = arith.constant 0 : i32
      %dma_wait3A_196 = tpu.memref_slice %arg15[%mul3A_2, %dma_wait3A_195] : memref<10112x16xf32, #tpu.memory_space<vmem_shared>> -> memref<632x16xf32, #tpu.memory_space<vmem_shared>>
      tpu.wait_dma2 semaphore(%run_scoped3A_186 : memref<!tpu.dma_semaphore, #tpu.memory_space<semaphore_mem>>) src(%dma_wait3A_196 : memref<632x16xf32, #tpu.memory_space<vmem_shared>>) dst(%dma_wait3A_194 : memref<632x16xf32, #tpu.memory_space<hbm>>)
      tpu.yield
    }) : () -> ()
    return
  }
}

module attributes {stable_mosaic.version = 14 : i64} {
  func.func @_l1_body(%arg0: i32, %arg1: memref<5056x128xf32, #tpu.memory_space<vmem>>, %arg2: memref<128x8xf32, #tpu.memory_space<vmem>>, %arg3: memref<128x8xf32, #tpu.memory_space<vmem>>, %arg4: memref<1x8xf32, #tpu.memory_space<vmem>>, %arg5: memref<5056x16xf32, #tpu.memory_space<vmem>>, %arg6: memref<5056x16xf32, #tpu.memory_space<vmem>>) attributes {dimension_semantics = [#tpu.dimension_semantics<arbitrary>], iteration_bounds = array<i64: 2>, scalar_prefetch = 0 : i64, scratch_operands = 0 : i64, tpu.core_type = #tpu.core_type<tc>, window_params = [{transform_indices = @transform_0, window_bounds = array<i64: 5056, 128>}, {pipeline_mode = #tpu.pipeline_mode<synchronous>, transform_indices = @transform_1, window_bounds = array<i64: 128, 8>}, {pipeline_mode = #tpu.pipeline_mode<synchronous>, transform_indices = @transform_2, window_bounds = array<i64: 128, 8>}, {pipeline_mode = #tpu.pipeline_mode<synchronous>, transform_indices = @transform_3, window_bounds = array<i64: 1, 8>}, {transform_indices = @transform_4, window_bounds = array<i64: 5056, 16>}, {transform_indices = @transform_5, window_bounds = array<i64: 5056, 16>}]} {
    %get3A = arith.constant 0 : index
    %get3A_0 = arith.constant 0 : index
    %get3A_1 = vector.load %arg2[%get3A, %get3A_0] : memref<128x8xf32, #tpu.memory_space<vmem>>, vector<128x8xf32>
    %get3A_2 = arith.constant 0 : index
    %get3A_3 = arith.constant 0 : index
    %get3A_4 = vector.load %arg3[%get3A_2, %get3A_3] : memref<128x8xf32, #tpu.memory_space<vmem>>, vector<128x8xf32>
    %concatenate3A = tpu.concatenate %get3A_1, %get3A_4 in 1 : vector<128x8xf32>, vector<128x8xf32> -> vector<128x16xf32>
    %get3A_5 = arith.constant 0 : index
    %get3A_6 = arith.constant 0 : index
    %get3A_7 = vector.load %arg1[%get3A_5, %get3A_6] : memref<5056x128xf32, #tpu.memory_space<vmem>>, vector<5056x128xf32>
    %dot_general3A = arith.constant dense<0.000000e+00> : vector<5056x16xf32>
    %dot_general3A_8 = tpu.matmul %get3A_7, %concatenate3A, %dot_general3A {dimension_numbers = #tpu.dot_dimension_numbers<[1], [0], [0], [1], [0, 0, 1, 1], [], []>, precision = #tpu.contract_precision<fp32>, transpose_lhs_hint = false} : vector<5056x128xf32>, vector<128x16xf32>, vector<5056x16xf32> -> vector<5056x16xf32>
    %broadcast_in_dim3A = arith.constant 1.000000e+00 : f32
    %broadcast_in_dim3A_9 = vector.broadcast %broadcast_in_dim3A : f32 to vector<5056x1xf32>
    %broadcast_in_dim3A_10 = arith.constant 0.000000e+00 : f32
    %broadcast_in_dim3A_11 = vector.broadcast %broadcast_in_dim3A_10 : f32 to vector<5056x7xf32>
    %slice3A = vector.extract_strided_slice %dot_general3A_8 {offsets = [0, 0], sizes = [5056, 8], strides = [1, 1]} : vector<5056x16xf32> to vector<5056x8xf32>
    %concatenate3A_12 = tpu.concatenate %slice3A, %broadcast_in_dim3A_9, %broadcast_in_dim3A_11 in 1 : vector<5056x8xf32>, vector<5056x1xf32>, vector<5056x7xf32> -> vector<5056x16xf32>
    %swap3A = arith.constant 0 : index
    %swap3A_13 = arith.constant 0 : index
    %swap3A_14 = vector.load %arg5[%swap3A, %swap3A_13] : memref<5056x16xf32, #tpu.memory_space<vmem>>, vector<5056x16xf32>
    tpu.vector_store %arg5[%swap3A, %swap3A_13], %concatenate3A_12 {strides = array<i32>} : memref<5056x16xf32, #tpu.memory_space<vmem>>, vector<5056x16xf32>,
    %broadcast_in_dim3A_15 = arith.constant 0.000000e+00 : f32
    %broadcast_in_dim3A_16 = vector.broadcast %broadcast_in_dim3A_15 : f32 to vector<5056x8xf32>
    %slice3A_17 = vector.extract_strided_slice %dot_general3A_8 {offsets = [0, 8], sizes = [5056, 8], strides = [1, 1]} : vector<5056x16xf32> to vector<5056x8xf32>
    %get3A_18 = arith.constant 0 : index
    %get3A_19 = arith.constant 0 : index
    %get3A_20 = vector.load %arg4[%get3A_18, %get3A_19] : memref<1x8xf32, #tpu.memory_space<vmem>>, vector<1x8xf32>
    %add3A = vector.broadcast %get3A_20 : vector<1x8xf32> to vector<5056x8xf32>
    %add3A_21 = arith.addf %slice3A_17, %add3A : vector<5056x8xf32>
    %concatenate3A_22 = tpu.concatenate %add3A_21, %broadcast_in_dim3A_16 in 1 : vector<5056x8xf32>, vector<5056x8xf32> -> vector<5056x16xf32>
    %swap3A_23 = arith.constant 0 : index
    %swap3A_24 = arith.constant 0 : index
    %swap3A_25 = vector.load %arg6[%swap3A_23, %swap3A_24] : memref<5056x16xf32, #tpu.memory_space<vmem>>, vector<5056x16xf32>
    tpu.vector_store %arg6[%swap3A_23, %swap3A_24], %concatenate3A_22 {strides = array<i32>} : memref<5056x16xf32, #tpu.memory_space<vmem>>, vector<5056x16xf32>,
    return
  }
  func.func @transform_0(%arg0: i32) -> (i32, i32) {
    %c0_i32 = arith.constant 0 : i32
    %c0_i32_0 = arith.constant 0 : i32
    return %arg0, %c0_i32 : i32, i32
  }
  func.func @transform_1(%arg0: i32) -> (i32, i32) {
    %c0_i32 = arith.constant 0 : i32
    %c0_i32_0 = arith.constant 0 : i32
    %c0_i32_1 = arith.constant 0 : i32
    return %c0_i32, %c0_i32_0 : i32, i32
  }
  func.func @transform_2(%arg0: i32) -> (i32, i32) {
    %c0_i32 = arith.constant 0 : i32
    %c0_i32_0 = arith.constant 0 : i32
    %c0_i32_1 = arith.constant 0 : i32
    return %c0_i32, %c0_i32_0 : i32, i32
  }
  func.func @transform_3(%arg0: i32) -> (i32, i32) {
    %c0_i32 = arith.constant 0 : i32
    %c0_i32_0 = arith.constant 0 : i32
    %c0_i32_1 = arith.constant 0 : i32
    return %c0_i32, %c0_i32_0 : i32, i32
  }
  func.func @transform_4(%arg0: i32) -> (i32, i32) {
    %c0_i32 = arith.constant 0 : i32
    %c0_i32_0 = arith.constant 0 : i32
    return %arg0, %c0_i32 : i32, i32
  }
  func.func @transform_5(%arg0: i32) -> (i32, i32) {
    %c0_i32 = arith.constant 0 : i32
    %c0_i32_0 = arith.constant 0 : i32
    return %arg0, %c0_i32 : i32, i32
  }
}

module attributes {stable_mosaic.version = 14 : i64} {
  func.func @_out_body(%arg0: i32, %arg1: memref<2x5000x16xf32, #tpu.memory_space<vmem>>, %arg2: memref<5000x16xf32, #tpu.memory_space<vmem>>, %arg3: memref<8x40xf32, #tpu.memory_space<vmem>>, %arg4: memref<8x40xf32, #tpu.memory_space<vmem>>, %arg5: memref<1x40xf32, #tpu.memory_space<vmem>>, %arg6: memref<5000x40xf32, #tpu.memory_space<vmem>>) attributes {dimension_semantics = [#tpu.dimension_semantics<arbitrary>], iteration_bounds = array<i64: 2>, scalar_prefetch = 0 : i64, scratch_operands = 0 : i64, tpu.core_type = #tpu.core_type<tc>, window_params = [{transform_indices = @transform_0, window_bounds = array<i64: 2, 5000, 16>}, {transform_indices = @transform_1, window_bounds = array<i64: 5000, 16>}, {pipeline_mode = #tpu.pipeline_mode<synchronous>, transform_indices = @transform_2, window_bounds = array<i64: 8, 40>}, {pipeline_mode = #tpu.pipeline_mode<synchronous>, transform_indices = @transform_3, window_bounds = array<i64: 8, 40>}, {pipeline_mode = #tpu.pipeline_mode<synchronous>, transform_indices = @transform_4, window_bounds = array<i64: 1, 40>}, {transform_indices = @transform_5, window_bounds = array<i64: 5000, 40>}]} {
    %get3A = arith.constant 0 : index
    %get3A_0 = arith.constant 0 : index
    %get3A_1 = arith.constant 0 : index
    %get3A_2 = vector.load %arg1[%get3A, %get3A_0, %get3A_1] : memref<2x5000x16xf32, #tpu.memory_space<vmem>>, vector<1x5000x16xf32>
    %get3A_3 = vector.shape_cast %get3A_2 : vector<1x5000x16xf32> to vector<5000x16xf32>
    %get3A_4 = arith.constant 1 : index
    %get3A_5 = arith.constant 0 : index
    %get3A_6 = arith.constant 0 : index
    %get3A_7 = vector.load %arg1[%get3A_4, %get3A_5, %get3A_6] : memref<2x5000x16xf32, #tpu.memory_space<vmem>>, vector<1x5000x16xf32>
    %get3A_8 = vector.shape_cast %get3A_7 : vector<1x5000x16xf32> to vector<5000x16xf32>
    %add3A = arith.addf %get3A_3, %get3A_8 : vector<5000x16xf32>
    %get3A_9 = arith.constant 0 : index
    %get3A_10 = arith.constant 8 : index
    %get3A_11 = vector.load %arg2[%get3A_9, %get3A_10] : memref<5000x16xf32, #tpu.memory_space<vmem>>, vector<5000x1xf32>
    %get3A_12 = arith.constant 0 : index
    %get3A_13 = arith.constant 0 : index
    %get3A_14 = vector.load %arg2[%get3A_12, %get3A_13] : memref<5000x16xf32, #tpu.memory_space<vmem>>, vector<5000x8xf32>
    %slice3A = vector.extract_strided_slice %add3A {offsets = [0, 0], sizes = [5000, 8], strides = [1, 1]} : vector<5000x16xf32> to vector<5000x8xf32>
    %mul3A = vector.broadcast %get3A_11 : vector<5000x1xf32> to vector<5000x8xf32>
    %mul3A_15 = arith.mulf %slice3A, %mul3A : vector<5000x8xf32>
    %get3A_16 = arith.constant 0 : index
    %get3A_17 = arith.constant 0 : index
    %get3A_18 = vector.load %arg3[%get3A_16, %get3A_17] : memref<8x40xf32, #tpu.memory_space<vmem>>, vector<8x40xf32>
    %dot_general3A = arith.constant dense<0.000000e+00> : vector<5000x40xf32>
    %dot_general3A_19 = tpu.matmul %mul3A_15, %get3A_18, %dot_general3A {dimension_numbers = #tpu.dot_dimension_numbers<[1], [0], [0], [1], [0, 0, 1, 1], [], []>, precision = #tpu.contract_precision<fp32>, transpose_lhs_hint = false} : vector<5000x8xf32>, vector<8x40xf32>, vector<5000x40xf32> -> vector<5000x40xf32>
    %get3A_20 = arith.constant 0 : index
    %get3A_21 = arith.constant 0 : index
    %get3A_22 = vector.load %arg4[%get3A_20, %get3A_21] : memref<8x40xf32, #tpu.memory_space<vmem>>, vector<8x40xf32>
    %dot_general3A_23 = arith.constant dense<0.000000e+00> : vector<5000x40xf32>
    %dot_general3A_24 = tpu.matmul %get3A_14, %get3A_22, %dot_general3A_23 {dimension_numbers = #tpu.dot_dimension_numbers<[1], [0], [0], [1], [0, 0, 1, 1], [], []>, precision = #tpu.contract_precision<fp32>, transpose_lhs_hint = false} : vector<5000x8xf32>, vector<8x40xf32>, vector<5000x40xf32> -> vector<5000x40xf32>
    %add3A_25 = arith.addf %dot_general3A_19, %dot_general3A_24 : vector<5000x40xf32>
    %get3A_26 = arith.constant 0 : index
    %get3A_27 = arith.constant 0 : index
    %get3A_28 = vector.load %arg5[%get3A_26, %get3A_27] : memref<1x40xf32, #tpu.memory_space<vmem>>, vector<1x40xf32>
    %add3A_29 = vector.broadcast %get3A_28 : vector<1x40xf32> to vector<5000x40xf32>
    %add3A_30 = arith.addf %add3A_25, %add3A_29 : vector<5000x40xf32>
    %reduce_max3A = arith.constant dense<0xFF800000> : vector<5000xf32>
    %reduce_max3A_31 = vector.multi_reduction <maximumf>, %add3A_30, %reduce_max3A [1] : vector<5000x40xf32> to vector<5000xf32>
    %broadcast_in_dim3A = vector.shape_cast %reduce_max3A_31 : vector<5000xf32> to vector<5000x1xf32>
    %sub3A = vector.broadcast %broadcast_in_dim3A : vector<5000x1xf32> to vector<5000x40xf32>
    %sub3A_32 = arith.subf %add3A_30, %sub3A : vector<5000x40xf32>
    %exp3A = math.exp %sub3A_32 : vector<5000x40xf32>
    %reduce_sum3A = arith.constant dense<0.000000e+00> : vector<5000xf32>
    %reduce_sum3A_33 = vector.multi_reduction <add>, %exp3A, %reduce_sum3A [1] : vector<5000x40xf32> to vector<5000xf32>
    %broadcast_in_dim3A_34 = vector.shape_cast %reduce_sum3A_33 : vector<5000xf32> to vector<5000x1xf32>
    %log3A = math.log %broadcast_in_dim3A_34 : vector<5000x1xf32>
    %sub3A_35 = vector.broadcast %log3A : vector<5000x1xf32> to vector<5000x40xf32>
    %sub3A_36 = arith.subf %sub3A_32, %sub3A_35 : vector<5000x40xf32>
    %swap3A = arith.constant 0 : index
    %swap3A_37 = arith.constant 0 : index
    %swap3A_38 = vector.load %arg6[%swap3A, %swap3A_37] : memref<5000x40xf32, #tpu.memory_space<vmem>>, vector<5000x40xf32>
    tpu.vector_store %arg6[%swap3A, %swap3A_37], %sub3A_36 {strides = array<i32>} : memref<5000x40xf32, #tpu.memory_space<vmem>>, vector<5000x40xf32>,
    return
  }
  func.func @transform_0(%arg0: i32) -> (i32, i32, i32) {
    %c0_i32 = arith.constant 0 : i32
    %c0_i32_0 = arith.constant 0 : i32
    %c0_i32_1 = arith.constant 0 : i32
    return %c0_i32, %arg0, %c0_i32_0 : i32, i32, i32
  }
  func.func @transform_1(%arg0: i32) -> (i32, i32) {
    %c0_i32 = arith.constant 0 : i32
    %c0_i32_0 = arith.constant 0 : i32
    return %arg0, %c0_i32 : i32, i32
  }
  func.func @transform_2(%arg0: i32) -> (i32, i32) {
    %c0_i32 = arith.constant 0 : i32
    %c0_i32_0 = arith.constant 0 : i32
    %c0_i32_1 = arith.constant 0 : i32
    return %c0_i32, %c0_i32_0 : i32, i32
  }
  func.func @transform_3(%arg0: i32) -> (i32, i32) {
    %c0_i32 = arith.constant 0 : i32
    %c0_i32_0 = arith.constant 0 : i32
    %c0_i32_1 = arith.constant 0 : i32
    return %c0_i32, %c0_i32_0 : i32, i32
  }
  func.func @transform_4(%arg0: i32) -> (i32, i32) {
    %c0_i32 = arith.constant 0 : i32
    %c0_i32_0 = arith.constant 0 : i32
    %c0_i32_1 = arith.constant 0 : i32
    return %c0_i32, %c0_i32_0 : i32, i32
  }
  func.func @transform_5(%arg0: i32) -> (i32, i32) {
    %c0_i32 = arith.constant 0 : i32
    %c0_i32_0 = arith.constant 0 : i32
    return %arg0, %c0_i32 : i32, i32
  }
}

</mosaic_0001>

<sc_bundles>
// kernel: kernel.6.cloned.1.call-start
scs
__scs_entry_jumppad:
0x0: {  	(pc) =	sbr.rel $0x88, $3  }
0x1: {  	(tag) =	ssettag $0x0;
	lr =	simm.s32 $0x1  }
0x2: {  	[smem:$0x3F99] =	sst lr;
	_ =	strace $0xD0000000  }
0x3: {  	_ = 	snop  }
0x4: {  	_ = 	snop  }
0x5: {  	_ = 	snop  }
0x6: {  	_ = 	snop  }
0x7: {  	_ = 	snop  }
__scs_overlays_trampoline_lowered:
0x8: {  	[smem:$0x3FA8] =	sst s0  }
0x9: {  	[smem:$0x3FA9] =	sst s1  }
0xa: {  	[smem:$0x3FAA] =	sst s2  }
0xb: {  	[smem:$0x3FAB] =	sst s3  }
0xc: {  	[smem:$0x3FAC] =	sst s4  }
0xd: {  	[smem:$0x3FAD] =	sst s5  }
0xe: {  	[smem:$0x3FAE] =	sst s6  }
0xf: {  	[smem:$0x3FAF] =	sst s7  }
0x10: {  	[smem:$0x3FB0] =	sst s8  }
0x11: {  	[smem:$0x3FB1] =	sst s9;
	s0 =	simm.s32 @!p0 $0x0  }
0x12: {  	s1 =	sld [smem:$0x3F97];
	s0 =	simm.s32 @p0 $0x1  }
0x13: {  	[smem:$0x3FB2] =	sst s0;
	s0 =	simm.s32 @!p1 $0x0  }
0x14: {  	s2 =	sld [smem:$0x3F96];
	s0 =	simm.s32 @p1 $0x1  }
0x15: {  	[smem:$0x3FB3] =	sst s0;
	s0 =	simm.s32 @!p2 $0x0  }
0x16: {  	s3 =	sld [smem:$0x3FDB];
	s0 =	simm.s32 @p2 $0x1  }
0x17: {  	s4 =	simm.s32 $0x1BF5;
	[smem:$0x3FB5] =	sst s0  }
0x18: {  	s0 =	sld [smem:$0x3F98];
	_ =	swait.ge [sflag:s4], $0x0  }
0x19: {  	s7 =	sld [smem:$0x3F99]  }
0x1a: {  	s8 =	sadd.s32 $0xFFFFE003, lr  }
0x1b: {  	s9 =	sadd.s32 $0xFFFFFEF7, lr;
	s5 =	simm.s32 $0xFFFFFFFF;
	p2 =	slt.u32 s8, $0xFFFFF086  }
0x1c: {  	p1 =	slt.u32 s9, $0xF7A;
	s5 =	simm.s32 @!p2 $0x0  }
0x1d: {  	s5 =	simm.s32 @p1 $0x1;
	p0 =	seq.s32 s7, s2  }
0x1e: {  	s7 =	smul.u32 @!p0 $0xF7A, s2;
	p2 =	seq.s32 @!p0 s5, $0x0  }
0x1f: {  	s9 =	smul.u32 $0xF7A, s1;
	s8 =	simm.s32 @!p0 $0x1BF5;
	p2 =	por !p2, p0  }
0x20: {  	[sflag:s8] =	ssyncset.s32 @!p0 $0xFFFFF086;
	s6 =	sadd.s32 @!p0 s3, s7;
	s7 =	simm.s32 @!p0 $0x108  }
0x21: {  	s3 =	sadd.s32 s3, s9;
	s6 =	sadd.s32 @!p0 $0x88, s6;
	s7 =	simm.s32 @p2 $0x1082  }
0x22: {  	[simem:s7], [sflag:s8] =	dma.local @!p0 [hbm:s6], $0xF7A  }
0x23: {  	s9 =	sor.u32 $0xD0000000, s2;
	s6 =	simm.s32 $0x108;
	_ =	swait.ge @!p0 [sflag:s8], $0x0  }
0x24: {  	s3 =	sadd.s32 $0x88, s3;
	s6 =	simm.s32 @!p1 $0x1082;
	[sflag:s4] =	ssyncset.s32 $0xFFFFF086  }
0x25: {  	[simem:s6], [sflag:s4] =	dma.local [hbm:s3], $0xF7A  }
0x26: {  	[smem:$0x3F99] =	sst s1;
	(tag) =	ssettag s2;
	_ =	strace s9  }
0x27: {  	s1 =	sld [smem:$0x3FA9]  }
0x28: {  	s2 =	sld [smem:$0x3FAA]  }
0x29: {  	s4 =	sld [smem:$0x3FAC]  }
0x2a: {  	p0 =	seq.s32 s5, $0x0;
	s5 =	sld [smem:$0x3FAD]  }
0x2b: {  	s6 =	sld [smem:$0x3FAE]  }
0x2c: {  	s7 =	sld [smem:$0x3FAF]  }
0x2d: {  	s3 =	simm.s32 $0x108;
	s8 =	sld [smem:$0x3FB0]  }
0x2e: {  	s3 =	simm.s32 @!p0 $0x1082;
	s9 =	sld [smem:$0x3FB1]  }
0x2f: {  	lr =	sadd.s32 s0, s3;
	s0 =	sld [smem:$0x3FA8]  }
0x30: {  	s3 =	sld [smem:$0x3FAB]  }
0x31: {  	[smem:$0x3FB4] =	sst s10  }
0x32: {  	s10 =	sld [smem:$0x3FB2];
	_ =	sdelay $0x3  }
0x33: {  	p0 =	seq.s32 s10, $0x1;
	s10 =	sld [smem:$0x3FB4];
	_ =	sdelay $0x3  }
0x34: {  	[smem:$0x3FB4] =	sst s10  }
0x35: {  	s10 =	sld [smem:$0x3FB3];
	_ =	sdelay $0x3  }
0x36: {  	p1 =	seq.s32 s10, $0x1;
	s10 =	sld [smem:$0x3FB4];
	_ =	sdelay $0x3  }
0x37: {  	[smem:$0x3FB4] =	sst s10  }
0x38: {  	s10 =	sld [smem:$0x3FB5]  }
0x39: {  	_ = 	snop;
	(pc) =	sbr.ind lr, $3  }
0x3a: {  	_ = 	snop  }
0x3b: {  	_ = 	snop  }
0x3c: {  	p2 =	seq.s32 s10, $0x1;
	s10 =	sld [smem:$0x3FB4]  }
0x3d: {  	_ =	shalt  }
0x3e: {  	_ =	shalt  }
0x3f: {  	_ =	shalt  }
0x40: {  	_ =	shalt  }
0x41: {  	_ =	shalt  }
0x42: {  	_ =	shalt  }
0x43: {  	_ =	shalt  }
0x44: {  	_ =	shalt  }
0x45: {  	_ =	shalt  }
0x46: {  	_ =	shalt  }
0x47: {  	_ =	shalt  }
0x48: {  	_ =	shalt  }
0x49: {  	_ =	shalt  }
0x4a: {  	_ =	shalt  }
0x4b: {  	_ =	shalt  }
0x4c: {  	_ =	shalt  }
0x4d: {  	_ =	shalt  }
0x4e: {  	_ =	shalt  }
0x4f: {  	_ =	shalt  }
0x50: {  	_ =	shalt  }
0x51: {  	_ =	shalt  }
0x52: {  	_ =	shalt  }
0x53: {  	_ =	shalt  }
0x54: {  	_ =	shalt  }
0x55: {  	_ =	shalt  }
0x56: {  	_ =	shalt  }
0x57: {  	_ =	shalt  }
0x58: {  	_ =	shalt  }
0x59: {  	_ =	shalt  }
0x5a: {  	_ =	shalt  }
0x5b: {  	_ =	shalt  }
0x5c: {  	_ =	shalt  }
0x5d: {  	_ =	shalt  }
0x5e: {  	_ =	shalt  }
0x5f: {  	_ =	shalt  }
0x60: {  	_ =	shalt  }
0x61: {  	_ =	shalt  }
0x62: {  	_ =	shalt  }
0x63: {  	_ =	shalt  }
0x64: {  	_ =	shalt  }
0x65: {  	_ =	shalt  }
0x66: {  	_ =	shalt  }
0x67: {  	_ =	shalt  }
0x68: {  	_ =	shalt  }
0x69: {  	_ =	shalt  }
0x6a: {  	_ =	shalt  }
0x6b: {  	_ =	shalt  }
0x6c: {  	_ =	shalt  }
0x6d: {  	_ =	shalt  }
0x6e: {  	_ =	shalt  }
0x6f: {  	_ =	shalt  }
0x70: {  	_ =	shalt  }
0x71: {  	_ =	shalt  }
0x72: {  	_ =	shalt  }
0x73: {  	_ =	shalt  }
0x74: {  	_ =	shalt  }
0x75: {  	_ =	shalt  }
0x76: {  	_ =	shalt  }
0x77: {  	_ =	shalt  }
0x78: {  	_ =	shalt  }
0x79: {  	_ =	shalt  }
0x7a: {  	_ =	shalt  }
0x7b: {  	_ =	shalt  }
0x7c: {  	_ =	shalt  }
0x7d: {  	_ =	shalt  }
0x7e: {  	_ =	shalt  }
0x7f: {  	_ =	shalt  }
0x80: {  	_ =	shalt  }
0x81: {  	_ =	shalt  }
0x82: {  	_ =	shalt  }
0x83: {  	_ =	shalt  }
0x84: {  	_ =	shalt  }
0x85: {  	_ =	shalt  }
0x86: {  	_ =	shalt  }
0x87: {  	_ =	shalt  }
.Lfunc_end0:
.L_simem_size_0:
called_computation_lowered:
.L_overlay_start_0:
0x88: {  	s2 =	sld [smem:$0x3FD9]  }
0x89: {  	s3 =	sld [smem:$0x3FFE];
	_ =	sdelay $0x1  }
0x8a: {  	s1 =	srdreg.scid  }
0x8b: {  	s0 =	sand.u32 $0x1, s1  }
0x8c: {  	s17 =	sshll.u32 s0, $0xA;
	s2 =	sadd.s32 s3, s2  }
0x8d: {  	s2 =	sadd.s32 s2, s17  }
0x8e: {  	[smem:$0x3FC0] =	sst s2  }
0x8f: {  	_ = 	snop  }
0x90: {  	s2 =	sld [smem:$0x3FD0];
	(tm) =	ssettm $0x1  }
0x91: {  	s18 =	sld [smem:$0x3FFB];
	_ =	sdelay $0x3  }
0x92: {  	_ =	strace s18  }
0x93: {  	s3 =	sld [smem:$0x3FFC];
	_ =	sdelay $0x3  }
0x94: {  	_ =	strace s3  }
0x95: {  	s3 =	sld [smem:$0x3FFD];
	_ =	sdelay $0x3  }
0x96: {  	_ =	strace s3  }
0x97: {  	_ =	strace $0x8FFFFFFF  }
0x98: {  	s19 =	sld [smem:$0x3FDB];
	_ =	sdelay $0x1  }
0x99: {  	s4 =	simm.s32 $_scs_section_size  }
0x9a: {  	s5 =	simm.s32 $_size__tile_overlayer_lowered;
	s6 =	simm.s32 $_tile_overlayer_lowered  }
0x9b: {  	s22 =	simm.s32 $0x1BFF;
	s21 =	sshll.u32 s6, $0x1;
	s3 =	sadd.s32 s4, s19  }
0x9c: {  	s7 =	simm.s32 $0x0;
	s20 =	sshll.u32 s5, $0x1;
	s5 =	sadd.s32 s21, s3  }
0x9d: {  	[timem:s7], [sflag:s22] =	dma.local [hbm:s5], s20  }
0x9e: {  	_ =	swait.ge [sflag:s22], s20  }
0x9f: {  	s4 =	ssub.s32 $0x0, s20;
	[sflag:s22] =	ssyncset.done $0x0  }
0xa0: {  	[sflag:s22] =	ssyncadd.s32 s4;
	_ =	sdelay $0x1  }
0xa1: {  	s23 =	simm.s32 $0x1B8B  }
0xa2: {  	_ =	swait.ge [sflag:s23], $0x1  }
0xa3: {  	[sflag:s23] =	ssyncset.done $0x0  }
0xa4: {  	s25 =	simm.s32 $0x1B8E;
	s24 =	sld [smem:$0x3FFE];
	[sflag:s23] =	ssyncadd.s32 $0xFFFFFFFF  }
0xa5: {  	s26 =	simm.s32 $execute0_lowered;
	[smem:$0x3FD2] =	sst s25  }
0xa6: {  	s5 =	sshll.u32 s26, $0x1;
	_ =	strace $0x80000046;
	[dreg:$0x1] =	wrdreg $0xFFFFFFFF  }
0xa7: {  	s28 =	simm.s32 $_size_execute0_lowered;
	s3 =	sadd.s32 s3, s5;
	[dreg:$0x0] =	wrdreg $0x0  }
0xa8: {  	s5 =	sshll.u32 s28, $0x1;
	[dreg:$0x2] =	wrdreg s3  }
0xa9: {  	[dreg:$0x3] =	wrdreg s5  }
0xaa: {  	[dreg:$0x4] =	wrdreg $0xC0  }
0xab: {  	_ =	task [dreg:s7], $0x5FFFF  }
0xac: {  	[dreg:$0x1] =	wrdreg $0xFFFFFFFF  }
0xad: {  	[dreg:$0x0] =	wrdreg $0x60  }
0xae: {  	[dreg:$0x2] =	wrdreg s2  }
0xaf: {  	[dreg:$0x3] =	wrdreg s24  }
0xb0: {  	[dreg:$0x4] =	wrdreg $0xD0000  }
0xb1: {  	[dreg:$0x5] =	wrdreg $0xF7800  }
0xb2: {  	[dreg:$0x6] =	wrdreg $0x9  }
0xb3: {  	_ =	task.clear_ibuf [dreg:s7], $0x7FFFF;
	_ =	strace $0x90000046  }
0xb4: {  	s29 =	simm.s32 $0x9;
	_ =	strace $0x80000048  }
0xb5: {  	_ =	swait.ge [sflag:s29], $0x1  }
0xb6: {  	[sflag:s29] =	ssyncadd.s32 $0xFFFFFFFF  }
0xb7: {  	_ =	strace $0x90000048  }
0xb8: {  	_ =	sfence  }
0xb9: {  	s30 =	sld [smem:$0x0];
	_ =	sdelay $0x2  }
0xba: {  	s31 =	sshll.u32 s1, $0xD;
	s1 =	sshrl.u32 s1, $0x2  }
0xbb: {  	s3 =	sand.u32 $0x4000, s31;
	s1 =	sadd.s32 s1, s30  }
0xbc: {  	s0 =	sor.u32 s3, s0;
	s1 =	sshll.u32 s1, $0x11  }
0xbd: {  	s0 =	sor.u32 s1, s0  }
0xbe: {  	s0 =	sadd.s32 $0x8F2B, s0  }
0xbf: {  	[sflag:s0] =	ssyncadd.remote.s32 $0x1  }
0xc0: {  	_ =	sfence.sel $0xFFFF  }
0xc1: {  	[dreg:$0x0] =	wrdreg $0xFFFFFFFF;
	(pc) =	sbr.abs _section_cstart, $3  }
0xc2: {  	[dreg:$0x1] =	wrdreg $0xFFFFFFFF  }
0xc3: {  	_ =	task.clear_ibuf [dreg:s7], $0x2FFFF;
	_ =	strace $0x9FFFFFFF  }
0xc4: {  	(tm) =	ssettm $0x7FFFFFFF  }
0xc5: {  	_ =	shalt  }
tec
execute0_lowered:
.L_overlay_start_1:
0x0: {  	(tag) =	ssettag $0x1  }
0x1: {  	s5 =	rddreg [dreg:$0x0]  }
0x2: {  	s1 =	srdreg.scid;
	s6 =	rddreg [dreg:$0x1]  }
0x3: {  	s0 =	stileid.u32;
	s3 =	rddreg [dreg:$0x2]  }
0x4: {  	s1 =	sand.u32 $0x1, s1;
	s2 =	sshll.u32 s0, $0x1;
	s7 =	smul.u32 $0x2780, s0  }
0x5: {  	s4 =	sor.u32 s1, s2;
	s2 =	rddreg [dreg:$0x3]  }
0x6: {  	s8 =	smul.u32 $0x2710, s4;
	s4 =	simm.s32 $0x0;
	s9 =	sshrl.u32 s7, $0x3  }
0x7: {  	[smem:$0x7FF] =	sst s4;
	s5 =	sadd.s32 s5, s9  }
0x8: {  	s11 =	simm.s32 $0x2A00;
	_ =	strace $0x80000047;
	[dreg:$0x5] =	wrdreg s5  }
0x9: {  	s12 =	simm.s32 $0x800;
	[dreg:$0xf] =	wrdreg s11  }
0xa: {  	s13 =	simm.s32 $0xA00;
	[dreg:$0x10] =	wrdreg s12  }
0xb: {  	s14 =	simm.s32 $0x2C00;
	[dreg:$0x11] =	wrdreg s13  }
0xc: {  	s15 =	simm.s32 $0x2E00;
	[dreg:$0x12] =	wrdreg s14  }
0xd: {  	s16 =	simm.s32 $0xC00;
	[dreg:$0x13] =	wrdreg s15  }
0xe: {  	s17 =	simm.s32 $0xE00;
	[dreg:$0x14] =	wrdreg s16  }
0xf: {  	s18 =	simm.s32 $0x3000;
	s20 =	smul.u32 $0x27800, s1;
	[dreg:$0x15] =	wrdreg s17  }
0x10: {  	s19 =	simm.s32 $0x3200;
	s10 =	sadd.s32 s9, s6;
	[dreg:$0x16] =	wrdreg s18  }
0x11: {  	s9 =	sadd.s32 s7, s20;
	s20 =	simm.s32 $0x1000;
	[dreg:$0x17] =	wrdreg s19  }
0x12: {  	s21 =	sadd.s32 $0x15400, s10;
	[dreg:$0x18] =	wrdreg s20  }
0x13: {  	s10 =	simm.s32 $0x600;
	[dreg:$0x6] =	wrdreg s21  }
0x14: {  	s8 =	sshrl.u32 s8, $0x3;
	[dreg:$0xe] =	wrdreg s10  }
0x15: {  	s9 =	sshrl.u32 s9, $0x3;
	s12 =	simm.s32 $0x3E00;
	s11 =	rddreg [dreg:$0x5]  }
0x16: {  	s15 =	simm.s32 $0x1C00;
	s8 =	sadd.s32 s8, s6;
	[smem:$0x7FC] =	sst s12  }
0x17: {  	s6 =	sadd.s32 s9, s6;
	s9 =	simm.s32 $0x400;
	[smem:$0x7FD] =	sst s15  }
0x18: {  	s21 =	simm.s32 $0x1200;
	[dreg:$0xd] =	wrdreg s9  }
0x19: {  	s10 =	simm.s32 $0x3C00;
	[dreg:$0x19] =	wrdreg s21  }
0x1a: {  	s22 =	sadd.s32 $0x1A00, s8;
	[smem:$0x7FB] =	sst s10  }
0x1b: {  	s23 =	sadd.s32 $0x1EC0, s8;
	[dreg:$0x7] =	wrdreg s22  }
0x1c: {  	s24 =	sadd.s32 $0xB640, s8;
	[dreg:$0x8] =	wrdreg s23  }
0x1d: {  	s25 =	sadd.s32 $0xBB00, s8;
	[dreg:$0x9] =	wrdreg s24  }
0x1e: {  	s26 =	sadd.s32 s7, s3;
	s6 =	sadd.s32 $0x1A400, s6;
	[dreg:$0xa] =	wrdreg s25  }
0x1f: {  	s8 =	sshrl.u32 s26, $0x3;
	[dreg:$0xb] =	wrdreg s6  }
0x20: {  	s26 =	simm.s32 $0x3800;
	[dreg:$0xc] =	wrdreg s8  }
0x21: {  	s9 =	simm.s32 $0x1A00;
	[dreg:$0x1e] =	wrdreg s26  }
0x22: {  	s22 =	simm.s32 $0x3400;
	[smem:$0x7FA] =	sst s9  }
0x23: {  	s23 =	simm.s32 $0x3600;
	[dreg:$0x1a] =	wrdreg s22  }
0x24: {  	s24 =	simm.s32 $0x1400;
	[dreg:$0x1b] =	wrdreg s23  }
0x25: {  	s25 =	simm.s32 $0x1600;
	[dreg:$0x1c] =	wrdreg s24  }
0x26: {  	s6 =	simm.s32 $0x3A00;
	[dreg:$0x1d] =	wrdreg s25  }
0x27: {  	s8 =	simm.s32 $0x1800;
	[dreg:$0x1f] =	wrdreg s6  }
0x28: {  	s14 =	sshll.u32 s0, $0x6;
	[smem:$0x7F9] =	sst s8  }
0x29: {  	s5 =	simm.s32 $0x5;
	s13 =	rddreg [dreg:$0xc];
	s6 =	sor.u32 $0x1C05, s14  }
0x2a: {  	[spmem:s13], [sflag:s6] =	dma.local [hbm:s11], $0x4F0  }
0x2b: {  	_ =	swait.ge [sflag:s5], $0x4F0  }
0x2c: {  	s7 =	sadd.s32 s7, s2;
	[sflag:s5] =	ssyncset.done $0x0  }
0x2d: {  	s7 =	sshrl.u32 s7, $0x3;
	s16 =	rddreg [dreg:$0x6];
	[sflag:s5] =	ssyncadd.s32 $0xFFFFFB10  }
0x2e: {  	[spmem:s7], [sflag:s6] =	dma.local [hbm:s16], $0x4F0  }
0x2f: {  	_ =	swait.ge [sflag:s5], $0x4F0  }
0x30: {  	[sflag:s5] =	ssyncset.done $0x0  }
0x31: {  	s17 =	rddreg [dreg:$0x7];
	[sflag:s5] =	ssyncadd.s32 $0xFFFFFB10  }
0x32: {  	[tilespmem:s4], [sflag:$0x5] =	stream.linear.gather [hbm4b:s17+s4], $0x2600, $0x38;
	[tilespmem:$0x11F00] =	vst v63  }
0x33: {  	_ =	swait.ge [sflag:s5], $0x2600  }
0x34: {  	[sflag:s5] =	ssyncset.done $0x0  }
0x35: {  	s8 =	simm.s32 $0x2600;
	s18 =	rddreg [dreg:$0x8];
	[sflag:s5] =	ssyncadd.s32 $0xFFFFDA00  }
0x36: {  	[tilespmem:s8], [sflag:$0x5] =	stream.linear.gather [hbm4b:s18+s4], $0x110, $0x38;
	[tilespmem:$0x11F00] =	vst v63  }
0x37: {  	_ =	swait.ge [sflag:s5], $0x110  }
0x38: {  	[sflag:s5] =	ssyncset.done $0x0  }
0x39: {  	s10 =	simm.s32 $0x2800;
	s19 =	rddreg [dreg:$0x9];
	[sflag:s5] =	ssyncadd.s32 $0xFFFFFEF0  }
0x3a: {  	[tilespmem:s10], [sflag:$0x5] =	stream.linear.gather [hbm4b:s19+s4], $0x2600, $0x38;
	[tilespmem:$0x11F00] =	vst v63  }
0x3b: {  	_ =	swait.ge [sflag:s5], $0x2600  }
0x3c: {  	[sflag:s5] =	ssyncset.done $0x0  }
0x3d: {  	s9 =	simm.s32 $0x4E00;
	s11 =	rddreg [dreg:$0xa];
	[sflag:s5] =	ssyncadd.s32 $0xFFFFDA00  }
0x3e: {  	[tilespmem:s9], [sflag:$0x5] =	stream.linear.gather [hbm4b:s11+s4], $0x110, $0x38;
	[tilespmem:$0x11F00] =	vst v63  }
0x3f: {  	_ =	swait.ge [sflag:s5], $0x110  }
0x40: {  	[sflag:s5] =	ssyncset.done $0x0  }
0x41: {  	v0 =	vimm.s32 $0x2710;
	[sflag:s5] =	ssyncadd.s32 $0xFFFFFEF0  }
0x42: {  	v1 =	vimm.s32 $0x0;
	[tilespmem:$0x4FF0] =	vst v0  }
0x43: {  	[tilespmem:$0x27F0] =	vst v1  }
0x44: {  	[tilespmem:$0x4FE0] =	vst v0  }
0x45: {  	[tilespmem:$0x27E0] =	vst v1  }
0x46: {  	[tilespmem:$0x4FD0] =	vst v0  }
0x47: {  	[tilespmem:$0x27D0] =	vst v1  }
0x48: {  	[tilespmem:$0x4FC0] =	vst v0  }
0x49: {  	[tilespmem:$0x27C0] =	vst v1  }
0x4a: {  	[tilespmem:$0x4FB0] =	vst v0  }
0x4b: {  	[tilespmem:$0x27B0] =	vst v1  }
0x4c: {  	[tilespmem:$0x4FA0] =	vst v0  }
0x4d: {  	[tilespmem:$0x27A0] =	vst v1  }
0x4e: {  	[tilespmem:$0x4F90] =	vst v0  }
0x4f: {  	[tilespmem:$0x2790] =	vst v1  }
0x50: {  	[tilespmem:$0x4F80] =	vst v0  }
0x51: {  	[tilespmem:$0x2780] =	vst v1  }
0x52: {  	[tilespmem:$0x4F70] =	vst v0  }
0x53: {  	[tilespmem:$0x2770] =	vst v1  }
0x54: {  	[tilespmem:$0x4F60] =	vst v0  }
0x55: {  	[tilespmem:$0x2760] =	vst v1  }
0x56: {  	[tilespmem:$0x4F50] =	vst v0  }
0x57: {  	[tilespmem:$0x2750] =	vst v1  }
0x58: {  	[tilespmem:$0x4F40] =	vst v0  }
0x59: {  	[tilespmem:$0x2740] =	vst v1  }
0x5a: {  	[tilespmem:$0x4F30] =	vst v0  }
0x5b: {  	[tilespmem:$0x2730] =	vst v1  }
0x5c: {  	[tilespmem:$0x4F20] =	vst v0  }
0x5d: {  	[tilespmem:$0x2720] =	vst v1  }
0x5e: {  	[tilespmem:$0x4F10] =	vst v0  }
0x5f: {  	[tilespmem:$0x2710] =	vst v1  }
0x60: {  	s12 =	simm.s32 $0x200;
	s15 =	simm.s32 $0x5000;
	[bflag:$0x0] =	sbarrier.arrive $0xFFFF  }
0x61: {  	[tilespmem:s15], [sflag:$0x1] =	stream.indirect.gather [spmem:s3], $0x10, s4, s12, $0xb8;
	[tilespmem:$0x11F00] =	vst v63  }
0x62: {  	s16 =	simm.s32 $0x7000  }
0x63: {  	[tilespmem:s16], [sflag:$0x1] =	stream.indirect.gather [spmem:s3], $0x10, s12, s12, $0xb8;
	[tilespmem:$0x11F00] =	vst v63  }
0x64: {  	s13 =	simm.s32 $0x9000;
	s20 =	rddreg [dreg:$0xd]  }
0x65: {  	[tilespmem:s13], [sflag:$0x2] =	stream.indirect.gather [spmem:s3], $0x10, s20, s12, $0xb8;
	[tilespmem:$0x11F00] =	vst v63  }
0x66: {  	s14 =	simm.s32 $0xB000;
	s11 =	simm.s32 $0x1;
	s17 =	rddreg [dreg:$0xe]  }
0x67: {  	[tilespmem:s14], [sflag:$0x2] =	stream.indirect.gather [spmem:s3], $0x10, s17, s12, $0xb8;
	[tilespmem:$0x11F00] =	vst v63  }
0x68: {  	_ =	swait.ge [sflag:s11], $0x2000  }
0x69: {  	[sflag:s11] =	ssyncset.done $0x0  }
0x6a: {  	[sflag:s11] =	ssyncadd.s32 $0xFFFFE000  }
0x6b: {  	_ =	swait.ge [sflag:s11], $0x2000  }
0x6c: {  	[sflag:s11] =	ssyncset.done $0x0  }
0x6d: {  	[sflag:s11] =	ssyncadd.s32 $0xFFFFE000  }
0x6e: {  	[spmem:s2] =	stream.indirect.scatter.add.f32 [tilespmem:s15], [sflag:$0x3], $0x10, s10, s12, $0xb8;
	[tilespmem:$0x11F00] =	vst v63  }
0x6f: {  	s17 =	simm.s32 $0x3;
	s18 =	rddreg [dreg:$0xf]  }
0x70: {  	[spmem:s2] =	stream.indirect.scatter.add.f32 [tilespmem:s16], [sflag:$0x3], $0x10, s18, s12, $0xb8;
	[tilespmem:$0x11F00] =	vst v63  }
0x71: {  	_ =	swait.ge [sflag:s17], $0x2000  }
0x72: {  	[sflag:s17] =	ssyncset.done $0x0  }
0x73: {  	[sflag:s17] =	ssyncadd.s32 $0xFFFFE000  }
0x74: {  	_ =	swait.ge [sflag:s17], $0x2000  }
0x75: {  	[sflag:s17] =	ssyncset.done $0x0  }
0x76: {  	s21 =	rddreg [dreg:$0x10];
	[sflag:s17] =	ssyncadd.s32 $0xFFFFE000  }
0x77: {  	[tilespmem:s15], [sflag:$0x1] =	stream.indirect.gather [spmem:s3], $0x10, s21, s12, $0xb8;
	[tilespmem:$0x11F00] =	vst v63  }
0x78: {  	s18 =	simm.s32 $0x2;
	s19 =	rddreg [dreg:$0x11]  }
0x79: {  	[tilespmem:s16], [sflag:$0x1] =	stream.indirect.gather [spmem:s3], $0x10, s19, s12, $0xb8;
	[tilespmem:$0x11F00] =	vst v63  }
0x7a: {  	_ =	swait.ge [sflag:s18], $0x2000  }
0x7b: {  	[sflag:s18] =	ssyncset.done $0x0  }
0x7c: {  	[sflag:s18] =	ssyncadd.s32 $0xFFFFE000  }
0x7d: {  	_ =	swait.ge [sflag:s18], $0x2000  }
0x7e: {  	[sflag:s18] =	ssyncset.done $0x0  }
0x7f: {  	s22 =	rddreg [dreg:$0x12];
	[sflag:s18] =	ssyncadd.s32 $0xFFFFE000  }
0x80: {  	[spmem:s2] =	stream.indirect.scatter.add.f32 [tilespmem:s13], [sflag:$0x4], $0x10, s22, s12, $0xb8;
	[tilespmem:$0x11F00] =	vst v63  }
0x81: {  	s19 =	simm.s32 $0x4;
	s20 =	rddreg [dreg:$0x13]  }
0x82: {  	[spmem:s2] =	stream.indirect.scatter.add.f32 [tilespmem:s14], [sflag:$0x4], $0x10, s20, s12, $0xb8;
	[tilespmem:$0x11F00] =	vst v63  }
0x83: {  	_ =	swait.ge [sflag:s19], $0x2000  }
0x84: {  	[sflag:s19] =	ssyncset.done $0x0  }
0x85: {  	[sflag:s19] =	ssyncadd.s32 $0xFFFFE000  }
0x86: {  	_ =	swait.ge [sflag:s19], $0x2000  }
0x87: {  	[sflag:s19] =	ssyncset.done $0x0  }
0x88: {  	s23 =	rddreg [dreg:$0x14];
	[sflag:s19] =	ssyncadd.s32 $0xFFFFE000  }
0x89: {  	[tilespmem:s13], [sflag:$0x2] =	stream.indirect.gather [spmem:s3], $0x10, s23, s12, $0xb8;
	[tilespmem:$0x11F00] =	vst v63  }
0x8a: {  	s21 =	rddreg [dreg:$0x15]  }
0x8b: {  	[tilespmem:s14], [sflag:$0x2] =	stream.indirect.gather [spmem:s3], $0x10, s21, s12, $0xb8;
	[tilespmem:$0x11F00] =	vst v63  }
0x8c: {  	_ =	swait.ge [sflag:s11], $0x2000  }
0x8d: {  	[sflag:s11] =	ssyncset.done $0x0  }
0x8e: {  	[sflag:s11] =	ssyncadd.s32 $0xFFFFE000  }
0x8f: {  	_ =	swait.ge [sflag:s11], $0x2000  }
0x90: {  	[sflag:s11] =	ssyncset.done $0x0  }
0x91: {  	s24 =	rddreg [dreg:$0x16];
	[sflag:s11] =	ssyncadd.s32 $0xFFFFE000  }
0x92: {  	[spmem:s2] =	stream.indirect.scatter.add.f32 [tilespmem:s15], [sflag:$0x3], $0x10, s24, s12, $0xb8;
	[tilespmem:$0x11F00] =	vst v63  }
0x93: {  	s25 =	rddreg [dreg:$0x17]  }
0x94: {  	[spmem:s2] =	stream.indirect.scatter.add.f32 [tilespmem:s16], [sflag:$0x3], $0x10, s25, s12, $0xb8;
	[tilespmem:$0x11F00] =	vst v63  }
0x95: {  	_ =	swait.ge [sflag:s17], $0x2000  }
0x96: {  	[sflag:s17] =	ssyncset.done $0x0  }
0x97: {  	[sflag:s17] =	ssyncadd.s32 $0xFFFFE000  }
0x98: {  	_ =	swait.ge [sflag:s17], $0x2000  }
0x99: {  	[sflag:s17] =	ssyncset.done $0x0  }
0x9a: {  	s26 =	rddreg [dreg:$0x18];
	[sflag:s17] =	ssyncadd.s32 $0xFFFFE000  }
0x9b: {  	[tilespmem:s15], [sflag:$0x1] =	stream.indirect.gather [spmem:s3], $0x10, s26, s12, $0xb8;
	[tilespmem:$0x11F00] =	vst v63  }
0x9c: {  	s0 =	rddreg [dreg:$0x19]  }
0x9d: {  	[tilespmem:s16], [sflag:$0x1] =	stream.indirect.gather [spmem:s3], $0x10, s0, s12, $0xb8;
	[tilespmem:$0x11F00] =	vst v63  }
0x9e: {  	_ =	swait.ge [sflag:s18], $0x2000  }
0x9f: {  	[sflag:s18] =	ssyncset.done $0x0  }
0xa0: {  	[sflag:s18] =	ssyncadd.s32 $0xFFFFE000  }
0xa1: {  	_ =	swait.ge [sflag:s18], $0x2000  }
0xa2: {  	[sflag:s18] =	ssyncset.done $0x0  }
0xa3: {  	s22 =	rddreg [dreg:$0x1a];
	[sflag:s18] =	ssyncadd.s32 $0xFFFFE000  }
0xa4: {  	[spmem:s2] =	stream.indirect.scatter.add.f32 [tilespmem:s13], [sflag:$0x4], $0x10, s22, s12, $0xb8;
	[tilespmem:$0x11F00] =	vst v63  }
0xa5: {  	s23 =	rddreg [dreg:$0x1b]  }
0xa6: {  	[spmem:s2] =	stream.indirect.scatter.add.f32 [tilespmem:s14], [sflag:$0x4], $0x10, s23, s12, $0xb8;
	[tilespmem:$0x11F00] =	vst v63  }
0xa7: {  	_ =	swait.ge [sflag:s19], $0x2000  }
0xa8: {  	[sflag:s19] =	ssyncset.done $0x0  }
0xa9: {  	[sflag:s19] =	ssyncadd.s32 $0xFFFFE000  }
0xaa: {  	_ =	swait.ge [sflag:s19], $0x2000  }
0xab: {  	[sflag:s19] =	ssyncset.done $0x0  }
0xac: {  	s24 =	rddreg [dreg:$0x1c];
	[sflag:s19] =	ssyncadd.s32 $0xFFFFE000  }
0xad: {  	[tilespmem:s13], [sflag:$0x2] =	stream.indirect.gather [spmem:s3], $0x10, s24, s12, $0xb8;
	[tilespmem:$0x11F00] =	vst v63  }
0xae: {  	s25 =	rddreg [dreg:$0x1d]  }
0xaf: {  	[tilespmem:s14], [sflag:$0x2] =	stream.indirect.gather [spmem:s3], $0x10, s25, s12, $0xb8;
	[tilespmem:$0x11F00] =	vst v63  }
0xb0: {  	_ =	swait.ge [sflag:s11], $0x2000  }
0xb1: {  	[sflag:s11] =	ssyncset.done $0x0  }
0xb2: {  	[sflag:s11] =	ssyncadd.s32 $0xFFFFE000  }
0xb3: {  	_ =	swait.ge [sflag:s11], $0x2000  }
0xb4: {  	[sflag:s11] =	ssyncset.done $0x0  }
0xb5: {  	s26 =	rddreg [dreg:$0x1e];
	[sflag:s11] =	ssyncadd.s32 $0xFFFFE000  }
0xb6: {  	[spmem:s2] =	stream.indirect.scatter.add.f32 [tilespmem:s15], [sflag:$0x3], $0x10, s26, s12, $0xb8;
	[tilespmem:$0x11F00] =	vst v63  }
0xb7: {  	s0 =	rddreg [dreg:$0x1f]  }
0xb8: {  	[spmem:s2] =	stream.indirect.scatter.add.f32 [tilespmem:s16], [sflag:$0x3], $0x10, s0, s12, $0xb8;
	[tilespmem:$0x11F00] =	vst v63  }
0xb9: {  	_ =	swait.ge [sflag:s17], $0x2000  }
0xba: {  	[sflag:s17] =	ssyncset.done $0x0  }
0xbb: {  	[sflag:s17] =	ssyncadd.s32 $0xFFFFE000  }
0xbc: {  	_ =	swait.ge [sflag:s17], $0x2000  }
0xbd: {  	s21 =	sld [smem:$0x7F9]  }
0xbe: {  	[sflag:s17] =	ssyncset.done $0x0  }
0xbf: {  	s22 =	sld [smem:$0x7FA];
	[sflag:s17] =	ssyncadd.s32 $0xFFFFE000  }
0xc0: {  	[tilespmem:s15], [sflag:$0x1] =	stream.indirect.gather [spmem:s3], $0x10, s21, s12, $0xb8;
	[tilespmem:$0x11F00] =	vst v63  }
0xc1: {  	_ = 	snop  }
0xc2: {  	[tilespmem:s16], [sflag:$0x1] =	stream.indirect.gather [spmem:s3], $0x10, s22, s12, $0xb8;
	[tilespmem:$0x11F00] =	vst v63  }
0xc3: {  	_ =	swait.ge [sflag:s18], $0x2000  }
0xc4: {  	[sflag:s18] =	ssyncset.done $0x0  }
0xc5: {  	[sflag:s18] =	ssyncadd.s32 $0xFFFFE000  }
0xc6: {  	_ =	swait.ge [sflag:s18], $0x2000  }
0xc7: {  	s23 =	sld [smem:$0x7FB]  }
0xc8: {  	[sflag:s18] =	ssyncset.done $0x0  }
0xc9: {  	s24 =	sld [smem:$0x7FC];
	[sflag:s18] =	ssyncadd.s32 $0xFFFFE000  }
0xca: {  	[spmem:s2] =	stream.indirect.scatter.add.f32 [tilespmem:s13], [sflag:$0x4], $0x10, s23, s12, $0xb8;
	[tilespmem:$0x11F00] =	vst v63  }
0xcb: {  	_ = 	snop  }
0xcc: {  	[spmem:s2] =	stream.indirect.scatter.add.f32 [tilespmem:s14], [sflag:$0x4], $0x10, s24, s12, $0xb8;
	[tilespmem:$0x11F00] =	vst v63  }
0xcd: {  	_ =	swait.ge [sflag:s19], $0x2000  }
0xce: {  	[sflag:s19] =	ssyncset.done $0x0  }
0xcf: {  	[sflag:s19] =	ssyncadd.s32 $0xFFFFE000  }
0xd0: {  	_ =	swait.ge [sflag:s19], $0x2000  }
0xd1: {  	s25 =	sld [smem:$0x7FD]  }
0xd2: {  	[sflag:s19] =	ssyncset.done $0x0  }
0xd3: {  	[sflag:s19] =	ssyncadd.s32 $0xFFFFE000  }
0xd4: {  	[tilespmem:s13], [sflag:$0x2] =	stream.indirect.gather [spmem:s3], $0x10, s25, s12, $0xb8;
	[tilespmem:$0x11F00] =	vst v63  }
0xd5: {  	s26 =	simm.s32 $0x1E00  }
0xd6: {  	[tilespmem:s14], [sflag:$0x2] =	stream.indirect.gather [spmem:s3], $0x10, s26, s12, $0xb8;
	[tilespmem:$0x11F00] =	vst v63  }
0xd7: {  	_ =	swait.ge [sflag:s11], $0x2000  }
0xd8: {  	[sflag:s11] =	ssyncset.done $0x0  }
0xd9: {  	[sflag:s11] =	ssyncadd.s32 $0xFFFFE000  }
0xda: {  	_ =	swait.ge [sflag:s11], $0x2000  }
0xdb: {  	[sflag:s11] =	ssyncset.done $0x0  }
0xdc: {  	s21 =	simm.s32 $0x4000;
	[sflag:s11] =	ssyncadd.s32 $0xFFFFE000  }
0xdd: {  	[spmem:s2] =	stream.indirect.scatter.add.f32 [tilespmem:s15], [sflag:$0x3], $0x10, s21, s12, $0xb8;
	[tilespmem:$0x11F00] =	vst v63  }
0xde: {  	s22 =	simm.s32 $0x4200  }
0xdf: {  	[spmem:s2] =	stream.indirect.scatter.add.f32 [tilespmem:s16], [sflag:$0x3], $0x10, s22, s12, $0xb8;
	[tilespmem:$0x11F00] =	vst v63  }
0xe0: {  	_ =	swait.ge [sflag:s17], $0x2000  }
0xe1: {  	[sflag:s17] =	ssyncset.done $0x0  }
0xe2: {  	[sflag:s17] =	ssyncadd.s32 $0xFFFFE000  }
0xe3: {  	_ =	swait.ge [sflag:s17], $0x2000  }
0xe4: {  	[sflag:s17] =	ssyncset.done $0x0  }
0xe5: {  	s23 =	simm.s32 $0x2000;
	[sflag:s17] =	ssyncadd.s32 $0xFFFFE000  }
0xe6: {  	[tilespmem:s15], [sflag:$0x1] =	stream.indirect.gather [spmem:s3], $0x10, s23, s12, $0xb8;
	[tilespmem:$0x11F00] =	vst v63  }
0xe7: {  	s24 =	simm.s32 $0x2200  }
0xe8: {  	[tilespmem:s16], [sflag:$0x1] =	stream.indirect.gather [spmem:s3], $0x10, s24, s12, $0xb8;
	[tilespmem:$0x11F00] =	vst v63  }
0xe9: {  	_ =	swait.ge [sflag:s18], $0x2000  }
0xea: {  	[sflag:s18] =	ssyncset.done $0x0  }
0xeb: {  	[sflag:s18] =	ssyncadd.s32 $0xFFFFE000  }
0xec: {  	_ =	swait.ge [sflag:s18], $0x2000  }
0xed: {  	[sflag:s18] =	ssyncset.done $0x0  }
0xee: {  	s25 =	simm.s32 $0x4400;
	[sflag:s18] =	ssyncadd.s32 $0xFFFFE000  }
0xef: {  	[spmem:s2] =	stream.indirect.scatter.add.f32 [tilespmem:s13], [sflag:$0x4], $0x10, s25, s12, $0xb8;
	[tilespmem:$0x11F00] =	vst v63  }
0xf0: {  	s26 =	simm.s32 $0x4600  }
0xf1: {  	[spmem:s2] =	stream.indirect.scatter.add.f32 [tilespmem:s14], [sflag:$0x4], $0x10, s26, s12, $0xb8;
	[tilespmem:$0x11F00] =	vst v63  }
0xf2: {  	_ =	swait.ge [sflag:s19], $0x2000  }
0xf3: {  	[sflag:s19] =	ssyncset.done $0x0  }
0xf4: {  	[sflag:s19] =	ssyncadd.s32 $0xFFFFE000  }
0xf5: {  	_ =	swait.ge [sflag:s19], $0x2000  }
0xf6: {  	[sflag:s19] =	ssyncset.done $0x0  }
0xf7: {  	s28 =	simm.s32 $0x2400;
	[sflag:s19] =	ssyncadd.s32 $0xFFFFE000  }
0xf8: {  	[tilespmem:s13], [sflag:$0x2] =	stream.indirect.gather [spmem:s3], $0x10, s28, s12, $0xb8;
	[tilespmem:$0x11F00] =	vst v63  }
0xf9: {  	_ = 	snop  }
0xfa: {  	[tilespmem:s14], [sflag:$0x2] =	stream.indirect.gather [spmem:s3], $0x10, s8, s12, $0xb8;
	[tilespmem:$0x11F00] =	vst v63  }
0xfb: {  	_ =	swait.ge [sflag:s11], $0x2000  }
0xfc: {  	[sflag:s11] =	ssyncset.done $0x0  }
0xfd: {  	[sflag:s11] =	ssyncadd.s32 $0xFFFFE000  }
0xfe: {  	_ =	swait.ge [sflag:s11], $0x2000  }
0xff: {  	s1 =	ssub.s32 $0x2, s1;
	[sflag:s11] =	ssyncset.done $0x0  }
0x100: {  	s29 =	simm.s32 $0x4800;
	s31 =	sshrl.u32 s1, $0x1;
	[sflag:s11] =	ssyncadd.s32 $0xFFFFE000  }
0x101: {  	[spmem:s2] =	stream.indirect.scatter.add.f32 [tilespmem:s15], [sflag:$0x3], $0x10, s29, s12, $0xb8;
	[tilespmem:$0x11F00] =	vst v63  }
0x102: {  	s30 =	simm.s32 $0x4A00;
	s1 =	ssub.s32 s1, s31  }
0x103: {  	[spmem:s2] =	stream.indirect.scatter.add.f32 [tilespmem:s16], [sflag:$0x3], $0x10, s30, s12, $0xb8;
	[tilespmem:$0x11F00] =	vst v63  }
0x104: {  	s1 =	smax.u32 s1, $0x1;
	_ =	swait.ge [sflag:s17], $0x2000  }
0x105: {  	p0 =	sne.s32 s1, $0x1;
	[sflag:s17] =	ssyncset.done $0x0  }
.Ltmp0:
0x106: {  	[sflag:s17] =	ssyncadd.s32 $0xFFFFE000;
	(pc) =	sbr.rel @!p0 .LBB2_2-.Ltmp0, $4  }
0x107: {  	_ =	swait.ge [sflag:s17], $0x2000  }
0x108: {  	[sflag:s17] =	ssyncset.done $0x0  }
0x109: {  	s31 =	simm.s32 $0x4C00;
	s1 =	sadd.s32 $0xFFFFFFFF, s1;
	[sflag:s17] =	ssyncadd.s32 $0xFFFFE000  }
0x10a: {  	[tilespmem:s15], [sflag:$0x1] =	stream.indirect.gather [spmem:s3], $0x10, s8, s12, $0xb8;
	[tilespmem:$0x11F00] =	vst v63  }
.LBB2_1:
0x10b: {  	[tilespmem:s16], [sflag:$0x1] =	stream.indirect.gather [spmem:s3], $0x10, s8, s12, $0xb8;
	[tilespmem:$0x11F00] =	vst v63  }
0x10c: {  	_ =	swait.ge [sflag:s18], $0x2000  }
0x10d: {  	[sflag:s18] =	ssyncset.done $0x0  }
0x10e: {  	[sflag:s18] =	ssyncadd.s32 $0xFFFFE000  }
0x10f: {  	_ =	swait.ge [sflag:s18], $0x2000  }
0x110: {  	[sflag:s18] =	ssyncset.done $0x0  }
0x111: {  	[sflag:s18] =	ssyncadd.s32 $0xFFFFE000  }
0x112: {  	[spmem:s2] =	stream.indirect.scatter.add.f32 [tilespmem:s13], [sflag:$0x4], $0x10, s31, s12, $0xb8;
	[tilespmem:$0x11F00] =	vst v63  }
0x113: {  	_ = 	snop  }
0x114: {  	[spmem:s2] =	stream.indirect.scatter.add.f32 [tilespmem:s14], [sflag:$0x4], $0x10, s9, s12, $0xb8;
	[tilespmem:$0x11F00] =	vst v63  }
0x115: {  	_ =	swait.ge [sflag:s19], $0x2000  }
0x116: {  	[sflag:s19] =	ssyncset.done $0x0  }
0x117: {  	[sflag:s19] =	ssyncadd.s32 $0xFFFFE000  }
0x118: {  	_ =	swait.ge [sflag:s19], $0x2000  }
0x119: {  	[sflag:s19] =	ssyncset.done $0x0  }
0x11a: {  	[sflag:s19] =	ssyncadd.s32 $0xFFFFE000  }
0x11b: {  	_ =	swait.ge [sflag:s11], $0x2000  }
0x11c: {  	[sflag:s11] =	ssyncset.done $0x0  }
0x11d: {  	[sflag:s11] =	ssyncadd.s32 $0xFFFFE000  }
0x11e: {  	_ =	swait.ge [sflag:s11], $0x2000  }
0x11f: {  	[sflag:s11] =	ssyncset.done $0x0  }
0x120: {  	[sflag:s11] =	ssyncadd.s32 $0xFFFFE000  }
0x121: {  	[bflag:$0x0] =	sbarrier.arrive $0xFFFF  }
0x122: {  	s0 =	rddreg [dreg:$0xb]  }
0x123: {  	[hbm:s0], [sflag:s6] =	dma.local [spmem:s7], $0x4F0  }
0x124: {  	_ =	swait.ge [sflag:s5], $0x4F0  }
0x125: {  	s0 =	rddreg [dreg:$0x5];
	[sflag:s5] =	ssyncset.done $0x0  }
0x126: {  	s20 =	rddreg [dreg:$0xc];
	[sflag:s5] =	ssyncadd.s32 $0xFFFFFB10  }
0x127: {  	[spmem:s20], [sflag:s6] =	dma.local [hbm:s0], $0x4F0  }
0x128: {  	_ =	swait.ge [sflag:s5], $0x4F0  }
0x129: {  	[sflag:s5] =	ssyncset.done $0x0  }
0x12a: {  	s20 =	rddreg [dreg:$0x6];
	[sflag:s5] =	ssyncadd.s32 $0xFFFFFB10  }
0x12b: {  	[spmem:s7], [sflag:s6] =	dma.local [hbm:s20], $0x4F0  }
0x12c: {  	_ =	swait.ge [sflag:s5], $0x4F0  }
0x12d: {  	[sflag:s5] =	ssyncset.done $0x0  }
0x12e: {  	s20 =	rddreg [dreg:$0x7];
	[sflag:s5] =	ssyncadd.s32 $0xFFFFFB10  }
0x12f: {  	[tilespmem:s4], [sflag:$0x5] =	stream.linear.gather [hbm4b:s20+s4], $0x2600, $0x38;
	[tilespmem:$0x11F00] =	vst v63  }
0x130: {  	_ =	swait.ge [sflag:s5], $0x2600  }
0x131: {  	[sflag:s5] =	ssyncset.done $0x0  }
0x132: {  	s20 =	rddreg [dreg:$0x8];
	[sflag:s5] =	ssyncadd.s32 $0xFFFFDA00  }
0x133: {  	[tilespmem:s8], [sflag:$0x5] =	stream.linear.gather [hbm4b:s20+s4], $0x110, $0x38;
	[tilespmem:$0x11F00] =	vst v63  }
0x134: {  	_ =	swait.ge [sflag:s5], $0x110  }
0x135: {  	[sflag:s5] =	ssyncset.done $0x0  }
0x136: {  	s20 =	rddreg [dreg:$0x9];
	[sflag:s5] =	ssyncadd.s32 $0xFFFFFEF0  }
0x137: {  	[tilespmem:s10], [sflag:$0x5] =	stream.linear.gather [hbm4b:s20+s4], $0x2600, $0x38;
	[tilespmem:$0x11F00] =	vst v63  }
0x138: {  	_ =	swait.ge [sflag:s5], $0x2600  }
0x139: {  	[sflag:s5] =	ssyncset.done $0x0  }
0x13a: {  	s20 =	rddreg [dreg:$0xa];
	[sflag:s5] =	ssyncadd.s32 $0xFFFFDA00  }
0x13b: {  	[tilespmem:s9], [sflag:$0x5] =	stream.linear.gather [hbm4b:s20+s4], $0x110, $0x38;
	[tilespmem:$0x11F00] =	vst v63  }
0x13c: {  	_ =	swait.ge [sflag:s5], $0x110  }
0x13d: {  	[sflag:s5] =	ssyncset.done $0x0  }
0x13e: {  	[sflag:s5] =	ssyncadd.s32 $0xFFFFFEF0  }
0x13f: {  	[tilespmem:$0x4FF0] =	vst v0  }
0x140: {  	[tilespmem:$0x27F0] =	vst v1  }
0x141: {  	[tilespmem:$0x4FE0] =	vst v0  }
0x142: {  	[tilespmem:$0x27E0] =	vst v1  }
0x143: {  	[tilespmem:$0x4FD0] =	vst v0  }
0x144: {  	[tilespmem:$0x27D0] =	vst v1  }
0x145: {  	[tilespmem:$0x4FC0] =	vst v0  }
0x146: {  	[tilespmem:$0x27C0] =	vst v1  }
0x147: {  	[tilespmem:$0x4FB0] =	vst v0  }
0x148: {  	[tilespmem:$0x27B0] =	vst v1  }
0x149: {  	[tilespmem:$0x4FA0] =	vst v0  }
0x14a: {  	[tilespmem:$0x27A0] =	vst v1  }
0x14b: {  	[tilespmem:$0x4F90] =	vst v0  }
0x14c: {  	[tilespmem:$0x2790] =	vst v1  }
0x14d: {  	[tilespmem:$0x4F80] =	vst v0  }
0x14e: {  	[tilespmem:$0x2780] =	vst v1  }
0x14f: {  	[tilespmem:$0x4F70] =	vst v0  }
0x150: {  	[tilespmem:$0x2770] =	vst v1  }
0x151: {  	[tilespmem:$0x4F60] =	vst v0  }
0x152: {  	[tilespmem:$0x2760] =	vst v1  }
0x153: {  	[tilespmem:$0x4F50] =	vst v0  }
0x154: {  	[tilespmem:$0x2750] =	vst v1  }
0x155: {  	[tilespmem:$0x4F40] =	vst v0  }
0x156: {  	[tilespmem:$0x2740] =	vst v1  }
0x157: {  	[tilespmem:$0x4F30] =	vst v0  }
0x158: {  	[tilespmem:$0x2730] =	vst v1  }
0x159: {  	[tilespmem:$0x4F20] =	vst v0  }
0x15a: {  	[tilespmem:$0x2720] =	vst v1  }
0x15b: {  	[tilespmem:$0x4F10] =	vst v0  }
0x15c: {  	[tilespmem:$0x2710] =	vst v1  }
0x15d: {  	[bflag:$0x0] =	sbarrier.arrive $0xFFFF  }
0x15e: {  	[tilespmem:s15], [sflag:$0x1] =	stream.indirect.gather [spmem:s3], $0x10, s4, s12, $0xb8;
	[tilespmem:$0x11F00] =	vst v63  }
0x15f: {  	_ = 	snop  }
0x160: {  	[tilespmem:s16], [sflag:$0x1] =	stream.indirect.gather [spmem:s3], $0x10, s12, s12, $0xb8;
	[tilespmem:$0x11F00] =	vst v63  }
0x161: {  	s0 =	rddreg [dreg:$0xd]  }
0x162: {  	[tilespmem:s13], [sflag:$0x2] =	stream.indirect.gather [spmem:s3], $0x10, s0, s12, $0xb8;
	[tilespmem:$0x11F00] =	vst v63  }
0x163: {  	s20 =	rddreg [dreg:$0xe]  }
0x164: {  	[tilespmem:s14], [sflag:$0x2] =	stream.indirect.gather [spmem:s3], $0x10, s20, s12, $0xb8;
	[tilespmem:$0x11F00] =	vst v63  }
0x165: {  	_ =	swait.ge [sflag:s11], $0x2000  }
0x166: {  	[sflag:s11] =	ssyncset.done $0x0  }
0x167: {  	[sflag:s11] =	ssyncadd.s32 $0xFFFFE000  }
0x168: {  	_ =	swait.ge [sflag:s11], $0x2000  }
0x169: {  	[sflag:s11] =	ssyncset.done $0x0  }
0x16a: {  	[sflag:s11] =	ssyncadd.s32 $0xFFFFE000  }
0x16b: {  	[spmem:s2] =	stream.indirect.scatter.add.f32 [tilespmem:s15], [sflag:$0x3], $0x10, s10, s12, $0xb8;
	[tilespmem:$0x11F00] =	vst v63  }
0x16c: {  	s20 =	rddreg [dreg:$0xf]  }
0x16d: {  	[spmem:s2] =	stream.indirect.scatter.add.f32 [tilespmem:s16], [sflag:$0x3], $0x10, s20, s12, $0xb8;
	[tilespmem:$0x11F00] =	vst v63  }
0x16e: {  	_ =	swait.ge [sflag:s17], $0x2000  }
0x16f: {  	[sflag:s17] =	ssyncset.done $0x0  }
0x170: {  	[sflag:s17] =	ssyncadd.s32 $0xFFFFE000  }
0x171: {  	_ =	swait.ge [sflag:s17], $0x2000  }
0x172: {  	[sflag:s17] =	ssyncset.done $0x0  }
0x173: {  	s0 =	rddreg [dreg:$0x10];
	[sflag:s17] =	ssyncadd.s32 $0xFFFFE000  }
0x174: {  	[tilespmem:s15], [sflag:$0x1] =	stream.indirect.gather [spmem:s3], $0x10, s0, s12, $0xb8;
	[tilespmem:$0x11F00] =	vst v63  }
0x175: {  	s20 =	rddreg [dreg:$0x11]  }
0x176: {  	[tilespmem:s16], [sflag:$0x1] =	stream.indirect.gather [spmem:s3], $0x10, s20, s12, $0xb8;
	[tilespmem:$0x11F00] =	vst v63  }
0x177: {  	_ =	swait.ge [sflag:s18], $0x2000  }
0x178: {  	[sflag:s18] =	ssyncset.done $0x0  }
0x179: {  	[sflag:s18] =	ssyncadd.s32 $0xFFFFE000  }
0x17a: {  	_ =	swait.ge [sflag:s18], $0x2000  }
0x17b: {  	[sflag:s18] =	ssyncset.done $0x0  }
0x17c: {  	s0 =	rddreg [dreg:$0x12];
	[sflag:s18] =	ssyncadd.s32 $0xFFFFE000  }
0x17d: {  	[spmem:s2] =	stream.indirect.scatter.add.f32 [tilespmem:s13], [sflag:$0x4], $0x10, s0, s12, $0xb8;
	[tilespmem:$0x11F00] =	vst v63  }
0x17e: {  	s20 =	rddreg [dreg:$0x13]  }
0x17f: {  	[spmem:s2] =	stream.indirect.scatter.add.f32 [tilespmem:s14], [sflag:$0x4], $0x10, s20, s12, $0xb8;
	[tilespmem:$0x11F00] =	vst v63  }
0x180: {  	_ =	swait.ge [sflag:s19], $0x2000  }
0x181: {  	[sflag:s19] =	ssyncset.done $0x0  }
0x182: {  	[sflag:s19] =	ssyncadd.s32 $0xFFFFE000  }
0x183: {  	_ =	swait.ge [sflag:s19], $0x2000  }
0x184: {  	[sflag:s19] =	ssyncset.done $0x0  }
0x185: {  	s0 =	rddreg [dreg:$0x14];
	[sflag:s19] =	ssyncadd.s32 $0xFFFFE000  }
0x186: {  	[tilespmem:s13], [sflag:$0x2] =	stream.indirect.gather [spmem:s3], $0x10, s0, s12, $0xb8;
	[tilespmem:$0x11F00] =	vst v63  }
0x187: {  	s20 =	rddreg [dreg:$0x15]  }
0x188: {  	[tilespmem:s14], [sflag:$0x2] =	stream.indirect.gather [spmem:s3], $0x10, s20, s12, $0xb8;
	[tilespmem:$0x11F00] =	vst v63  }
0x189: {  	_ =	swait.ge [sflag:s11], $0x2000  }
0x18a: {  	[sflag:s11] =	ssyncset.done $0x0  }
0x18b: {  	[sflag:s11] =	ssyncadd.s32 $0xFFFFE000  }
0x18c: {  	_ =	swait.ge [sflag:s11], $0x2000  }
0x18d: {  	[sflag:s11] =	ssyncset.done $0x0  }
0x18e: {  	s0 =	rddreg [dreg:$0x16];
	[sflag:s11] =	ssyncadd.s32 $0xFFFFE000  }
0x18f: {  	[spmem:s2] =	stream.indirect.scatter.add.f32 [tilespmem:s15], [sflag:$0x3], $0x10, s0, s12, $0xb8;
	[tilespmem:$0x11F00] =	vst v63  }
0x190: {  	s20 =	rddreg [dreg:$0x17]  }
0x191: {  	[spmem:s2] =	stream.indirect.scatter.add.f32 [tilespmem:s16], [sflag:$0x3], $0x10, s20, s12, $0xb8;
	[tilespmem:$0x11F00] =	vst v63  }
0x192: {  	_ =	swait.ge [sflag:s17], $0x2000  }
0x193: {  	[sflag:s17] =	ssyncset.done $0x0  }
0x194: {  	[sflag:s17] =	ssyncadd.s32 $0xFFFFE000  }
0x195: {  	_ =	swait.ge [sflag:s17], $0x2000  }
0x196: {  	[sflag:s17] =	ssyncset.done $0x0  }
0x197: {  	s0 =	rddreg [dreg:$0x18];
	[sflag:s17] =	ssyncadd.s32 $0xFFFFE000  }
0x198: {  	[tilespmem:s15], [sflag:$0x1] =	stream.indirect.gather [spmem:s3], $0x10, s0, s12, $0xb8;
	[tilespmem:$0x11F00] =	vst v63  }
0x199: {  	s20 =	rddreg [dreg:$0x19]  }
0x19a: {  	[tilespmem:s16], [sflag:$0x1] =	stream.indirect.gather [spmem:s3], $0x10, s20, s12, $0xb8;
	[tilespmem:$0x11F00] =	vst v63  }
0x19b: {  	_ =	swait.ge [sflag:s18], $0x2000  }
0x19c: {  	[sflag:s18] =	ssyncset.done $0x0  }
0x19d: {  	[sflag:s18] =	ssyncadd.s32 $0xFFFFE000  }
0x19e: {  	_ =	swait.ge [sflag:s18], $0x2000  }
0x19f: {  	[sflag:s18] =	ssyncset.done $0x0  }
0x1a0: {  	s0 =	rddreg [dreg:$0x1a];
	[sflag:s18] =	ssyncadd.s32 $0xFFFFE000  }
0x1a1: {  	[spmem:s2] =	stream.indirect.scatter.add.f32 [tilespmem:s13], [sflag:$0x4], $0x10, s0, s12, $0xb8;
	[tilespmem:$0x11F00] =	vst v63  }
0x1a2: {  	s20 =	rddreg [dreg:$0x1b]  }
0x1a3: {  	[spmem:s2] =	stream.indirect.scatter.add.f32 [tilespmem:s14], [sflag:$0x4], $0x10, s20, s12, $0xb8;
	[tilespmem:$0x11F00] =	vst v63  }
0x1a4: {  	_ =	swait.ge [sflag:s19], $0x2000  }
0x1a5: {  	[sflag:s19] =	ssyncset.done $0x0  }
0x1a6: {  	[sflag:s19] =	ssyncadd.s32 $0xFFFFE000  }
0x1a7: {  	_ =	swait.ge [sflag:s19], $0x2000  }
0x1a8: {  	[sflag:s19] =	ssyncset.done $0x0  }
0x1a9: {  	s0 =	rddreg [dreg:$0x1c];
	[sflag:s19] =	ssyncadd.s32 $0xFFFFE000  }
0x1aa: {  	[tilespmem:s13], [sflag:$0x2] =	stream.indirect.gather [spmem:s3], $0x10, s0, s12, $0xb8;
	[tilespmem:$0x11F00] =	vst v63  }
0x1ab: {  	s20 =	rddreg [dreg:$0x1d]  }
0x1ac: {  	[tilespmem:s14], [sflag:$0x2] =	stream.indirect.gather [spmem:s3], $0x10, s20, s12, $0xb8;
	[tilespmem:$0x11F00] =	vst v63  }
0x1ad: {  	_ =	swait.ge [sflag:s11], $0x2000  }
0x1ae: {  	[sflag:s11] =	ssyncset.done $0x0  }
0x1af: {  	[sflag:s11] =	ssyncadd.s32 $0xFFFFE000  }
0x1b0: {  	_ =	swait.ge [sflag:s11], $0x2000  }
0x1b1: {  	[sflag:s11] =	ssyncset.done $0x0  }
0x1b2: {  	s0 =	rddreg [dreg:$0x1e];
	[sflag:s11] =	ssyncadd.s32 $0xFFFFE000  }
0x1b3: {  	[spmem:s2] =	stream.indirect.scatter.add.f32 [tilespmem:s15], [sflag:$0x3], $0x10, s0, s12, $0xb8;
	[tilespmem:$0x11F00] =	vst v63  }
0x1b4: {  	s20 =	rddreg [dreg:$0x1f]  }
0x1b5: {  	[spmem:s2] =	stream.indirect.scatter.add.f32 [tilespmem:s16], [sflag:$0x3], $0x10, s20, s12, $0xb8;
	[tilespmem:$0x11F00] =	vst v63  }
0x1b6: {  	_ =	swait.ge [sflag:s17], $0x2000  }
0x1b7: {  	[sflag:s17] =	ssyncset.done $0x0  }
0x1b8: {  	[sflag:s17] =	ssyncadd.s32 $0xFFFFE000  }
0x1b9: {  	_ =	swait.ge [sflag:s17], $0x2000  }
0x1ba: {  	s0 =	sld [smem:$0x7F9]  }
0x1bb: {  	[sflag:s17] =	ssyncset.done $0x0  }
0x1bc: {  	s20 =	sld [smem:$0x7FA];
	[sflag:s17] =	ssyncadd.s32 $0xFFFFE000  }
0x1bd: {  	[tilespmem:s15], [sflag:$0x1] =	stream.indirect.gather [spmem:s3], $0x10, s0, s12, $0xb8;
	[tilespmem:$0x11F00] =	vst v63  }
0x1be: {  	_ = 	snop  }
0x1bf: {  	[tilespmem:s16], [sflag:$0x1] =	stream.indirect.gather [spmem:s3], $0x10, s20, s12, $0xb8;
	[tilespmem:$0x11F00] =	vst v63  }
0x1c0: {  	_ =	swait.ge [sflag:s18], $0x2000  }
0x1c1: {  	[sflag:s18] =	ssyncset.done $0x0  }
0x1c2: {  	[sflag:s18] =	ssyncadd.s32 $0xFFFFE000  }
0x1c3: {  	_ =	swait.ge [sflag:s18], $0x2000  }
0x1c4: {  	s0 =	sld [smem:$0x7FB]  }
0x1c5: {  	[sflag:s18] =	ssyncset.done $0x0  }
0x1c6: {  	s20 =	sld [smem:$0x7FC];
	[sflag:s18] =	ssyncadd.s32 $0xFFFFE000  }
0x1c7: {  	[spmem:s2] =	stream.indirect.scatter.add.f32 [tilespmem:s13], [sflag:$0x4], $0x10, s0, s12, $0xb8;
	[tilespmem:$0x11F00] =	vst v63  }
0x1c8: {  	_ = 	snop  }
0x1c9: {  	[spmem:s2] =	stream.indirect.scatter.add.f32 [tilespmem:s14], [sflag:$0x4], $0x10, s20, s12, $0xb8;
	[tilespmem:$0x11F00] =	vst v63  }
0x1ca: {  	_ =	swait.ge [sflag:s19], $0x2000  }
0x1cb: {  	[sflag:s19] =	ssyncset.done $0x0  }
0x1cc: {  	[sflag:s19] =	ssyncadd.s32 $0xFFFFE000  }
0x1cd: {  	_ =	swait.ge [sflag:s19], $0x2000  }
0x1ce: {  	s20 =	sld [smem:$0x7FD]  }
0x1cf: {  	[sflag:s19] =	ssyncset.done $0x0  }
0x1d0: {  	[sflag:s19] =	ssyncadd.s32 $0xFFFFE000  }
0x1d1: {  	[tilespmem:s13], [sflag:$0x2] =	stream.indirect.gather [spmem:s3], $0x10, s20, s12, $0xb8;
	[tilespmem:$0x11F00] =	vst v63  }
0x1d2: {  	s20 =	simm.s32 $0x1E00  }
0x1d3: {  	[tilespmem:s14], [sflag:$0x2] =	stream.indirect.gather [spmem:s3], $0x10, s20, s12, $0xb8;
	[tilespmem:$0x11F00] =	vst v63  }
0x1d4: {  	_ =	swait.ge [sflag:s11], $0x2000  }
0x1d5: {  	[sflag:s11] =	ssyncset.done $0x0  }
0x1d6: {  	[sflag:s11] =	ssyncadd.s32 $0xFFFFE000  }
0x1d7: {  	_ =	swait.ge [sflag:s11], $0x2000  }
0x1d8: {  	[sflag:s11] =	ssyncset.done $0x0  }
0x1d9: {  	[sflag:s11] =	ssyncadd.s32 $0xFFFFE000  }
0x1da: {  	[spmem:s2] =	stream.indirect.scatter.add.f32 [tilespmem:s15], [sflag:$0x3], $0x10, s21, s12, $0xb8;
	[tilespmem:$0x11F00] =	vst v63  }
0x1db: {  	_ = 	snop  }
0x1dc: {  	[spmem:s2] =	stream.indirect.scatter.add.f32 [tilespmem:s16], [sflag:$0x3], $0x10, s22, s12, $0xb8;
	[tilespmem:$0x11F00] =	vst v63  }
0x1dd: {  	_ =	swait.ge [sflag:s17], $0x2000  }
0x1de: {  	[sflag:s17] =	ssyncset.done $0x0  }
0x1df: {  	[sflag:s17] =	ssyncadd.s32 $0xFFFFE000  }
0x1e0: {  	_ =	swait.ge [sflag:s17], $0x2000  }
0x1e1: {  	[sflag:s17] =	ssyncset.done $0x0  }
0x1e2: {  	[sflag:s17] =	ssyncadd.s32 $0xFFFFE000  }
0x1e3: {  	[tilespmem:s15], [sflag:$0x1] =	stream.indirect.gather [spmem:s3], $0x10, s23, s12, $0xb8;
	[tilespmem:$0x11F00] =	vst v63  }
0x1e4: {  	_ = 	snop  }
0x1e5: {  	[tilespmem:s16], [sflag:$0x1] =	stream.indirect.gather [spmem:s3], $0x10, s24, s12, $0xb8;
	[tilespmem:$0x11F00] =	vst v63  }
0x1e6: {  	_ =	swait.ge [sflag:s18], $0x2000  }
0x1e7: {  	[sflag:s18] =	ssyncset.done $0x0  }
0x1e8: {  	[sflag:s18] =	ssyncadd.s32 $0xFFFFE000  }
0x1e9: {  	_ =	swait.ge [sflag:s18], $0x2000  }
0x1ea: {  	[sflag:s18] =	ssyncset.done $0x0  }
0x1eb: {  	[sflag:s18] =	ssyncadd.s32 $0xFFFFE000  }
0x1ec: {  	[spmem:s2] =	stream.indirect.scatter.add.f32 [tilespmem:s13], [sflag:$0x4], $0x10, s25, s12, $0xb8;
	[tilespmem:$0x11F00] =	vst v63  }
0x1ed: {  	_ = 	snop  }
0x1ee: {  	[spmem:s2] =	stream.indirect.scatter.add.f32 [tilespmem:s14], [sflag:$0x4], $0x10, s26, s12, $0xb8;
	[tilespmem:$0x11F00] =	vst v63  }
0x1ef: {  	_ =	swait.ge [sflag:s19], $0x2000  }
0x1f0: {  	[sflag:s19] =	ssyncset.done $0x0  }
0x1f1: {  	[sflag:s19] =	ssyncadd.s32 $0xFFFFE000  }
0x1f2: {  	_ =	swait.ge [sflag:s19], $0x2000  }
0x1f3: {  	[sflag:s19] =	ssyncset.done $0x0  }
0x1f4: {  	[sflag:s19] =	ssyncadd.s32 $0xFFFFE000  }
0x1f5: {  	[tilespmem:s13], [sflag:$0x2] =	stream.indirect.gather [spmem:s3], $0x10, s28, s12, $0xb8;
	[tilespmem:$0x11F00] =	vst v63  }
0x1f6: {  	_ = 	snop  }
0x1f7: {  	[tilespmem:s14], [sflag:$0x2] =	stream.indirect.gather [spmem:s3], $0x10, s8, s12, $0xb8;
	[tilespmem:$0x11F00] =	vst v63  }
0x1f8: {  	_ =	swait.ge [sflag:s11], $0x2000  }
0x1f9: {  	[sflag:s11] =	ssyncset.done $0x0  }
0x1fa: {  	[sflag:s11] =	ssyncadd.s32 $0xFFFFE000  }
0x1fb: {  	_ =	swait.ge [sflag:s11], $0x2000  }
0x1fc: {  	[sflag:s11] =	ssyncset.done $0x0  }
0x1fd: {  	[sflag:s11] =	ssyncadd.s32 $0xFFFFE000  }
0x1fe: {  	[spmem:s2] =	stream.indirect.scatter.add.f32 [tilespmem:s15], [sflag:$0x3], $0x10, s29, s12, $0xb8;
	[tilespmem:$0x11F00] =	vst v63  }
0x1ff: {  	_ = 	snop  }
0x200: {  	[spmem:s2] =	stream.indirect.scatter.add.f32 [tilespmem:s16], [sflag:$0x3], $0x10, s30, s12, $0xb8;
	[tilespmem:$0x11F00] =	vst v63  }
0x201: {  	_ =	swait.ge [sflag:s17], $0x2000  }
0x202: {  	p0 =	sne.s32 s1, $0x1;
	[sflag:s17] =	ssyncset.done $0x0  }
.Ltmp1:
0x203: {  	[sflag:s17] =	ssyncadd.s32 $0xFFFFE000;
	(pc) =	sbr.rel @p0 .LBB2_1-.Ltmp1, $4  }
0x204: {  	_ =	swait.ge [sflag:s17], $0x2000  }
0x205: {  	[sflag:s17] =	ssyncset.done $0x0  }
0x206: {  	s1 =	sadd.s32 $0xFFFFFFFF, s1;
	[sflag:s17] =	ssyncadd.s32 $0xFFFFE000  }
0x207: {  	[tilespmem:s15], [sflag:$0x1] =	stream.indirect.gather [spmem:s3], $0x10, s8, s12, $0xb8;
	[tilespmem:$0x11F00] =	vst v63  }
.LBB2_2:
0x208: {  	[tilespmem:s16], [sflag:$0x1] =	stream.indirect.gather [spmem:s3], $0x10, s8, s12, $0xb8;
	[tilespmem:$0x11F00] =	vst v63  }
0x209: {  	_ =	swait.ge [sflag:s18], $0x2000  }
0x20a: {  	[sflag:s18] =	ssyncset.done $0x0  }
0x20b: {  	[sflag:s18] =	ssyncadd.s32 $0xFFFFE000  }
0x20c: {  	_ =	swait.ge [sflag:s18], $0x2000  }
0x20d: {  	[sflag:s18] =	ssyncset.done $0x0  }
0x20e: {  	[sflag:s18] =	ssyncadd.s32 $0xFFFFE000  }
0x20f: {  	[spmem:s2] =	stream.indirect.scatter.add.f32 [tilespmem:s13], [sflag:$0x4], $0x10, s31, s12, $0xb8;
	[tilespmem:$0x11F00] =	vst v63  }
0x210: {  	_ = 	snop  }
0x211: {  	[spmem:s2] =	stream.indirect.scatter.add.f32 [tilespmem:s14], [sflag:$0x4], $0x10, s9, s12, $0xb8;
	[tilespmem:$0x11F00] =	vst v63  }
0x212: {  	_ =	swait.ge [sflag:s19], $0x2000  }
0x213: {  	[sflag:s19] =	ssyncset.done $0x0  }
0x214: {  	[sflag:s19] =	ssyncadd.s32 $0xFFFFE000  }
0x215: {  	_ =	swait.ge [sflag:s19], $0x2000  }
0x216: {  	[sflag:s19] =	ssyncset.done $0x0  }
0x217: {  	[sflag:s19] =	ssyncadd.s32 $0xFFFFE000  }
0x218: {  	_ =	swait.ge [sflag:s11], $0x2000  }
0x219: {  	[sflag:s11] =	ssyncset.done $0x0  }
0x21a: {  	[sflag:s11] =	ssyncadd.s32 $0xFFFFE000  }
0x21b: {  	_ =	swait.ge [sflag:s11], $0x2000  }
0x21c: {  	[sflag:s11] =	ssyncset.done $0x0  }
0x21d: {  	[sflag:s11] =	ssyncadd.s32 $0xFFFFE000  }
0x21e: {  	[bflag:$0x0] =	sbarrier.arrive $0xFFFF  }
0x21f: {  	s0 =	rddreg [dreg:$0xb]  }
0x220: {  	[hbm:s0], [sflag:s6] =	dma.local [spmem:s7], $0x4F0  }
0x221: {  	_ =	swait.ge [sflag:s5], $0x4F0  }
0x222: {  	[sflag:s5] =	ssyncset.done $0x0  }
0x223: {  	[sflag:s5] =	ssyncadd.s32 $0xFFFFFB10  }
0x224: {  	_ =	sfence.sel $0x180000  }
0x225: {  	[bflag:$0x0] =	sbarrier.arrive $0xFFFF  }
0x226: {  	_ =	strace $0x90000047  }
0x227: {  	s31 =	stileid.u32;
	[bflag:$0x2] =	sbarrier.arrive $0xFFFF  }
0x228: {  	p0 =	sne.s32 s31, $0x0;
	s0 =	rddreg [dreg:$0x4]  }
0x229: {  	s0 =	sadd.s32 @!p0 $0x100000, s0  }
0x22a: {  	[sflag:s0] =	ssyncadd.tile.s32 @!p0 $0x1;
	_ =	shalt  }
.Lfunc_end2:
_tile_overlayer_lowered:
.L_overlay_start_2:
0x22b: {  	(tag) =	ssettag $0x2  }
0x22c: {  	s0 =	rddreg [dreg:$0x0];
	s2 =	stileid.u32  }
0x22d: {  	s1 =	rddreg [dreg:$0x1];
	p0 =	sne.s32 s2, $0x0  }
0x22e: {  	s3 =	rddreg [dreg:$0x2];
	[bflag:$0x3] =	sbarrier.arrive $0xFFFF;
	s2 =	simm.s32 @!p0 $0x1C05  }
0x22f: {  	[timem:s3], [sflag:s2] =	dma.local @!p0 [hbm:s0], s1  }
0x230: {  	s0 =	simm.s32 @!p0 $0x5  }
0x231: {  	_ =	swait.ge @!p0 [sflag:s0], s1  }
0x232: {  	s1 =	ssub.s32 @!p0 $0x0, s1;
	[sflag:s0] =	ssyncset.done @!p0 $0x0  }
0x233: {  	[sflag:s0] =	ssyncadd.s32 @!p0 s1  }
0x234: {  	[bflag:$0x3] =	sbarrier.arrive $0xFFFF  }
0x235: {  	_ =	shalt  }

// kernel: kernel.9.cloned.1.call-start
scs
__scs_entry_jumppad:
0x0: {  	(pc) =	sbr.rel $0x88, $3  }
0x1: {  	(tag) =	ssettag $0x0;
	lr =	simm.s32 $0x1  }
0x2: {  	[smem:$0x3F99] =	sst lr;
	_ =	strace $0xD0000000  }
0x3: {  	_ = 	snop  }
0x4: {  	_ = 	snop  }
0x5: {  	_ = 	snop  }
0x6: {  	_ = 	snop  }
0x7: {  	_ = 	snop  }
__scs_overlays_trampoline_lowered:
0x8: {  	[smem:$0x3FA8] =	sst s0  }
0x9: {  	[smem:$0x3FA9] =	sst s1  }
0xa: {  	[smem:$0x3FAA] =	sst s2  }
0xb: {  	[smem:$0x3FAB] =	sst s3  }
0xc: {  	[smem:$0x3FAC] =	sst s4  }
0xd: {  	[smem:$0x3FAD] =	sst s5  }
0xe: {  	[smem:$0x3FAE] =	sst s6  }
0xf: {  	[smem:$0x3FAF] =	sst s7  }
0x10: {  	[smem:$0x3FB0] =	sst s8  }
0x11: {  	[smem:$0x3FB1] =	sst s9;
	s0 =	simm.s32 @!p0 $0x0  }
0x12: {  	s1 =	sld [smem:$0x3F97];
	s0 =	simm.s32 @p0 $0x1  }
0x13: {  	[smem:$0x3FB2] =	sst s0;
	s0 =	simm.s32 @!p1 $0x0  }
0x14: {  	s2 =	sld [smem:$0x3F96];
	s0 =	simm.s32 @p1 $0x1  }
0x15: {  	[smem:$0x3FB3] =	sst s0;
	s0 =	simm.s32 @!p2 $0x0  }
0x16: {  	s3 =	sld [smem:$0x3FDB];
	s0 =	simm.s32 @p2 $0x1  }
0x17: {  	s4 =	simm.s32 $0x1BF5;
	[smem:$0x3FB5] =	sst s0  }
0x18: {  	s0 =	sld [smem:$0x3F98];
	_ =	swait.ge [sflag:s4], $0x0  }
0x19: {  	s7 =	sld [smem:$0x3F99]  }
0x1a: {  	s8 =	sadd.s32 $0xFFFFE003, lr  }
0x1b: {  	s9 =	sadd.s32 $0xFFFFFEF7, lr;
	s5 =	simm.s32 $0xFFFFFFFF;
	p2 =	slt.u32 s8, $0xFFFFF086  }
0x1c: {  	p1 =	slt.u32 s9, $0xF7A;
	s5 =	simm.s32 @!p2 $0x0  }
0x1d: {  	s5 =	simm.s32 @p1 $0x1;
	p0 =	seq.s32 s7, s2  }
0x1e: {  	s7 =	smul.u32 @!p0 $0xF7A, s2;
	p2 =	seq.s32 @!p0 s5, $0x0  }
0x1f: {  	s9 =	smul.u32 $0xF7A, s1;
	s8 =	simm.s32 @!p0 $0x1BF5;
	p2 =	por !p2, p0  }
0x20: {  	[sflag:s8] =	ssyncset.s32 @!p0 $0xFFFFF086;
	s6 =	sadd.s32 @!p0 s3, s7;
	s7 =	simm.s32 @!p0 $0x108  }
0x21: {  	s3 =	sadd.s32 s3, s9;
	s6 =	sadd.s32 @!p0 $0x88, s6;
	s7 =	simm.s32 @p2 $0x1082  }
0x22: {  	[simem:s7], [sflag:s8] =	dma.local @!p0 [hbm:s6], $0xF7A  }
0x23: {  	s9 =	sor.u32 $0xD0000000, s2;
	s6 =	simm.s32 $0x108;
	_ =	swait.ge @!p0 [sflag:s8], $0x0  }
0x24: {  	s3 =	sadd.s32 $0x88, s3;
	s6 =	simm.s32 @!p1 $0x1082;
	[sflag:s4] =	ssyncset.s32 $0xFFFFF086  }
0x25: {  	[simem:s6], [sflag:s4] =	dma.local [hbm:s3], $0xF7A  }
0x26: {  	[smem:$0x3F99] =	sst s1;
	(tag) =	ssettag s2;
	_ =	strace s9  }
0x27: {  	s1 =	sld [smem:$0x3FA9]  }
0x28: {  	s2 =	sld [smem:$0x3FAA]  }
0x29: {  	s4 =	sld [smem:$0x3FAC]  }
0x2a: {  	p0 =	seq.s32 s5, $0x0;
	s5 =	sld [smem:$0x3FAD]  }
0x2b: {  	s6 =	sld [smem:$0x3FAE]  }
0x2c: {  	s7 =	sld [smem:$0x3FAF]  }
0x2d: {  	s3 =	simm.s32 $0x108;
	s8 =	sld [smem:$0x3FB0]  }
0x2e: {  	s3 =	simm.s32 @!p0 $0x1082;
	s9 =	sld [smem:$0x3FB1]  }
0x2f: {  	lr =	sadd.s32 s0, s3;
	s0 =	sld [smem:$0x3FA8]  }
0x30: {  	s3 =	sld [smem:$0x3FAB]  }
0x31: {  	[smem:$0x3FB4] =	sst s10  }
0x32: {  	s10 =	sld [smem:$0x3FB2];
	_ =	sdelay $0x3  }
0x33: {  	p0 =	seq.s32 s10, $0x1;
	s10 =	sld [smem:$0x3FB4];
	_ =	sdelay $0x3  }
0x34: {  	[smem:$0x3FB4] =	sst s10  }
0x35: {  	s10 =	sld [smem:$0x3FB3];
	_ =	sdelay $0x3  }
0x36: {  	p1 =	seq.s32 s10, $0x1;
	s10 =	sld [smem:$0x3FB4];
	_ =	sdelay $0x3  }
0x37: {  	[smem:$0x3FB4] =	sst s10  }
0x38: {  	s10 =	sld [smem:$0x3FB5]  }
0x39: {  	_ = 	snop;
	(pc) =	sbr.ind lr, $3  }
0x3a: {  	_ = 	snop  }
0x3b: {  	_ = 	snop  }
0x3c: {  	p2 =	seq.s32 s10, $0x1;
	s10 =	sld [smem:$0x3FB4]  }
0x3d: {  	_ =	shalt  }
0x3e: {  	_ =	shalt  }
0x3f: {  	_ =	shalt  }
0x40: {  	_ =	shalt  }
0x41: {  	_ =	shalt  }
0x42: {  	_ =	shalt  }
0x43: {  	_ =	shalt  }
0x44: {  	_ =	shalt  }
0x45: {  	_ =	shalt  }
0x46: {  	_ =	shalt  }
0x47: {  	_ =	shalt  }
0x48: {  	_ =	shalt  }
0x49: {  	_ =	shalt  }
0x4a: {  	_ =	shalt  }
0x4b: {  	_ =	shalt  }
0x4c: {  	_ =	shalt  }
0x4d: {  	_ =	shalt  }
0x4e: {  	_ =	shalt  }
0x4f: {  	_ =	shalt  }
0x50: {  	_ =	shalt  }
0x51: {  	_ =	shalt  }
0x52: {  	_ =	shalt  }
0x53: {  	_ =	shalt  }
0x54: {  	_ =	shalt  }
0x55: {  	_ =	shalt  }
0x56: {  	_ =	shalt  }
0x57: {  	_ =	shalt  }
0x58: {  	_ =	shalt  }
0x59: {  	_ =	shalt  }
0x5a: {  	_ =	shalt  }
0x5b: {  	_ =	shalt  }
0x5c: {  	_ =	shalt  }
0x5d: {  	_ =	shalt  }
0x5e: {  	_ =	shalt  }
0x5f: {  	_ =	shalt  }
0x60: {  	_ =	shalt  }
0x61: {  	_ =	shalt  }
0x62: {  	_ =	shalt  }
0x63: {  	_ =	shalt  }
0x64: {  	_ =	shalt  }
0x65: {  	_ =	shalt  }
0x66: {  	_ =	shalt  }
0x67: {  	_ =	shalt  }
0x68: {  	_ =	shalt  }
0x69: {  	_ =	shalt  }
0x6a: {  	_ =	shalt  }
0x6b: {  	_ =	shalt  }
0x6c: {  	_ =	shalt  }
0x6d: {  	_ =	shalt  }
0x6e: {  	_ =	shalt  }
0x6f: {  	_ =	shalt  }
0x70: {  	_ =	shalt  }
0x71: {  	_ =	shalt  }
0x72: {  	_ =	shalt  }
0x73: {  	_ =	shalt  }
0x74: {  	_ =	shalt  }
0x75: {  	_ =	shalt  }
0x76: {  	_ =	shalt  }
0x77: {  	_ =	shalt  }
0x78: {  	_ =	shalt  }
0x79: {  	_ =	shalt  }
0x7a: {  	_ =	shalt  }
0x7b: {  	_ =	shalt  }
0x7c: {  	_ =	shalt  }
0x7d: {  	_ =	shalt  }
0x7e: {  	_ =	shalt  }
0x7f: {  	_ =	shalt  }
0x80: {  	_ =	shalt  }
0x81: {  	_ =	shalt  }
0x82: {  	_ =	shalt  }
0x83: {  	_ =	shalt  }
0x84: {  	_ =	shalt  }
0x85: {  	_ =	shalt  }
0x86: {  	_ =	shalt  }
0x87: {  	_ =	shalt  }
.Lfunc_end0:
.L_simem_size_0:
called_computation.1_lowered:
.L_overlay_start_0:
0x88: {  	s2 =	sld [smem:$0x3FD9]  }
0x89: {  	s3 =	sld [smem:$0x3FFE];
	_ =	sdelay $0x1  }
0x8a: {  	s1 =	srdreg.scid  }
0x8b: {  	s0 =	sand.u32 $0x1, s1  }
0x8c: {  	s17 =	sshll.u32 s0, $0xA;
	s2 =	sadd.s32 s3, s2  }
0x8d: {  	s2 =	sadd.s32 s2, s17  }
0x8e: {  	[smem:$0x3FC0] =	sst s2  }
0x8f: {  	_ = 	snop  }
0x90: {  	s2 =	sld [smem:$0x3FD0];
	(tm) =	ssettm $0x1  }
0x91: {  	s18 =	sld [smem:$0x3FFB];
	_ =	sdelay $0x3  }
0x92: {  	_ =	strace s18  }
0x93: {  	s3 =	sld [smem:$0x3FFC];
	_ =	sdelay $0x3  }
0x94: {  	_ =	strace s3  }
0x95: {  	s3 =	sld [smem:$0x3FFD];
	_ =	sdelay $0x3  }
0x96: {  	_ =	strace s3  }
0x97: {  	_ =	strace $0x8FFFFFFF  }
0x98: {  	s19 =	sld [smem:$0x3FDB];
	_ =	sdelay $0x1  }
0x99: {  	s4 =	simm.s32 $_scs_section_size  }
0x9a: {  	s5 =	simm.s32 $_size__tile_overlayer_lowered;
	s6 =	simm.s32 $_tile_overlayer_lowered  }
0x9b: {  	s22 =	simm.s32 $0x1BFF;
	s21 =	sshll.u32 s6, $0x1;
	s3 =	sadd.s32 s4, s19  }
0x9c: {  	s7 =	simm.s32 $0x0;
	s20 =	sshll.u32 s5, $0x1;
	s5 =	sadd.s32 s21, s3  }
0x9d: {  	[timem:s7], [sflag:s22] =	dma.local [hbm:s5], s20  }
0x9e: {  	_ =	swait.ge [sflag:s22], s20  }
0x9f: {  	s4 =	ssub.s32 $0x0, s20;
	[sflag:s22] =	ssyncset.done $0x0  }
0xa0: {  	[sflag:s22] =	ssyncadd.s32 s4;
	_ =	sdelay $0x1  }
0xa1: {  	s23 =	simm.s32 $0x1B8B  }
0xa2: {  	_ =	swait.ge [sflag:s23], $0x1  }
0xa3: {  	[sflag:s23] =	ssyncset.done $0x0  }
0xa4: {  	s25 =	simm.s32 $0x1B8E;
	s24 =	sld [smem:$0x3FFE];
	[sflag:s23] =	ssyncadd.s32 $0xFFFFFFFF  }
0xa5: {  	s26 =	simm.s32 $execute0_lowered;
	[smem:$0x3FD2] =	sst s25  }
0xa6: {  	s5 =	sshll.u32 s26, $0x1;
	_ =	strace $0x80000049;
	[dreg:$0x1] =	wrdreg $0xFFFFFFFF  }
0xa7: {  	s28 =	simm.s32 $_size_execute0_lowered;
	s3 =	sadd.s32 s3, s5;
	[dreg:$0x0] =	wrdreg $0x0  }
0xa8: {  	s5 =	sshll.u32 s28, $0x1;
	[dreg:$0x2] =	wrdreg s3  }
0xa9: {  	[dreg:$0x3] =	wrdreg s5  }
0xaa: {  	[dreg:$0x4] =	wrdreg $0xC0  }
0xab: {  	_ =	task [dreg:s7], $0x5FFFF  }
0xac: {  	[dreg:$0x1] =	wrdreg $0xFFFFFFFF  }
0xad: {  	[dreg:$0x0] =	wrdreg $0x60  }
0xae: {  	[dreg:$0x2] =	wrdreg s24  }
0xaf: {  	[dreg:$0x3] =	wrdreg s2  }
0xb0: {  	[dreg:$0x4] =	wrdreg $0xF7800  }
0xb1: {  	[dreg:$0x5] =	wrdreg $0xD0000  }
0xb2: {  	[dreg:$0x6] =	wrdreg $0x9  }
0xb3: {  	_ =	task.clear_ibuf [dreg:s7], $0x7FFFF;
	_ =	strace $0x90000049  }
0xb4: {  	s29 =	simm.s32 $0x9;
	_ =	strace $0x8000004B  }
0xb5: {  	_ =	swait.ge [sflag:s29], $0x1  }
0xb6: {  	[sflag:s29] =	ssyncadd.s32 $0xFFFFFFFF  }
0xb7: {  	_ =	strace $0x9000004B  }
0xb8: {  	_ =	sfence  }
0xb9: {  	s30 =	sld [smem:$0x0];
	_ =	sdelay $0x2  }
0xba: {  	s31 =	sshll.u32 s1, $0xD;
	s1 =	sshrl.u32 s1, $0x2  }
0xbb: {  	s3 =	sand.u32 $0x4000, s31;
	s1 =	sadd.s32 s1, s30  }
0xbc: {  	s0 =	sor.u32 s3, s0;
	s1 =	sshll.u32 s1, $0x11  }
0xbd: {  	s0 =	sor.u32 s1, s0  }
0xbe: {  	s0 =	sadd.s32 $0x8F2B, s0  }
0xbf: {  	[sflag:s0] =	ssyncadd.remote.s32 $0x1  }
0xc0: {  	_ =	sfence.sel $0xFFFF  }
0xc1: {  	[dreg:$0x0] =	wrdreg $0xFFFFFFFF;
	(pc) =	sbr.abs _section_cstart, $3  }
0xc2: {  	[dreg:$0x1] =	wrdreg $0xFFFFFFFF  }
0xc3: {  	_ =	task.clear_ibuf [dreg:s7], $0x2FFFF;
	_ =	strace $0x9FFFFFFF  }
0xc4: {  	(tm) =	ssettm $0x7FFFFFFF  }
0xc5: {  	_ =	shalt  }
tec
execute0_lowered:
.L_overlay_start_1:
0x0: {  	(tag) =	ssettag $0x1  }
0x1: {  	s0 =	rddreg [dreg:$0x0]  }
0x2: {  	s1 =	rddreg [dreg:$0x1];
	s3 =	srdreg.scid  }
0x3: {  	s11 =	stileid.u32;
	s2 =	rddreg [dreg:$0x2]  }
0x4: {  	s28 =	simm.s32 $0x200;
	s29 =	simm.s32 $0x5000;
	s30 =	simm.s32 $0x7000  }
0x5: {  	s31 =	simm.s32 $0xB000;
	s7 =	sand.u32 $0x1, s3;
	s4 =	sshll.u32 s11, $0x1  }
0x6: {  	s3 =	rddreg [dreg:$0x3];
	s8 =	smul.u32 $0x2780, s11;
	s19 =	sshll.u32 s11, $0x6  }
0x7: {  	s5 =	sor.u32 s7, s4;
	s4 =	simm.s32 $0x0;
	s6 =	ssub.s32 $0x2, s7  }
0x8: {  	s14 =	smul.u32 $0x27800, s7;
	p0 =	sne.s32 s7, $0x0;
	s7 =	simm.s32 $0x3  }
0x9: {  	s5 =	smul.u32 $0x2710, s5;
	[smem:$0x7FF] =	sst s4;
	s18 =	sshrl.u32 s8, $0x3  }
0xa: {  	s10 =	sshrl.u32 s6, $0x1;
	s20 =	sadd.s32 s8, s2;
	_ =	strace $0x8000004A  }
0xb: {  	s10 =	ssub.s32 s6, s10;
	s6 =	sor.u32 $0x1C05, s19;
	s25 =	sadd.s32 s8, s14  }
0xc: {  	s14 =	sadd.s32 s8, s3;
	s19 =	simm.s32 $0x5;
	s8 =	simm.s32 $0x2  }
0xd: {  	s5 =	sshrl.u32 s5, $0x3;
	s26 =	sshrl.u32 s25, $0x3;
	s17 =	smax.u32 s10, $0x1  }
0xe: {  	s25 =	simm.s32 $0x16E00;
	s10 =	simm.s32 $0x0;
	s9 =	sadd.s32 s5, s0  }
0xf: {  	s0 =	sadd.s32 s18, s0;
	s16 =	sadd.s32 s1, s26;
	s18 =	sshrl.u32 s20, $0x3  }
0x10: {  	s20 =	simm.s32 $0x2600;
	s26 =	simm.s32 $0x19580;
	s12 =	sadd.s32 $0x1A00, s9  }
0x11: {  	s1 =	simm.s32 $0x9000;
	s21 =	sadd.s32 $0x1EC0, s9;
	[dreg:$0x5] =	wrdreg s12  }
0x12: {  	s5 =	sadd.s32 $0x15400, s0;
	s22 =	sadd.s32 $0xB640, s9;
	[dreg:$0x6] =	wrdreg s21  }
0x13: {  	s9 =	sadd.s32 $0xBB00, s9;
	s23 =	sadd.s32 $0x1A400, s0;
	[dreg:$0x7] =	wrdreg s22  }
0x14: {  	s24 =	sadd.s32 $0x1F300, s0;
	s13 =	sadd.s32 $0x24200, s0;
	[dreg:$0x8] =	wrdreg s9  }
0x15: {  	s15 =	sadd.s32 $0x29200, s0;
	s0 =	simm.s32 $0x1;
	[dreg:$0x9] =	wrdreg s23  }
0x16: {  	[dreg:$0xa] =	wrdreg s24;
	s21 =	simm.s32 $0x2800;
	s22 =	simm.s32 $0x4E00  }
0x17: {  	v0 =	vimm.s32 $0x0;
	v1 =	vimm.s32 $0x2710;
	v2 =	vlaneseq.u32;
	s23 =	simm.s32 $0x11F00;
	s24 =	simm.s32 $0x14680;
	s9 =	simm.s32 $0x4  }
.LBB2_1:
0x18: {  	[spmem:s18], [sflag:s6] =	dma.local [hbm:s5], $0x4F0  }
0x19: {  	_ =	swait.ge [sflag:s19], $0x4F0  }
0x1a: {  	[sflag:s19] =	ssyncset.done $0x0  }
0x1b: {  	s11 =	rddreg [dreg:$0x5];
	[sflag:s19] =	ssyncadd.s32 $0xFFFFFB10  }
0x1c: {  	[tilespmem:s4], [sflag:$0x5] =	stream.linear.gather [hbm4b:s11+s4], $0x2600, $0x38;
	[tilespmem:$0x1BD00] =	vst v63  }
0x1d: {  	_ =	swait.ge [sflag:s19], $0x2600  }
0x1e: {  	[sflag:s19] =	ssyncset.done $0x0  }
0x1f: {  	s12 =	rddreg [dreg:$0x6];
	[sflag:s19] =	ssyncadd.s32 $0xFFFFDA00  }
0x20: {  	[tilespmem:s20], [sflag:$0x5] =	stream.linear.gather [hbm4b:s12+s4], $0x110, $0x38;
	[tilespmem:$0x1BD00] =	vst v63  }
0x21: {  	_ =	swait.ge [sflag:s19], $0x110  }
0x22: {  	[sflag:s19] =	ssyncset.done $0x0  }
0x23: {  	s12 =	rddreg [dreg:$0x7];
	[sflag:s19] =	ssyncadd.s32 $0xFFFFFEF0  }
0x24: {  	[tilespmem:s21], [sflag:$0x5] =	stream.linear.gather [hbm4b:s12+s4], $0x2600, $0x38;
	[tilespmem:$0x1BD00] =	vst v63  }
0x25: {  	_ =	swait.ge [sflag:s19], $0x2600  }
0x26: {  	[sflag:s19] =	ssyncset.done $0x0  }
0x27: {  	s12 =	rddreg [dreg:$0x8];
	[sflag:s19] =	ssyncadd.s32 $0xFFFFDA00  }
0x28: {  	[tilespmem:s22], [sflag:$0x5] =	stream.linear.gather [hbm4b:s12+s4], $0x110, $0x38;
	[tilespmem:$0x1BD00] =	vst v63  }
0x29: {  	_ =	swait.ge [sflag:s19], $0x110  }
0x2a: {  	[sflag:s19] =	ssyncset.done $0x0  }
0x2b: {  	[sflag:s19] =	ssyncadd.s32 $0xFFFFFEF0  }
0x2c: {  	[tilespmem:$0x2710] =	vst v0  }
0x2d: {  	[tilespmem:$0x4F10] =	vst v1  }
0x2e: {  	[tilespmem:$0x2720] =	vst v0  }
0x2f: {  	[tilespmem:$0x4F20] =	vst v1  }
0x30: {  	[tilespmem:$0x2730] =	vst v0  }
0x31: {  	[tilespmem:$0x4F30] =	vst v1  }
0x32: {  	[tilespmem:$0x2740] =	vst v0  }
0x33: {  	[tilespmem:$0x4F40] =	vst v1  }
0x34: {  	[tilespmem:$0x2750] =	vst v0  }
0x35: {  	[tilespmem:$0x4F50] =	vst v1  }
0x36: {  	[tilespmem:$0x2760] =	vst v0  }
0x37: {  	[tilespmem:$0x4F60] =	vst v1  }
0x38: {  	[tilespmem:$0x2770] =	vst v0  }
0x39: {  	[tilespmem:$0x4F70] =	vst v1  }
0x3a: {  	[tilespmem:$0x2780] =	vst v0  }
0x3b: {  	[tilespmem:$0x4F80] =	vst v1  }
0x3c: {  	[tilespmem:$0x2790] =	vst v0  }
0x3d: {  	[tilespmem:$0x4F90] =	vst v1  }
0x3e: {  	[tilespmem:$0x27A0] =	vst v0  }
0x3f: {  	[tilespmem:$0x4FA0] =	vst v1  }
0x40: {  	[tilespmem:$0x27B0] =	vst v0  }
0x41: {  	[tilespmem:$0x4FB0] =	vst v1  }
0x42: {  	[tilespmem:$0x27C0] =	vst v0  }
0x43: {  	[tilespmem:$0x4FC0] =	vst v1  }
0x44: {  	[tilespmem:$0x27D0] =	vst v0  }
0x45: {  	[tilespmem:$0x4FD0] =	vst v1  }
0x46: {  	[tilespmem:$0x27E0] =	vst v0  }
0x47: {  	[tilespmem:$0x4FE0] =	vst v1  }
0x48: {  	[tilespmem:$0x27F0] =	vst v0  }
0x49: {  	s12 =	rddreg [dreg:$0x9];
	[tilespmem:$0x4FF0] =	vst v1  }
0x4a: {  	[tilespmem:s23], [sflag:$0x5] =	stream.linear.gather [hbm4b:s12+s4], $0x2780, $0x38;
	[tilespmem:$0x1BD00] =	vst v63  }
0x4b: {  	_ =	swait.ge [sflag:s19], $0x2780  }
0x4c: {  	[sflag:s19] =	ssyncset.done $0x0  }
0x4d: {  	s12 =	rddreg [dreg:$0xa];
	[sflag:s19] =	ssyncadd.s32 $0xFFFFD880  }
0x4e: {  	[tilespmem:s24], [sflag:$0x5] =	stream.linear.gather [hbm4b:s12+s4], $0x2780, $0x38;
	[tilespmem:$0x1BD00] =	vst v63  }
0x4f: {  	_ =	swait.ge [sflag:s19], $0x2780  }
0x50: {  	[sflag:s19] =	ssyncset.done $0x0  }
0x51: {  	v3 =	vor.u32 s4, v2;
	[sflag:s19] =	ssyncadd.s32 $0xFFFFD880  }
0x52: {  	vm0 =	vlt.s32 v3, $0x277;
	[tilespmem:s25], [sflag:$0x5] =	stream.linear.gather [hbm4b:s13+s4], $0x2780, $0x38;
	[tilespmem:$0x1BD00] =	vst v63  }
0x53: {  	v3 =	vnsel vm0, $0x277, v3;
	_ =	swait.ge [sflag:s19], $0x2780  }
0x54: {  	v4 =	vshll.u32 v3, $0x4;
	[sflag:s19] =	ssyncset.done $0x0  }
0x55: {  	v5 =	vor.u32 $0x8, v4;
	[sflag:s19] =	ssyncadd.s32 $0xFFFFD880  }
0x56: {  	[tilespmem:s26], [sflag:$0x5] =	stream.linear.gather [hbm4b:s5+s4], $0x2780, $0x38;
	[tilespmem:$0x1BD00] =	vst v63  }
0x57: {  	_ =	swait.ge [sflag:s19], $0x2780  }
0x58: {  	[sflag:s19] =	ssyncset.done $0x0  }
0x59: {  	[sflag:s19] =	ssyncadd.s32 $0xFFFFD880  }
0x5a: {  	v3 =	vld.idx.msk [tilespmem:v5+s23+$0x0], $0xffff  }
0x5b: {  	v6 =	vld.idx.msk [tilespmem:v5+s24+$0x0], $0xffff;
	_ =	sdelay $0x4  }
0x5c: {  	v3 =	vadd.f32 v6, v3;
	_ =	sdelay $0x1  }
0x5d: {  	v3 =	vmax.f32 v3, $1.000000000e+00  }
0x5e: {  	(erf) = vrcp.f32 v3;
	_ =	sdelay $0x8  }
0x5f: {  	v3 =	vpop (erf)  }
0x60: {  	[tilespmem:v5+s26+$0x0] =	vst.idx.msk $0xffff, v3  }
0x61: {  	v5 =	vld.idx.msk [tilespmem:v4+s23+$0x0], $0xffff  }
0x62: {  	v6 =	vld.idx.msk [tilespmem:v4+s24+$0x0], $0xffff;
	_ =	sdelay $0x3  }
0x63: {  	v7 =	vld.idx.msk [tilespmem:v4+s25+$0x0], $0xffff  }
0x64: {  	v5 =	vadd.f32 v6, v5;
	_ =	sdelay $0x1  }
0x65: {  	v5 =	vmul.f32 v5, v3  }
0x66: {  	v6 =	vor.u32 $0x1, v4  }
0x67: {  	v5 =	vadd.f32 v5, v7;
	_ =	sdelay $0x1  }
0x68: {  	v5 =	vmax.f32 v5, $0.0e+00  }
0x69: {  	[tilespmem:v4+s26+$0x0] =	vst.idx.msk $0xffff, v5  }
0x6a: {  	v5 =	vld.idx.msk [tilespmem:v6+s23+$0x0], $0xffff  }
0x6b: {  	v7 =	vld.idx.msk [tilespmem:v6+s24+$0x0], $0xffff;
	_ =	sdelay $0x3  }
0x6c: {  	v8 =	vld.idx.msk [tilespmem:v6+s25+$0x0], $0xffff  }
0x6d: {  	v5 =	vadd.f32 v7, v5;
	_ =	sdelay $0x1  }
0x6e: {  	v5 =	vmul.f32 v5, v3  }
0x6f: {  	v7 =	vor.u32 $0x2, v4  }
0x70: {  	v5 =	vadd.f32 v5, v8;
	_ =	sdelay $0x1  }
0x71: {  	v5 =	vmax.f32 v5, $0.0e+00  }
0x72: {  	[tilespmem:v6+s26+$0x0] =	vst.idx.msk $0xffff, v5  }
0x73: {  	v5 =	vld.idx.msk [tilespmem:v7+s23+$0x0], $0xffff  }
0x74: {  	v6 =	vld.idx.msk [tilespmem:v7+s24+$0x0], $0xffff;
	_ =	sdelay $0x3  }
0x75: {  	v8 =	vld.idx.msk [tilespmem:v7+s25+$0x0], $0xffff  }
0x76: {  	v5 =	vadd.f32 v6, v5;
	_ =	sdelay $0x1  }
0x77: {  	v5 =	vmul.f32 v5, v3  }
0x78: {  	v6 =	vor.u32 $0x3, v4  }
0x79: {  	v5 =	vadd.f32 v5, v8;
	_ =	sdelay $0x1  }
0x7a: {  	v5 =	vmax.f32 v5, $0.0e+00  }
0x7b: {  	[tilespmem:v7+s26+$0x0] =	vst.idx.msk $0xffff, v5  }
0x7c: {  	v5 =	vld.idx.msk [tilespmem:v6+s23+$0x0], $0xffff  }
0x7d: {  	v7 =	vld.idx.msk [tilespmem:v6+s24+$0x0], $0xffff;
	_ =	sdelay $0x3  }
0x7e: {  	v8 =	vld.idx.msk [tilespmem:v6+s25+$0x0], $0xffff  }
0x7f: {  	v5 =	vadd.f32 v7, v5;
	_ =	sdelay $0x1  }
0x80: {  	v5 =	vmul.f32 v5, v3  }
0x81: {  	v7 =	vor.u32 $0x4, v4  }
0x82: {  	v5 =	vadd.f32 v5, v8;
	_ =	sdelay $0x1  }
0x83: {  	v5 =	vmax.f32 v5, $0.0e+00  }
0x84: {  	[tilespmem:v6+s26+$0x0] =	vst.idx.msk $0xffff, v5  }
0x85: {  	v5 =	vld.idx.msk [tilespmem:v7+s23+$0x0], $0xffff  }
0x86: {  	v6 =	vld.idx.msk [tilespmem:v7+s24+$0x0], $0xffff;
	_ =	sdelay $0x3  }
0x87: {  	v8 =	vld.idx.msk [tilespmem:v7+s25+$0x0], $0xffff  }
0x88: {  	v5 =	vadd.f32 v6, v5;
	_ =	sdelay $0x1  }
0x89: {  	v5 =	vmul.f32 v5, v3  }
0x8a: {  	v6 =	vor.u32 $0x5, v4  }
0x8b: {  	v5 =	vadd.f32 v5, v8;
	_ =	sdelay $0x1  }
0x8c: {  	v5 =	vmax.f32 v5, $0.0e+00  }
0x8d: {  	[tilespmem:v7+s26+$0x0] =	vst.idx.msk $0xffff, v5  }
0x8e: {  	v5 =	vld.idx.msk [tilespmem:v6+s23+$0x0], $0xffff  }
0x8f: {  	v7 =	vld.idx.msk [tilespmem:v6+s24+$0x0], $0xffff;
	_ =	sdelay $0x3  }
0x90: {  	v8 =	vld.idx.msk [tilespmem:v6+s25+$0x0], $0xffff  }
0x91: {  	v5 =	vadd.f32 v7, v5;
	_ =	sdelay $0x1  }
0x92: {  	v5 =	vmul.f32 v5, v3  }
0x93: {  	v7 =	vor.u32 $0x6, v4  }
0x94: {  	v5 =	vadd.f32 v5, v8;
	_ =	sdelay $0x1  }
0x95: {  	v5 =	vmax.f32 v5, $0.0e+00  }
0x96: {  	[tilespmem:v6+s26+$0x0] =	vst.idx.msk $0xffff, v5  }
0x97: {  	v5 =	vld.idx.msk [tilespmem:v7+s23+$0x0], $0xffff  }
0x98: {  	v6 =	vld.idx.msk [tilespmem:v7+s24+$0x0], $0xffff;
	_ =	sdelay $0x3  }
0x99: {  	v8 =	vld.idx.msk [tilespmem:v7+s25+$0x0], $0xffff  }
0x9a: {  	v5 =	vadd.f32 v6, v5;
	_ =	sdelay $0x1  }
0x9b: {  	v6 =	vmul.f32 v5, v3  }
0x9c: {  	v5 =	vor.u32 $0x7, v4  }
0x9d: {  	v4 =	vadd.f32 v6, v8;
	_ =	sdelay $0x1  }
0x9e: {  	v4 =	vmax.f32 v4, $0.0e+00  }
0x9f: {  	[tilespmem:v7+s26+$0x0] =	vst.idx.msk $0xffff, v4  }
0xa0: {  	v4 =	vld.idx.msk [tilespmem:v5+s23+$0x0], $0xffff  }
0xa1: {  	v7 =	vld.idx.msk [tilespmem:v5+s24+$0x0], $0xffff  }
0xa2: {  	s11 =	simm.s32 $0x10;
	v6 =	vld.idx.msk [tilespmem:v5+s25+$0x0], $0xffff  }
.LBB2_2:
0xa3: {  	p1 =	sne.s32 s11, $0x270;
	s12 =	smov.u32 s11;
	s11 =	sadd.s32 $0x10, s11  }
0xa4: {  	v8 =	vor.u32 s12, v2  }
0xa5: {  	vm0 =	vlt.s32 v8, $0x277  }
0xa6: {  	v8 =	vnsel vm0, $0x277, v8;
	v7 =	vadd.f32 v7, v4  }
0xa7: {  	v4 =	vshll.u32 v8, $0x4  }
0xa8: {  	v8 =	vor.u32 $0x8, v4;
	v3 =	vmul.f32 v7, v3;
	_ =	sdelay $0x1  }
0xa9: {  	v3 =	vadd.f32 v3, v6;
	_ =	sdelay $0x1  }
0xaa: {  	v3 =	vmax.f32 v3, $0.0e+00  }
0xab: {  	[tilespmem:v5+s26+$0x0] =	vst.idx.msk $0xffff, v3  }
0xac: {  	v3 =	vld.idx.msk [tilespmem:v8+s23+$0x0], $0xffff  }
0xad: {  	v5 =	vld.idx.msk [tilespmem:v8+s24+$0x0], $0xffff;
	_ =	sdelay $0x5  }
0xae: {  	v3 =	vadd.f32 v5, v3;
	_ =	sdelay $0x1  }
0xaf: {  	v3 =	vmax.f32 v3, $1.000000000e+00  }
0xb0: {  	(erf) = vrcp.f32 v3;
	_ =	sdelay $0x8  }
0xb1: {  	v3 =	vpop (erf)  }
0xb2: {  	[tilespmem:v8+s26+$0x0] =	vst.idx.msk $0xffff, v3  }
0xb3: {  	v5 =	vld.idx.msk [tilespmem:v4+s23+$0x0], $0xffff  }
0xb4: {  	v6 =	vld.idx.msk [tilespmem:v4+s24+$0x0], $0xffff;
	_ =	sdelay $0x3  }
0xb5: {  	v7 =	vld.idx.msk [tilespmem:v4+s25+$0x0], $0xffff;
	_ =	sdelay $0x1  }
0xb6: {  	v5 =	vadd.f32 v6, v5;
	_ =	sdelay $0x1  }
0xb7: {  	v5 =	vmul.f32 v5, v3  }
0xb8: {  	v6 =	vor.u32 $0x1, v4  }
0xb9: {  	v5 =	vadd.f32 v5, v7;
	_ =	sdelay $0x1  }
0xba: {  	v5 =	vmax.f32 v5, $0.0e+00  }
0xbb: {  	[tilespmem:v4+s26+$0x0] =	vst.idx.msk $0xffff, v5  }
0xbc: {  	v5 =	vld.idx.msk [tilespmem:v6+s23+$0x0], $0xffff  }
0xbd: {  	v7 =	vld.idx.msk [tilespmem:v6+s24+$0x0], $0xffff;
	_ =	sdelay $0x3  }
0xbe: {  	v8 =	vld.idx.msk [tilespmem:v6+s25+$0x0], $0xffff;
	_ =	sdelay $0x1  }
0xbf: {  	v5 =	vadd.f32 v7, v5;
	_ =	sdelay $0x1  }
0xc0: {  	v5 =	vmul.f32 v5, v3  }
0xc1: {  	v7 =	vor.u32 $0x2, v4  }
0xc2: {  	v5 =	vadd.f32 v5, v8;
	_ =	sdelay $0x1  }
0xc3: {  	v5 =	vmax.f32 v5, $0.0e+00  }
0xc4: {  	[tilespmem:v6+s26+$0x0] =	vst.idx.msk $0xffff, v5  }
0xc5: {  	v5 =	vld.idx.msk [tilespmem:v7+s23+$0x0], $0xffff  }
0xc6: {  	v6 =	vld.idx.msk [tilespmem:v7+s24+$0x0], $0xffff;
	_ =	sdelay $0x3  }
0xc7: {  	v8 =	vld.idx.msk [tilespmem:v7+s25+$0x0], $0xffff;
	_ =	sdelay $0x1  }
0xc8: {  	v5 =	vadd.f32 v6, v5;
	_ =	sdelay $0x1  }
0xc9: {  	v5 =	vmul.f32 v5, v3  }
0xca: {  	v6 =	vor.u32 $0x3, v4  }
0xcb: {  	v5 =	vadd.f32 v5, v8;
	_ =	sdelay $0x1  }
0xcc: {  	v5 =	vmax.f32 v5, $0.0e+00  }
0xcd: {  	[tilespmem:v7+s26+$0x0] =	vst.idx.msk $0xffff, v5  }
0xce: {  	v5 =	vld.idx.msk [tilespmem:v6+s23+$0x0], $0xffff  }
0xcf: {  	v7 =	vld.idx.msk [tilespmem:v6+s24+$0x0], $0xffff;
	_ =	sdelay $0x3  }
0xd0: {  	v8 =	vld.idx.msk [tilespmem:v6+s25+$0x0], $0xffff;
	_ =	sdelay $0x1  }
0xd1: {  	v5 =	vadd.f32 v7, v5;
	_ =	sdelay $0x1  }
0xd2: {  	v5 =	vmul.f32 v5, v3  }
0xd3: {  	v7 =	vor.u32 $0x4, v4  }
0xd4: {  	v5 =	vadd.f32 v5, v8;
	_ =	sdelay $0x1  }
0xd5: {  	v5 =	vmax.f32 v5, $0.0e+00  }
0xd6: {  	[tilespmem:v6+s26+$0x0] =	vst.idx.msk $0xffff, v5  }
0xd7: {  	v5 =	vld.idx.msk [tilespmem:v7+s23+$0x0], $0xffff  }
0xd8: {  	v6 =	vld.idx.msk [tilespmem:v7+s24+$0x0], $0xffff;
	_ =	sdelay $0x3  }
0xd9: {  	v8 =	vld.idx.msk [tilespmem:v7+s25+$0x0], $0xffff;
	_ =	sdelay $0x1  }
0xda: {  	v5 =	vadd.f32 v6, v5;
	_ =	sdelay $0x1  }
0xdb: {  	v5 =	vmul.f32 v5, v3  }
0xdc: {  	v6 =	vor.u32 $0x5, v4  }
0xdd: {  	v5 =	vadd.f32 v5, v8;
	_ =	sdelay $0x1  }
0xde: {  	v5 =	vmax.f32 v5, $0.0e+00  }
0xdf: {  	[tilespmem:v7+s26+$0x0] =	vst.idx.msk $0xffff, v5  }
0xe0: {  	v5 =	vld.idx.msk [tilespmem:v6+s23+$0x0], $0xffff  }
0xe1: {  	v7 =	vld.idx.msk [tilespmem:v6+s24+$0x0], $0xffff  }
0xe2: {  	v8 =	vld.idx.msk [tilespmem:v6+s25+$0x0], $0xffff;
	_ =	sdelay $0x4  }
0xe3: {  	v5 =	vadd.f32 v7, v5;
	_ =	sdelay $0x1  }
0xe4: {  	v5 =	vmul.f32 v5, v3  }
0xe5: {  	v7 =	vor.u32 $0x6, v4  }
0xe6: {  	v5 =	vadd.f32 v5, v8;
	_ =	sdelay $0x1  }
0xe7: {  	v5 =	vmax.f32 v5, $0.0e+00  }
0xe8: {  	[tilespmem:v6+s26+$0x0] =	vst.idx.msk $0xffff, v5  }
0xe9: {  	v5 =	vld.idx.msk [tilespmem:v7+s23+$0x0], $0xffff  }
0xea: {  	v6 =	vld.idx.msk [tilespmem:v7+s24+$0x0], $0xffff  }
0xeb: {  	v8 =	vld.idx.msk [tilespmem:v7+s25+$0x0], $0xffff;
	_ =	sdelay $0x4  }
0xec: {  	v5 =	vadd.f32 v6, v5;
	_ =	sdelay $0x1  }
0xed: {  	v6 =	vmul.f32 v5, v3  }
0xee: {  	v5 =	vor.u32 $0x7, v4  }
0xef: {  	v4 =	vadd.f32 v6, v8;
	_ =	sdelay $0x1  }
.Ltmp0:
0xf0: {  	v4 =	vmax.f32 v4, $0.0e+00;
	(pc) =	sbr.rel @p1 .LBB2_2-.Ltmp0, $4  }
0xf1: {  	[tilespmem:v7+s26+$0x0] =	vst.idx.msk $0xffff, v4  }
0xf2: {  	v4 =	vld.idx.msk [tilespmem:v5+s23+$0x0], $0xffff  }
0xf3: {  	v7 =	vld.idx.msk [tilespmem:v5+s24+$0x0], $0xffff  }
0xf4: {  	v6 =	vld.idx.msk [tilespmem:v5+s25+$0x0], $0xffff  }
0xf5: {  	_ =	sdelay $0x2  }
0xf6: {  	v4 =	vadd.f32 v7, v4;
	_ =	sdelay $0x1  }
0xf7: {  	v3 =	vmul.f32 v4, v3;
	_ =	sdelay $0x1  }
0xf8: {  	v3 =	vadd.f32 v3, v6;
	_ =	sdelay $0x1  }
0xf9: {  	v3 =	vmax.f32 v3, $0.0e+00  }
0xfa: {  	[tilespmem:v5+s26+$0x0] =	vst.idx.msk $0xffff, v3  }
0xfb: {  	[spmem:s14] =	stream.linear.scatter [tilespmem:s26], [sflag:$0x5], $0x2780, $0x38;
	[tilespmem:$0x1BD00] =	vst v63  }
0xfc: {  	_ =	swait.ge [sflag:s19], $0x2780  }
0xfd: {  	[sflag:s19] =	ssyncset.done $0x0  }
0xfe: {  	s11 =	simm.s32 @!p0 $0x0;
	s12 =	simm.s32 @!p0 $0x19580;
	[sflag:s19] =	ssyncadd.s32 $0xFFFFD880  }
0xff: {  	[hbm4b:s15+s11] =	stream.linear.scatter @!p0 [tilespmem:s12], [sflag:$0x5], $0x2780, $0x38;
	[tilespmem:$0x1BD00] =	vst v63  }
0x100: {  	s11 =	simm.s32 @!p0 $0x5  }
0x101: {  	_ =	swait.ge @!p0 [sflag:s11], $0x2780  }
0x102: {  	[sflag:s11] =	ssyncset.done @!p0 $0x0  }
0x103: {  	[sflag:s11] =	ssyncadd.s32 @!p0 $0xFFFFD880  }
0x104: {  	[bflag:$0x0] =	sbarrier.arrive $0xFFFF  }
0x105: {  	[tilespmem:s29], [sflag:$0x1] =	stream.indirect.gather [spmem:s3], $0x10, s4, s28, $0xb8;
	[tilespmem:$0x1BD00] =	vst v63  }
0x106: {  	_ = 	snop  }
0x107: {  	[tilespmem:s30], [sflag:$0x1] =	stream.indirect.gather [spmem:s3], $0x10, s28, s28, $0xb8;
	[tilespmem:$0x1BD00] =	vst v63  }
0x108: {  	s12 =	simm.s32 $0x400  }
0x109: {  	[tilespmem:s1], [sflag:$0x2] =	stream.indirect.gather [spmem:s3], $0x10, s12, s28, $0xb8;
	[tilespmem:$0x1BD00] =	vst v63  }
0x10a: {  	s12 =	simm.s32 $0x600  }
0x10b: {  	[tilespmem:s31], [sflag:$0x2] =	stream.indirect.gather [spmem:s3], $0x10, s12, s28, $0xb8;
	[tilespmem:$0x1BD00] =	vst v63  }
0x10c: {  	_ =	swait.ge [sflag:s0], $0x2000  }
0x10d: {  	[sflag:s0] =	ssyncset.done $0x0  }
0x10e: {  	[sflag:s0] =	ssyncadd.s32 $0xFFFFE000  }
0x10f: {  	_ =	swait.ge [sflag:s0], $0x2000  }
0x110: {  	[sflag:s0] =	ssyncset.done $0x0  }
0x111: {  	[sflag:s0] =	ssyncadd.s32 $0xFFFFE000  }
0x112: {  	[spmem:s2] =	stream.indirect.scatter.add.f32 [tilespmem:s29], [sflag:$0x3], $0x10, s21, s28, $0xb8;
	[tilespmem:$0x1BD00] =	vst v63  }
0x113: {  	s12 =	simm.s32 $0x2A00  }
0x114: {  	[spmem:s2] =	stream.indirect.scatter.add.f32 [tilespmem:s30], [sflag:$0x3], $0x10, s12, s28, $0xb8;
	[tilespmem:$0x1BD00] =	vst v63  }
0x115: {  	_ =	swait.ge [sflag:s7], $0x2000  }
0x116: {  	[sflag:s7] =	ssyncset.done $0x0  }
0x117: {  	[sflag:s7] =	ssyncadd.s32 $0xFFFFE000  }
0x118: {  	_ =	swait.ge [sflag:s7], $0x2000  }
0x119: {  	[sflag:s7] =	ssyncset.done $0x0  }
0x11a: {  	s12 =	simm.s32 $0x800;
	[sflag:s7] =	ssyncadd.s32 $0xFFFFE000  }
0x11b: {  	[tilespmem:s29], [sflag:$0x1] =	stream.indirect.gather [spmem:s3], $0x10, s12, s28, $0xb8;
	[tilespmem:$0x1BD00] =	vst v63  }
0x11c: {  	s12 =	simm.s32 $0xA00  }
0x11d: {  	[tilespmem:s30], [sflag:$0x1] =	stream.indirect.gather [spmem:s3], $0x10, s12, s28, $0xb8;
	[tilespmem:$0x1BD00] =	vst v63  }
0x11e: {  	_ =	swait.ge [sflag:s8], $0x2000  }
0x11f: {  	[sflag:s8] =	ssyncset.done $0x0  }
0x120: {  	[sflag:s8] =	ssyncadd.s32 $0xFFFFE000  }
0x121: {  	_ =	swait.ge [sflag:s8], $0x2000  }
0x122: {  	[sflag:s8] =	ssyncset.done $0x0  }
0x123: {  	s12 =	simm.s32 $0x2C00;
	[sflag:s8] =	ssyncadd.s32 $0xFFFFE000  }
0x124: {  	[spmem:s2] =	stream.indirect.scatter.add.f32 [tilespmem:s1], [sflag:$0x4], $0x10, s12, s28, $0xb8;
	[tilespmem:$0x1BD00] =	vst v63  }
0x125: {  	s12 =	simm.s32 $0x2E00  }
0x126: {  	[spmem:s2] =	stream.indirect.scatter.add.f32 [tilespmem:s31], [sflag:$0x4], $0x10, s12, s28, $0xb8;
	[tilespmem:$0x1BD00] =	vst v63  }
0x127: {  	_ =	swait.ge [sflag:s9], $0x2000  }
0x128: {  	[sflag:s9] =	ssyncset.done $0x0  }
0x129: {  	[sflag:s9] =	ssyncadd.s32 $0xFFFFE000  }
0x12a: {  	_ =	swait.ge [sflag:s9], $0x2000  }
0x12b: {  	[sflag:s9] =	ssyncset.done $0x0  }
0x12c: {  	s12 =	simm.s32 $0xC00;
	[sflag:s9] =	ssyncadd.s32 $0xFFFFE000  }
0x12d: {  	[tilespmem:s1], [sflag:$0x2] =	stream.indirect.gather [spmem:s3], $0x10, s12, s28, $0xb8;
	[tilespmem:$0x1BD00] =	vst v63  }
0x12e: {  	s12 =	simm.s32 $0xE00  }
0x12f: {  	[tilespmem:s31], [sflag:$0x2] =	stream.indirect.gather [spmem:s3], $0x10, s12, s28, $0xb8;
	[tilespmem:$0x1BD00] =	vst v63  }
0x130: {  	_ =	swait.ge [sflag:s0], $0x2000  }
0x131: {  	[sflag:s0] =	ssyncset.done $0x0  }
0x132: {  	[sflag:s0] =	ssyncadd.s32 $0xFFFFE000  }
0x133: {  	_ =	swait.ge [sflag:s0], $0x2000  }
0x134: {  	[sflag:s0] =	ssyncset.done $0x0  }
0x135: {  	s12 =	simm.s32 $0x3000;
	[sflag:s0] =	ssyncadd.s32 $0xFFFFE000  }
0x136: {  	[spmem:s2] =	stream.indirect.scatter.add.f32 [tilespmem:s29], [sflag:$0x3], $0x10, s12, s28, $0xb8;
	[tilespmem:$0x1BD00] =	vst v63  }
0x137: {  	s12 =	simm.s32 $0x3200  }
0x138: {  	[spmem:s2] =	stream.indirect.scatter.add.f32 [tilespmem:s30], [sflag:$0x3], $0x10, s12, s28, $0xb8;
	[tilespmem:$0x1BD00] =	vst v63  }
0x139: {  	_ =	swait.ge [sflag:s7], $0x2000  }
0x13a: {  	[sflag:s7] =	ssyncset.done $0x0  }
0x13b: {  	[sflag:s7] =	ssyncadd.s32 $0xFFFFE000  }
0x13c: {  	_ =	swait.ge [sflag:s7], $0x2000  }
0x13d: {  	[sflag:s7] =	ssyncset.done $0x0  }
0x13e: {  	s12 =	simm.s32 $0x1000;
	[sflag:s7] =	ssyncadd.s32 $0xFFFFE000  }
0x13f: {  	[tilespmem:s29], [sflag:$0x1] =	stream.indirect.gather [spmem:s3], $0x10, s12, s28, $0xb8;
	[tilespmem:$0x1BD00] =	vst v63  }
0x140: {  	s12 =	simm.s32 $0x1200  }
0x141: {  	[tilespmem:s30], [sflag:$0x1] =	stream.indirect.gather [spmem:s3], $0x10, s12, s28, $0xb8;
	[tilespmem:$0x1BD00] =	vst v63  }
0x142: {  	_ =	swait.ge [sflag:s8], $0x2000  }
0x143: {  	[sflag:s8] =	ssyncset.done $0x0  }
0x144: {  	[sflag:s8] =	ssyncadd.s32 $0xFFFFE000  }
0x145: {  	_ =	swait.ge [sflag:s8], $0x2000  }
0x146: {  	[sflag:s8] =	ssyncset.done $0x0  }
0x147: {  	s12 =	simm.s32 $0x3400;
	[sflag:s8] =	ssyncadd.s32 $0xFFFFE000  }
0x148: {  	[spmem:s2] =	stream.indirect.scatter.add.f32 [tilespmem:s1], [sflag:$0x4], $0x10, s12, s28, $0xb8;
	[tilespmem:$0x1BD00] =	vst v63  }
0x149: {  	s12 =	simm.s32 $0x3600  }
0x14a: {  	[spmem:s2] =	stream.indirect.scatter.add.f32 [tilespmem:s31], [sflag:$0x4], $0x10, s12, s28, $0xb8;
	[tilespmem:$0x1BD00] =	vst v63  }
0x14b: {  	_ =	swait.ge [sflag:s9], $0x2000  }
0x14c: {  	[sflag:s9] =	ssyncset.done $0x0  }
0x14d: {  	[sflag:s9] =	ssyncadd.s32 $0xFFFFE000  }
0x14e: {  	_ =	swait.ge [sflag:s9], $0x2000  }
0x14f: {  	[sflag:s9] =	ssyncset.done $0x0  }
0x150: {  	s12 =	simm.s32 $0x1400;
	[sflag:s9] =	ssyncadd.s32 $0xFFFFE000  }
0x151: {  	[tilespmem:s1], [sflag:$0x2] =	stream.indirect.gather [spmem:s3], $0x10, s12, s28, $0xb8;
	[tilespmem:$0x1BD00] =	vst v63  }
0x152: {  	s12 =	simm.s32 $0x1600  }
0x153: {  	[tilespmem:s31], [sflag:$0x2] =	stream.indirect.gather [spmem:s3], $0x10, s12, s28, $0xb8;
	[tilespmem:$0x1BD00] =	vst v63  }
0x154: {  	_ =	swait.ge [sflag:s0], $0x2000  }
0x155: {  	[sflag:s0] =	ssyncset.done $0x0  }
0x156: {  	[sflag:s0] =	ssyncadd.s32 $0xFFFFE000  }
0x157: {  	_ =	swait.ge [sflag:s0], $0x2000  }
0x158: {  	[sflag:s0] =	ssyncset.done $0x0  }
0x159: {  	s12 =	simm.s32 $0x3800;
	[sflag:s0] =	ssyncadd.s32 $0xFFFFE000  }
0x15a: {  	[spmem:s2] =	stream.indirect.scatter.add.f32 [tilespmem:s29], [sflag:$0x3], $0x10, s12, s28, $0xb8;
	[tilespmem:$0x1BD00] =	vst v63  }
0x15b: {  	s12 =	simm.s32 $0x3A00  }
0x15c: {  	[spmem:s2] =	stream.indirect.scatter.add.f32 [tilespmem:s30], [sflag:$0x3], $0x10, s12, s28, $0xb8;
	[tilespmem:$0x1BD00] =	vst v63  }
0x15d: {  	_ =	swait.ge [sflag:s7], $0x2000  }
0x15e: {  	[sflag:s7] =	ssyncset.done $0x0  }
0x15f: {  	[sflag:s7] =	ssyncadd.s32 $0xFFFFE000  }
0x160: {  	_ =	swait.ge [sflag:s7], $0x2000  }
0x161: {  	[sflag:s7] =	ssyncset.done $0x0  }
0x162: {  	s12 =	simm.s32 $0x1800;
	[sflag:s7] =	ssyncadd.s32 $0xFFFFE000  }
0x163: {  	[tilespmem:s29], [sflag:$0x1] =	stream.indirect.gather [spmem:s3], $0x10, s12, s28, $0xb8;
	[tilespmem:$0x1BD00] =	vst v63  }
0x164: {  	s12 =	simm.s32 $0x1A00  }
0x165: {  	[tilespmem:s30], [sflag:$0x1] =	stream.indirect.gather [spmem:s3], $0x10, s12, s28, $0xb8;
	[tilespmem:$0x1BD00] =	vst v63  }
0x166: {  	_ =	swait.ge [sflag:s8], $0x2000  }
0x167: {  	[sflag:s8] =	ssyncset.done $0x0  }
0x168: {  	[sflag:s8] =	ssyncadd.s32 $0xFFFFE000  }
0x169: {  	_ =	swait.ge [sflag:s8], $0x2000  }
0x16a: {  	[sflag:s8] =	ssyncset.done $0x0  }
0x16b: {  	s12 =	simm.s32 $0x3C00;
	[sflag:s8] =	ssyncadd.s32 $0xFFFFE000  }
0x16c: {  	[spmem:s2] =	stream.indirect.scatter.add.f32 [tilespmem:s1], [sflag:$0x4], $0x10, s12, s28, $0xb8;
	[tilespmem:$0x1BD00] =	vst v63  }
0x16d: {  	s12 =	simm.s32 $0x3E00  }
0x16e: {  	[spmem:s2] =	stream.indirect.scatter.add.f32 [tilespmem:s31], [sflag:$0x4], $0x10, s12, s28, $0xb8;
	[tilespmem:$0x1BD00] =	vst v63  }
0x16f: {  	_ =	swait.ge [sflag:s9], $0x2000  }
0x170: {  	[sflag:s9] =	ssyncset.done $0x0  }
0x171: {  	[sflag:s9] =	ssyncadd.s32 $0xFFFFE000  }
0x172: {  	_ =	swait.ge [sflag:s9], $0x2000  }
0x173: {  	[sflag:s9] =	ssyncset.done $0x0  }
0x174: {  	s12 =	simm.s32 $0x1C00;
	[sflag:s9] =	ssyncadd.s32 $0xFFFFE000  }
0x175: {  	[tilespmem:s1], [sflag:$0x2] =	stream.indirect.gather [spmem:s3], $0x10, s12, s28, $0xb8;
	[tilespmem:$0x1BD00] =	vst v63  }
0x176: {  	s12 =	simm.s32 $0x1E00  }
0x177: {  	[tilespmem:s31], [sflag:$0x2] =	stream.indirect.gather [spmem:s3], $0x10, s12, s28, $0xb8;
	[tilespmem:$0x1BD00] =	vst v63  }
0x178: {  	_ =	swait.ge [sflag:s0], $0x2000  }
0x179: {  	[sflag:s0] =	ssyncset.done $0x0  }
0x17a: {  	[sflag:s0] =	ssyncadd.s32 $0xFFFFE000  }
0x17b: {  	_ =	swait.ge [sflag:s0], $0x2000  }
0x17c: {  	[sflag:s0] =	ssyncset.done $0x0  }
0x17d: {  	s12 =	simm.s32 $0x4000;
	[sflag:s0] =	ssyncadd.s32 $0xFFFFE000  }
0x17e: {  	[spmem:s2] =	stream.indirect.scatter.add.f32 [tilespmem:s29], [sflag:$0x3], $0x10, s12, s28, $0xb8;
	[tilespmem:$0x1BD00] =	vst v63  }
0x17f: {  	s12 =	simm.s32 $0x4200  }
0x180: {  	[spmem:s2] =	stream.indirect.scatter.add.f32 [tilespmem:s30], [sflag:$0x3], $0x10, s12, s28, $0xb8;
	[tilespmem:$0x1BD00] =	vst v63  }
0x181: {  	_ =	swait.ge [sflag:s7], $0x2000  }
0x182: {  	[sflag:s7] =	ssyncset.done $0x0  }
0x183: {  	[sflag:s7] =	ssyncadd.s32 $0xFFFFE000  }
0x184: {  	_ =	swait.ge [sflag:s7], $0x2000  }
0x185: {  	[sflag:s7] =	ssyncset.done $0x0  }
0x186: {  	s12 =	simm.s32 $0x2000;
	[sflag:s7] =	ssyncadd.s32 $0xFFFFE000  }
0x187: {  	[tilespmem:s29], [sflag:$0x1] =	stream.indirect.gather [spmem:s3], $0x10, s12, s28, $0xb8;
	[tilespmem:$0x1BD00] =	vst v63  }
0x188: {  	s12 =	simm.s32 $0x2200  }
0x189: {  	[tilespmem:s30], [sflag:$0x1] =	stream.indirect.gather [spmem:s3], $0x10, s12, s28, $0xb8;
	[tilespmem:$0x1BD00] =	vst v63  }
0x18a: {  	_ =	swait.ge [sflag:s8], $0x2000  }
0x18b: {  	[sflag:s8] =	ssyncset.done $0x0  }
0x18c: {  	[sflag:s8] =	ssyncadd.s32 $0xFFFFE000  }
0x18d: {  	_ =	swait.ge [sflag:s8], $0x2000  }
0x18e: {  	[sflag:s8] =	ssyncset.done $0x0  }
0x18f: {  	s12 =	simm.s32 $0x4400;
	[sflag:s8] =	ssyncadd.s32 $0xFFFFE000  }
0x190: {  	[spmem:s2] =	stream.indirect.scatter.add.f32 [tilespmem:s1], [sflag:$0x4], $0x10, s12, s28, $0xb8;
	[tilespmem:$0x1BD00] =	vst v63  }
0x191: {  	s12 =	simm.s32 $0x4600  }
0x192: {  	[spmem:s2] =	stream.indirect.scatter.add.f32 [tilespmem:s31], [sflag:$0x4], $0x10, s12, s28, $0xb8;
	[tilespmem:$0x1BD00] =	vst v63  }
0x193: {  	_ =	swait.ge [sflag:s9], $0x2000  }
0x194: {  	[sflag:s9] =	ssyncset.done $0x0  }
0x195: {  	[sflag:s9] =	ssyncadd.s32 $0xFFFFE000  }
0x196: {  	_ =	swait.ge [sflag:s9], $0x2000  }
0x197: {  	[sflag:s9] =	ssyncset.done $0x0  }
0x198: {  	s12 =	simm.s32 $0x2400;
	[sflag:s9] =	ssyncadd.s32 $0xFFFFE000  }
0x199: {  	[tilespmem:s1], [sflag:$0x2] =	stream.indirect.gather [spmem:s3], $0x10, s12, s28, $0xb8;
	[tilespmem:$0x1BD00] =	vst v63  }
0x19a: {  	_ = 	snop  }
0x19b: {  	[tilespmem:s31], [sflag:$0x2] =	stream.indirect.gather [spmem:s3], $0x10, s20, s28, $0xb8;
	[tilespmem:$0x1BD00] =	vst v63  }
0x19c: {  	_ =	swait.ge [sflag:s0], $0x2000  }
0x19d: {  	[sflag:s0] =	ssyncset.done $0x0  }
0x19e: {  	[sflag:s0] =	ssyncadd.s32 $0xFFFFE000  }
0x19f: {  	_ =	swait.ge [sflag:s0], $0x2000  }
0x1a0: {  	[sflag:s0] =	ssyncset.done $0x0  }
0x1a1: {  	s12 =	simm.s32 $0x4800;
	[sflag:s0] =	ssyncadd.s32 $0xFFFFE000  }
0x1a2: {  	[spmem:s2] =	stream.indirect.scatter.add.f32 [tilespmem:s29], [sflag:$0x3], $0x10, s12, s28, $0xb8;
	[tilespmem:$0x1BD00] =	vst v63  }
0x1a3: {  	s12 =	simm.s32 $0x4A00  }
0x1a4: {  	[spmem:s2] =	stream.indirect.scatter.add.f32 [tilespmem:s30], [sflag:$0x3], $0x10, s12, s28, $0xb8;
	[tilespmem:$0x1BD00] =	vst v63  }
0x1a5: {  	_ =	swait.ge [sflag:s7], $0x2000  }
0x1a6: {  	[sflag:s7] =	ssyncset.done $0x0  }
0x1a7: {  	[sflag:s7] =	ssyncadd.s32 $0xFFFFE000  }
0x1a8: {  	_ =	swait.ge [sflag:s7], $0x2000  }
0x1a9: {  	[sflag:s7] =	ssyncset.done $0x0  }
0x1aa: {  	[sflag:s7] =	ssyncadd.s32 $0xFFFFE000  }
0x1ab: {  	[tilespmem:s29], [sflag:$0x1] =	stream.indirect.gather [spmem:s3], $0x10, s20, s28, $0xb8;
	[tilespmem:$0x1BD00] =	vst v63  }
0x1ac: {  	_ = 	snop  }
0x1ad: {  	[tilespmem:s30], [sflag:$0x1] =	stream.indirect.gather [spmem:s3], $0x10, s20, s28, $0xb8;
	[tilespmem:$0x1BD00] =	vst v63  }
0x1ae: {  	_ =	swait.ge [sflag:s8], $0x2000  }
0x1af: {  	[sflag:s8] =	ssyncset.done $0x0  }
0x1b0: {  	[sflag:s8] =	ssyncadd.s32 $0xFFFFE000  }
0x1b1: {  	_ =	swait.ge [sflag:s8], $0x2000  }
0x1b2: {  	[sflag:s8] =	ssyncset.done $0x0  }
0x1b3: {  	s12 =	simm.s32 $0x4C00;
	[sflag:s8] =	ssyncadd.s32 $0xFFFFE000  }
0x1b4: {  	[spmem:s2] =	stream.indirect.scatter.add.f32 [tilespmem:s1], [sflag:$0x4], $0x10, s12, s28, $0xb8;
	[tilespmem:$0x1BD00] =	vst v63  }
0x1b5: {  	_ = 	snop  }
0x1b6: {  	[spmem:s2] =	stream.indirect.scatter.add.f32 [tilespmem:s31], [sflag:$0x4], $0x10, s22, s28, $0xb8;
	[tilespmem:$0x1BD00] =	vst v63  }
0x1b7: {  	_ =	swait.ge [sflag:s9], $0x2000  }
0x1b8: {  	[sflag:s9] =	ssyncset.done $0x0  }
0x1b9: {  	[sflag:s9] =	ssyncadd.s32 $0xFFFFE000  }
0x1ba: {  	_ =	swait.ge [sflag:s9], $0x2000  }
0x1bb: {  	[sflag:s9] =	ssyncset.done $0x0  }
0x1bc: {  	[sflag:s9] =	ssyncadd.s32 $0xFFFFE000  }
0x1bd: {  	_ =	swait.ge [sflag:s0], $0x2000  }
0x1be: {  	[sflag:s0] =	ssyncset.done $0x0  }
0x1bf: {  	[sflag:s0] =	ssyncadd.s32 $0xFFFFE000  }
0x1c0: {  	_ =	swait.ge [sflag:s0], $0x2000  }
0x1c1: {  	s10 =	sadd.s32 $0x1, s10;
	[sflag:s0] =	ssyncset.done $0x0  }
0x1c2: {  	p1 =	sne.s32 s10, s17;
	[sflag:s0] =	ssyncadd.s32 $0xFFFFE000  }
.Ltmp1:
0x1c3: {  	[bflag:$0x0] =	sbarrier.arrive $0xFFFF;
	(pc) =	sbr.rel @p1 .LBB2_1-.Ltmp1, $4  }
0x1c4: {  	[hbm:s16], [sflag:s6] =	dma.local [spmem:s18], $0x4F0  }
0x1c5: {  	_ =	swait.ge [sflag:s19], $0x4F0  }
0x1c6: {  	[sflag:s19] =	ssyncset.done $0x0  }
0x1c7: {  	[sflag:s19] =	ssyncadd.s32 $0xFFFFFB10  }
0x1c8: {  	_ =	sfence.sel $0x180000  }
0x1c9: {  	[bflag:$0x0] =	sbarrier.arrive $0xFFFF  }
0x1ca: {  	_ =	strace $0x9000004A  }
0x1cb: {  	s0 =	stileid.u32;
	[bflag:$0x2] =	sbarrier.arrive $0xFFFF  }
0x1cc: {  	p0 =	sne.s32 s0, $0x0;
	s0 =	rddreg [dreg:$0x4]  }
0x1cd: {  	s0 =	sadd.s32 @!p0 $0x100000, s0  }
0x1ce: {  	[sflag:s0] =	ssyncadd.tile.s32 @!p0 $0x1;
	_ =	shalt  }
.Lfunc_end2:
_tile_overlayer_lowered:
.L_overlay_start_2:
0x1cf: {  	(tag) =	ssettag $0x2  }
0x1d0: {  	s0 =	rddreg [dreg:$0x0];
	s2 =	stileid.u32  }
0x1d1: {  	s1 =	rddreg [dreg:$0x1];
	p0 =	sne.s32 s2, $0x0  }
0x1d2: {  	s3 =	rddreg [dreg:$0x2];
	[bflag:$0x3] =	sbarrier.arrive $0xFFFF;
	s2 =	simm.s32 @!p0 $0x1C05  }
0x1d3: {  	[timem:s3], [sflag:s2] =	dma.local @!p0 [hbm:s0], s1  }
0x1d4: {  	s0 =	simm.s32 @!p0 $0x5  }
0x1d5: {  	_ =	swait.ge @!p0 [sflag:s0], s1  }
0x1d6: {  	s1 =	ssub.s32 @!p0 $0x0, s1;
	[sflag:s0] =	ssyncset.done @!p0 $0x0  }
0x1d7: {  	[sflag:s0] =	ssyncadd.s32 @!p0 s1  }
0x1d8: {  	[bflag:$0x3] =	sbarrier.arrive $0xFFFF  }
0x1d9: {  	_ =	shalt  }

</sc_bundles>
